<compile_context>
chip_gen: v7x
topology: tpu7x:2x2x1
jax: 0.10.2.dev20260603
libtpu: 0.0.44.dev20260713+nightly
codegen_flags: <defaults>
</compile_context>

<pallas_src>
import functools

import jax
import jax.numpy as jnp
from jax import lax
from jax.experimental import pallas as pl
from jax.experimental.pallas import tpu as pltpu
from jax.experimental.pallas import tpu_sc as plsc

EMBED_DIM = 64
VOCAB = 102
NC, NS = 2, 16
NW = NC * NS
LANES = 16


def _make_lookup(B: int, L: int):
    bw = B // NW
    npair = L // 2
    groups = bw // LANES
    mesh = plsc.VectorSubcoreMesh(core_axis_name="c", subcore_axis_name="s")

    @functools.partial(
        pl.kernel,
        mesh=mesh,
        out_type=jax.ShapeDtypeStruct((L, EMBED_DIM, B), jnp.float32),
        compiler_params=pltpu.CompilerParams(needs_layout_passes=False),
        scratch_types=[
            pltpu.VMEM((EMBED_DIM * VOCAB,), jnp.float32),
            pltpu.VMEM((2 * 512,), jnp.int32),
            pltpu.VMEM((2, EMBED_DIM, 512), jnp.float32),
            pltpu.SemaphoreType.DMA,
            pltpu.SemaphoreType.DMA,
            pltpu.SemaphoreType.DMA,
            pltpu.SemaphoreType.DMA,
        ],
    )
    def lookup(xt_hbm, tabt_hbm, out_hbm, tab_v, idx_v, rows_v, i0, i1, o0, o1):
        wid = lax.axis_index("s") * NC + lax.axis_index("c")
        b_base = wid * bw
        ibuf = [idx_v.at[pl.ds(0, bw)], idx_v.at[pl.ds(bw, bw)]]
        rbuf = [rows_v.at[0], rows_v.at[1]]
        isem = [i0, i1]
        osem = [o0, o1]

        def idx_desc(l, buf):
            off = pl.multiple_of(l * B + b_base, 8)
            return pltpu.make_async_copy(
                xt_hbm.at[pl.ds(off, bw)], ibuf[buf], isem[buf]
            )

        def out_desc(l, buf):
            return pltpu.make_async_copy(
                rbuf[buf],
                out_hbm.at[l, :, pl.ds(b_base, bw)],
                osem[buf],
            )

        def compute(buf):
            idx_ref = ibuf[buf]
            rows_ref = rbuf[buf]

            def group(g, _):
                bb = g * LANES
                xg = idx_ref[pl.ds(bb, LANES)]
                for c0 in range(0, EMBED_DIM, 8):
                    vals = [
                        plsc.load_gather(tab_v, [xg + (c0 + c) * VOCAB])
                        for c in range(8)
                    ]
                    for c, v in enumerate(vals):
                        rows_ref[c0 + c, pl.ds(bb, LANES)] = v
                return ()

            lax.fori_loop(0, groups, group, (), unroll=False)

        pltpu.sync_copy(tabt_hbm, tab_v)
        idx_desc(0, 0).start()
        idx_desc(1, 1).start()

        def pair(p, _):
            for side in range(2):
                l = 2 * p + side
                idx_desc(l, side).wait()

                @pl.when(p > 0)
                def _():
                    out_desc(l - 2, side).wait()

                compute(side)

                @pl.when(p < npair - 1)
                def _():
                    idx_desc(l + 2, side).start()

                out_desc(l, side).start()
            return ()

        lax.fori_loop(0, npair, pair, (), unroll=False)
        out_desc(L - 2, 0).wait()
        out_desc(L - 1, 1).wait()

    return lookup


def kernel(x, token_embedding):
    B, L = x.shape
    xt = x.astype(jnp.int32).T.reshape(L * B)
    tabt = token_embedding.T.reshape(EMBED_DIM * VOCAB)
    out = _make_lookup(B, L)(xt, tabt)
    return jnp.transpose(out, (2, 0, 1))

# --- scband reference (transcript-rebuilt; emitter-appended) ---
"""Pipeline reference for scband-value-encoder-77549929497007 (READ-ONLY COPY).

The authoritative reference and input builder live on the scoring server;
editing this copy changes nothing except your own understanding.
"""

import jax, jax.numpy as jnp
import numpy as np

NBINS = 100
EMBED_DIM = 64
VOCAB = max(NBINS + 2, 2)  # 102
B, L = 16384, 200


def setup_inputs(seed: int = 0) -> dict:
    key = jax.random.key(seed)
    k1, k2 = jax.random.split(key)
    # integer binned expression values -> embedding path of ValueEncoder
    x = jax.random.randint(k1, (B, L), 0, VOCAB, dtype=jnp.int64)
    # learned embedding table (nn.Embedding weight), N(0,1) like torch default
    token_embedding = jax.random.normal(k2, (VOCAB, EMBED_DIM), dtype=jnp.float32)
    return {"x": x, "token_embedding": token_embedding}


def reference(x, token_embedding):
    # x is integer dtype -> torch.is_floating_point(x) is False,
    # so forward reduces to: self.token_embedding(x.long())
    return jnp.take(token_embedding, x.astype(jnp.int32), axis=0)

if __name__ == "__main__":
    import jax
    _d = setup_inputs()
    print(jax.jit(kernel)(*tuple(_d.values())))

</pallas_src>

<mosaic_0001>
#map = affine_map<(d0, d1) -> (0)>
#map1 = affine_map<(d0, d1) -> (0, 0, 0)>
module attributes {stable_mosaic.version = 14 : i64} {
  func.func @lookup(%arg0: i32, %arg1: i32, %arg2: memref<3276800xi32, #tpu.memory_space<hbm>>, %arg3: memref<6528xf32, #tpu.memory_space<hbm>>, %arg4: memref<200x64x16384xf32, #tpu.memory_space<hbm>>, %arg5: memref<6528xf32, #tpu.memory_space<vmem>>, %arg6: memref<1024xi32, #tpu.memory_space<vmem>>, %arg7: memref<2x64x512xf32, #tpu.memory_space<vmem>>, %arg8: memref<!tpu.dma_semaphore, #tpu.memory_space<semaphore_mem>>, %arg9: memref<!tpu.dma_semaphore, #tpu.memory_space<semaphore_mem>>, %arg10: memref<!tpu.dma_semaphore, #tpu.memory_space<semaphore_mem>>, %arg11: memref<!tpu.dma_semaphore, #tpu.memory_space<semaphore_mem>>) attributes {dimension_semantics = [#tpu.dimension_semantics<core_parallel>, #tpu.dimension_semantics<subcore_parallel>], iteration_bounds = array<i64: 2, 16>, scalar_prefetch = 0 : i64, scratch_operands = 7 : i64, tpu.core_type = #tpu.core_type<sc_vector_subcore>, window_params = [{transform_indices = #map}, {transform_indices = #map}, {transform_indices = #map1}]} {
    %mul3A = arith.constant 2 : i32
    %mul3A_0 = arith.muli %arg1, %mul3A : i32
    %add3A = arith.addi %mul3A_0, %arg0 : i32
    %mul3A_1 = arith.constant 512 : i32
    %mul3A_2 = arith.muli %add3A, %mul3A_1 : i32
    "tpu.region"() ({
      %run_scoped3A = tpu.sem_alloc : memref<!tpu.dma_semaphore, #tpu.memory_space<semaphore_mem>>
      tpu.enqueue_dma source(%arg3 : memref<6528xf32, #tpu.memory_space<hbm>>) target(%arg5 : memref<6528xf32, #tpu.memory_space<vmem>>) target_semaphore(%run_scoped3A : memref<!tpu.dma_semaphore, #tpu.memory_space<semaphore_mem>>)
      tpu.wait_dma2 semaphore(%run_scoped3A : memref<!tpu.dma_semaphore, #tpu.memory_space<semaphore_mem>>) src(%arg3 : memref<6528xf32, #tpu.memory_space<hbm>>) dst(%arg5 : memref<6528xf32, #tpu.memory_space<vmem>>)
      tpu.yield
    }) : () -> ()
    %add3A_3 = arith.constant 0 : i32
    %add3A_4 = arith.addi %add3A_3, %mul3A_2 : i32
    %multiple_of3A = tpu.assume_multiple %add3A_4, 8 : i32
    %dma_start3A = arith.constant 0 : i32
    %dma_start3A_5 = tpu.memref_slice %arg6[%dma_start3A] : memref<1024xi32, #tpu.memory_space<vmem>> -> memref<512xi32, #tpu.memory_space<vmem>>
    %dma_start3A_6 = tpu.memref_slice %arg2[%multiple_of3A] : memref<3276800xi32, #tpu.memory_space<hbm>> -> memref<512xi32, #tpu.memory_space<hbm>>
    %dma_start3A_7 = arith.constant 0 : i32
    %dma_start3A_8 = tpu.memref_slice %arg6[%dma_start3A_7] : memref<1024xi32, #tpu.memory_space<vmem>> -> memref<512xi32, #tpu.memory_space<vmem>>
    %dma_start3A_9 = tpu.memref_slice %arg2[%multiple_of3A] : memref<3276800xi32, #tpu.memory_space<hbm>> -> memref<512xi32, #tpu.memory_space<hbm>>
    tpu.enqueue_dma source(%dma_start3A_9 : memref<512xi32, #tpu.memory_space<hbm>>) target(%dma_start3A_8 : memref<512xi32, #tpu.memory_space<vmem>>) target_semaphore(%arg8 : memref<!tpu.dma_semaphore, #tpu.memory_space<semaphore_mem>>)
    %add3A_10 = arith.constant 16384 : i32
    %add3A_11 = arith.addi %add3A_10, %mul3A_2 : i32
    %multiple_of3A_12 = tpu.assume_multiple %add3A_11, 8 : i32
    %dma_start3A_13 = arith.constant 512 : i32
    %dma_start3A_14 = tpu.memref_slice %arg6[%dma_start3A_13] : memref<1024xi32, #tpu.memory_space<vmem>> -> memref<512xi32, #tpu.memory_space<vmem>>
    %dma_start3A_15 = tpu.memref_slice %arg2[%multiple_of3A_12] : memref<3276800xi32, #tpu.memory_space<hbm>> -> memref<512xi32, #tpu.memory_space<hbm>>
    %dma_start3A_16 = arith.constant 512 : i32
    %dma_start3A_17 = tpu.memref_slice %arg6[%dma_start3A_16] : memref<1024xi32, #tpu.memory_space<vmem>> -> memref<512xi32, #tpu.memory_space<vmem>>
    %dma_start3A_18 = tpu.memref_slice %arg2[%multiple_of3A_12] : memref<3276800xi32, #tpu.memory_space<hbm>> -> memref<512xi32, #tpu.memory_space<hbm>>
    tpu.enqueue_dma source(%dma_start3A_18 : memref<512xi32, #tpu.memory_space<hbm>>) target(%dma_start3A_17 : memref<512xi32, #tpu.memory_space<vmem>>) target_semaphore(%arg9 : memref<!tpu.dma_semaphore, #tpu.memory_space<semaphore_mem>>)
    %scan3A = arith.constant 0 : i32
    %scan3A_19 = arith.constant 1 : i32
    %scan3A_20 = arith.constant 0 : i32
    %scan3A_21 = arith.constant 100 : i32
    %scan3A_22 = arith.addi %scan3A_20, %scan3A_21 : i32
    %scan3A_23 = arith.constant 1 : i32
    scf.for %scan3A_56 = %scan3A_20 to %scan3A_22 step %scan3A_23  : i32 {
      %mul3A_57 = arith.constant 2 : i32
      %mul3A_58 = arith.muli %mul3A_57, %scan3A_56 : i32
      %add3A_59 = arith.constant 0 : i32
      %add3A_60 = arith.addi %mul3A_58, %add3A_59 : i32
      %mul3A_61 = arith.constant 16384 : i32
      %mul3A_62 = arith.muli %add3A_60, %mul3A_61 : i32
      %add3A_63 = arith.addi %mul3A_62, %mul3A_2 : i32
      %multiple_of3A_64 = tpu.assume_multiple %add3A_63, 8 : i32
      %dma_wait3A_65 = arith.constant 0 : i32
      %dma_wait3A_66 = tpu.memref_slice %arg6[%dma_wait3A_65] : memref<1024xi32, #tpu.memory_space<vmem>> -> memref<512xi32, #tpu.memory_space<vmem>>
      %dma_wait3A_67 = tpu.memref_slice %arg2[%multiple_of3A_64] : memref<3276800xi32, #tpu.memory_space<hbm>> -> memref<512xi32, #tpu.memory_space<hbm>>
      %dma_wait3A_68 = arith.constant 0 : i32
      %dma_wait3A_69 = tpu.memref_slice %arg6[%dma_wait3A_68] : memref<1024xi32, #tpu.memory_space<vmem>> -> memref<512xi32, #tpu.memory_space<vmem>>
      %dma_wait3A_70 = tpu.memref_slice %arg2[%multiple_of3A_64] : memref<3276800xi32, #tpu.memory_space<hbm>> -> memref<512xi32, #tpu.memory_space<hbm>>
      tpu.wait_dma2 semaphore(%arg8 : memref<!tpu.dma_semaphore, #tpu.memory_space<semaphore_mem>>) src(%dma_wait3A_70 : memref<512xi32, #tpu.memory_space<hbm>>) dst(%dma_wait3A_69 : memref<512xi32, #tpu.memory_space<vmem>>)
      %gt3A = arith.constant 0 : i32
      %gt3A_71 = arith.cmpi sgt, %scan3A_56, %gt3A : i32
      %convert_element_type3A = arith.extui %gt3A_71 : i1 to i32
      %cond3A = arith.constant 0 : i32
      %cond3A_72 = arith.cmpi ne, %convert_element_type3A, %cond3A : i32
      scf.if %cond3A_72 {
        %sub3A = arith.constant 2 : i32
        %sub3A_139 = arith.subi %add3A_60, %sub3A : i32
        %dma_wait3A_140 = arith.constant 0 : i32
        %dma_wait3A_141 = arith.constant 0 : i32
        %dma_wait3A_142 = tpu.memref_slice %arg7[%scan3A, %dma_wait3A_140, %dma_wait3A_141] : memref<2x64x512xf32, #tpu.memory_space<vmem>> -> memref<1x64x512xf32, #tpu.memory_space<vmem>>
        %dma_wait3A_143 = tpu.memref_squeeze %dma_wait3A_142 : memref<1x64x512xf32, #tpu.memory_space<vmem>> -> memref<64x512xf32, #tpu.memory_space<vmem>>
        %dma_wait3A_144 = arith.constant 0 : i32
        %dma_wait3A_145 = tpu.memref_slice %arg4[%sub3A_139, %dma_wait3A_144, %mul3A_2] : memref<200x64x16384xf32, #tpu.memory_space<hbm>> -> memref<1x64x512xf32, #tpu.memory_space<hbm>>
        %dma_wait3A_146 = tpu.memref_squeeze %dma_wait3A_145 : memref<1x64x512xf32, #tpu.memory_space<hbm>> -> memref<64x512xf32, #tpu.memory_space<hbm>>
        %dma_wait3A_147 = arith.constant 0 : i32
        %dma_wait3A_148 = tpu.memref_slice %arg4[%sub3A_139, %dma_wait3A_147, %mul3A_2] : memref<200x64x16384xf32, #tpu.memory_space<hbm>> -> memref<1x64x512xf32, #tpu.memory_space<hbm>>
        %dma_wait3A_149 = tpu.memref_squeeze %dma_wait3A_148 : memref<1x64x512xf32, #tpu.memory_space<hbm>> -> memref<64x512xf32, #tpu.memory_space<hbm>>
        %dma_wait3A_150 = arith.constant 0 : i32
        %dma_wait3A_151 = arith.constant 0 : i32
        %dma_wait3A_152 = tpu.memref_slice %arg7[%scan3A, %dma_wait3A_150, %dma_wait3A_151] : memref<2x64x512xf32, #tpu.memory_space<vmem>> -> memref<1x64x512xf32, #tpu.memory_space<vmem>>
        %dma_wait3A_153 = tpu.memref_squeeze %dma_wait3A_152 : memref<1x64x512xf32, #tpu.memory_space<vmem>> -> memref<64x512xf32, #tpu.memory_space<vmem>>
        tpu.wait_dma2 semaphore(%arg10 : memref<!tpu.dma_semaphore, #tpu.memory_space<semaphore_mem>>) src(%dma_wait3A_153 : memref<64x512xf32, #tpu.memory_space<vmem>>) dst(%dma_wait3A_149 : memref<64x512xf32, #tpu.memory_space<hbm>>)
      } else {
      }
      %scan3A_73 = arith.constant 0 : i32
      %scan3A_74 = arith.constant 32 : i32
      %scan3A_75 = arith.addi %scan3A_73, %scan3A_74 : i32
      %scan3A_76 = arith.constant 1 : i32
      scf.for %scan3A_139 = %scan3A_73 to %scan3A_75 step %scan3A_76  : i32 {
        %mul3A_140 = arith.constant 16 : i32
        %mul3A_141 = arith.muli %scan3A_139, %mul3A_140 : i32
        %get3A = arith.constant 0 : i32
        %get3A_142 = tpu.memref_slice %arg6[%get3A] : memref<1024xi32, #tpu.memory_space<vmem>> -> memref<512xi32, #tpu.memory_space<vmem>>
        %get3A_143 = arith.index_cast %mul3A_141 : i32 to index
        %get3A_144 = tpu.vector_load %get3A_142[%get3A_143] {strides = array<i32>} : memref<512xi32, #tpu.memory_space<vmem>>, vector<16xi32>,
        %add3A_145 = arith.constant 0 : i32
        %add3A_146 = vector.broadcast %add3A_145 : i32 to vector<16xi32>
        %add3A_147 = arith.addi %get3A_144, %add3A_146 : vector<16xi32>
        %gather3A = tpu.vector_load_idx %arg5[%add3A_147] : memref<6528xf32, #tpu.memory_space<vmem>>[vector<16xi32>], vector<16xf32>,
        %add3A_148 = arith.constant 102 : i32
        %add3A_149 = vector.broadcast %add3A_148 : i32 to vector<16xi32>
        %add3A_150 = arith.addi %get3A_144, %add3A_149 : vector<16xi32>
        %gather3A_151 = tpu.vector_load_idx %arg5[%add3A_150] : memref<6528xf32, #tpu.memory_space<vmem>>[vector<16xi32>], vector<16xf32>,
        %add3A_152 = arith.constant 204 : i32
        %add3A_153 = vector.broadcast %add3A_152 : i32 to vector<16xi32>
        %add3A_154 = arith.addi %get3A_144, %add3A_153 : vector<16xi32>
        %gather3A_155 = tpu.vector_load_idx %arg5[%add3A_154] : memref<6528xf32, #tpu.memory_space<vmem>>[vector<16xi32>], vector<16xf32>,
        %add3A_156 = arith.constant 306 : i32
        %add3A_157 = vector.broadcast %add3A_156 : i32 to vector<16xi32>
        %add3A_158 = arith.addi %get3A_144, %add3A_157 : vector<16xi32>
        %gather3A_159 = tpu.vector_load_idx %arg5[%add3A_158] : memref<6528xf32, #tpu.memory_space<vmem>>[vector<16xi32>], vector<16xf32>,
        %add3A_160 = arith.constant 408 : i32
        %add3A_161 = vector.broadcast %add3A_160 : i32 to vector<16xi32>
        %add3A_162 = arith.addi %get3A_144, %add3A_161 : vector<16xi32>
        %gather3A_163 = tpu.vector_load_idx %arg5[%add3A_162] : memref<6528xf32, #tpu.memory_space<vmem>>[vector<16xi32>], vector<16xf32>,
        %add3A_164 = arith.constant 510 : i32
        %add3A_165 = vector.broadcast %add3A_164 : i32 to vector<16xi32>
        %add3A_166 = arith.addi %get3A_144, %add3A_165 : vector<16xi32>
        %gather3A_167 = tpu.vector_load_idx %arg5[%add3A_166] : memref<6528xf32, #tpu.memory_space<vmem>>[vector<16xi32>], vector<16xf32>,
        %add3A_168 = arith.constant 612 : i32
        %add3A_169 = vector.broadcast %add3A_168 : i32 to vector<16xi32>
        %add3A_170 = arith.addi %get3A_144, %add3A_169 : vector<16xi32>
        %gather3A_171 = tpu.vector_load_idx %arg5[%add3A_170] : memref<6528xf32, #tpu.memory_space<vmem>>[vector<16xi32>], vector<16xf32>,
        %add3A_172 = arith.constant 714 : i32
        %add3A_173 = vector.broadcast %add3A_172 : i32 to vector<16xi32>
        %add3A_174 = arith.addi %get3A_144, %add3A_173 : vector<16xi32>
        %gather3A_175 = tpu.vector_load_idx %arg5[%add3A_174] : memref<6528xf32, #tpu.memory_space<vmem>>[vector<16xi32>], vector<16xf32>,
        %swap3A = arith.constant 0 : i32
        %swap3A_176 = arith.constant 0 : i32
        %swap3A_177 = arith.constant 0 : i32
        %swap3A_178 = tpu.memref_slice %arg7[%scan3A, %swap3A_176, %swap3A_177] : memref<2x64x512xf32, #tpu.memory_space<vmem>> -> memref<1x64x512xf32, #tpu.memory_space<vmem>>
        %swap3A_179 = tpu.memref_squeeze %swap3A_178 : memref<1x64x512xf32, #tpu.memory_space<vmem>> -> memref<64x512xf32, #tpu.memory_space<vmem>>
        %swap3A_180 = arith.index_cast %swap3A : i32 to index
        %swap3A_181 = arith.index_cast %mul3A_141 : i32 to index
        %swap3A_182 = tpu.vector_load %swap3A_179[%swap3A_180, %swap3A_181] {strides = array<i32>} : memref<64x512xf32, #tpu.memory_space<vmem>>, vector<16xf32>,
        tpu.vector_store %swap3A_179[%swap3A_180, %swap3A_181], %gather3A {strides = array<i32>} : memref<64x512xf32, #tpu.memory_space<vmem>>, vector<16xf32>,
        %swap3A_183 = arith.constant 1 : i32
        %swap3A_184 = arith.constant 0 : i32
        %swap3A_185 = arith.constant 0 : i32
        %swap3A_186 = tpu.memref_slice %arg7[%scan3A, %swap3A_184, %swap3A_185] : memref<2x64x512xf32, #tpu.memory_space<vmem>> -> memref<1x64x512xf32, #tpu.memory_space<vmem>>
        %swap3A_187 = tpu.memref_squeeze %swap3A_186 : memref<1x64x512xf32, #tpu.memory_space<vmem>> -> memref<64x512xf32, #tpu.memory_space<vmem>>
        %swap3A_188 = arith.index_cast %swap3A_183 : i32 to index
        %swap3A_189 = arith.index_cast %mul3A_141 : i32 to index
        %swap3A_190 = tpu.vector_load %swap3A_187[%swap3A_188, %swap3A_189] {strides = array<i32>} : memref<64x512xf32, #tpu.memory_space<vmem>>, vector<16xf32>,
        tpu.vector_store %swap3A_187[%swap3A_188, %swap3A_189], %gather3A_151 {strides = array<i32>} : memref<64x512xf32, #tpu.memory_space<vmem>>, vector<16xf32>,
        %swap3A_191 = arith.constant 2 : i32
        %swap3A_192 = arith.constant 0 : i32
        %swap3A_193 = arith.constant 0 : i32
        %swap3A_194 = tpu.memref_slice %arg7[%scan3A, %swap3A_192, %swap3A_193] : memref<2x64x512xf32, #tpu.memory_space<vmem>> -> memref<1x64x512xf32, #tpu.memory_space<vmem>>
        %swap3A_195 = tpu.memref_squeeze %swap3A_194 : memref<1x64x512xf32, #tpu.memory_space<vmem>> -> memref<64x512xf32, #tpu.memory_space<vmem>>
        %swap3A_196 = arith.index_cast %swap3A_191 : i32 to index
        %swap3A_197 = arith.index_cast %mul3A_141 : i32 to index
        %swap3A_198 = tpu.vector_load %swap3A_195[%swap3A_196, %swap3A_197] {strides = array<i32>} : memref<64x512xf32, #tpu.memory_space<vmem>>, vector<16xf32>,
        tpu.vector_store %swap3A_195[%swap3A_196, %swap3A_197], %gather3A_155 {strides = array<i32>} : memref<64x512xf32, #tpu.memory_space<vmem>>, vector<16xf32>,
        %swap3A_199 = arith.constant 3 : i32
        %swap3A_200 = arith.constant 0 : i32
        %swap3A_201 = arith.constant 0 : i32
        %swap3A_202 = tpu.memref_slice %arg7[%scan3A, %swap3A_200, %swap3A_201] : memref<2x64x512xf32, #tpu.memory_space<vmem>> -> memref<1x64x512xf32, #tpu.memory_space<vmem>>
        %swap3A_203 = tpu.memref_squeeze %swap3A_202 : memref<1x64x512xf32, #tpu.memory_space<vmem>> -> memref<64x512xf32, #tpu.memory_space<vmem>>
        %swap3A_204 = arith.index_cast %swap3A_199 : i32 to index
        %swap3A_205 = arith.index_cast %mul3A_141 : i32 to index
        %swap3A_206 = tpu.vector_load %swap3A_203[%swap3A_204, %swap3A_205] {strides = array<i32>} : memref<64x512xf32, #tpu.memory_space<vmem>>, vector<16xf32>,
        tpu.vector_store %swap3A_203[%swap3A_204, %swap3A_205], %gather3A_159 {strides = array<i32>} : memref<64x512xf32, #tpu.memory_space<vmem>>, vector<16xf32>,
        %swap3A_207 = arith.constant 4 : i32
        %swap3A_208 = arith.constant 0 : i32
        %swap3A_209 = arith.constant 0 : i32
        %swap3A_210 = tpu.memref_slice %arg7[%scan3A, %swap3A_208, %swap3A_209] : memref<2x64x512xf32, #tpu.memory_space<vmem>> -> memref<1x64x512xf32, #tpu.memory_space<vmem>>
        %swap3A_211 = tpu.memref_squeeze %swap3A_210 : memref<1x64x512xf32, #tpu.memory_space<vmem>> -> memref<64x512xf32, #tpu.memory_space<vmem>>
        %swap3A_212 = arith.index_cast %swap3A_207 : i32 to index
        %swap3A_213 = arith.index_cast %mul3A_141 : i32 to index
        %swap3A_214 = tpu.vector_load %swap3A_211[%swap3A_212, %swap3A_213] {strides = array<i32>} : memref<64x512xf32, #tpu.memory_space<vmem>>, vector<16xf32>,
        tpu.vector_store %swap3A_211[%swap3A_212, %swap3A_213], %gather3A_163 {strides = array<i32>} : memref<64x512xf32, #tpu.memory_space<vmem>>, vector<16xf32>,
        %swap3A_215 = arith.constant 5 : i32
        %swap3A_216 = arith.constant 0 : i32
        %swap3A_217 = arith.constant 0 : i32
        %swap3A_218 = tpu.memref_slice %arg7[%scan3A, %swap3A_216, %swap3A_217] : memref<2x64x512xf32, #tpu.memory_space<vmem>> -> memref<1x64x512xf32, #tpu.memory_space<vmem>>
        %swap3A_219 = tpu.memref_squeeze %swap3A_218 : memref<1x64x512xf32, #tpu.memory_space<vmem>> -> memref<64x512xf32, #tpu.memory_space<vmem>>
        %swap3A_220 = arith.index_cast %swap3A_215 : i32 to index
        %swap3A_221 = arith.index_cast %mul3A_141 : i32 to index
        %swap3A_222 = tpu.vector_load %swap3A_219[%swap3A_220, %swap3A_221] {strides = array<i32>} : memref<64x512xf32, #tpu.memory_space<vmem>>, vector<16xf32>,
        tpu.vector_store %swap3A_219[%swap3A_220, %swap3A_221], %gather3A_167 {strides = array<i32>} : memref<64x512xf32, #tpu.memory_space<vmem>>, vector<16xf32>,
        %swap3A_223 = arith.constant 6 : i32
        %swap3A_224 = arith.constant 0 : i32
        %swap3A_225 = arith.constant 0 : i32
        %swap3A_226 = tpu.memref_slice %arg7[%scan3A, %swap3A_224, %swap3A_225] : memref<2x64x512xf32, #tpu.memory_space<vmem>> -> memref<1x64x512xf32, #tpu.memory_space<vmem>>
        %swap3A_227 = tpu.memref_squeeze %swap3A_226 : memref<1x64x512xf32, #tpu.memory_space<vmem>> -> memref<64x512xf32, #tpu.memory_space<vmem>>
        %swap3A_228 = arith.index_cast %swap3A_223 : i32 to index
        %swap3A_229 = arith.index_cast %mul3A_141 : i32 to index
        %swap3A_230 = tpu.vector_load %swap3A_227[%swap3A_228, %swap3A_229] {strides = array<i32>} : memref<64x512xf32, #tpu.memory_space<vmem>>, vector<16xf32>,
        tpu.vector_store %swap3A_227[%swap3A_228, %swap3A_229], %gather3A_171 {strides = array<i32>} : memref<64x512xf32, #tpu.memory_space<vmem>>, vector<16xf32>,
        %swap3A_231 = arith.constant 7 : i32
        %swap3A_232 = arith.constant 0 : i32
        %swap3A_233 = arith.constant 0 : i32
        %swap3A_234 = tpu.memref_slice %arg7[%scan3A, %swap3A_232, %swap3A_233] : memref<2x64x512xf32, #tpu.memory_space<vmem>> -> memref<1x64x512xf32, #tpu.memory_space<vmem>>
        %swap3A_235 = tpu.memref_squeeze %swap3A_234 : memref<1x64x512xf32, #tpu.memory_space<vmem>> -> memref<64x512xf32, #tpu.memory_space<vmem>>
        %swap3A_236 = arith.index_cast %swap3A_231 : i32 to index
        %swap3A_237 = arith.index_cast %mul3A_141 : i32 to index
        %swap3A_238 = tpu.vector_load %swap3A_235[%swap3A_236, %swap3A_237] {strides = array<i32>} : memref<64x512xf32, #tpu.memory_space<vmem>>, vector<16xf32>,
        tpu.vector_store %swap3A_235[%swap3A_236, %swap3A_237], %gather3A_175 {strides = array<i32>} : memref<64x512xf32, #tpu.memory_space<vmem>>, vector<16xf32>,
        %add3A_239 = arith.constant 816 : i32
        %add3A_240 = vector.broadcast %add3A_239 : i32 to vector<16xi32>
        %add3A_241 = arith.addi %get3A_144, %add3A_240 : vector<16xi32>
        %gather3A_242 = tpu.vector_load_idx %arg5[%add3A_241] : memref<6528xf32, #tpu.memory_space<vmem>>[vector<16xi32>], vector<16xf32>,
        %add3A_243 = arith.constant 918 : i32
        %add3A_244 = vector.broadcast %add3A_243 : i32 to vector<16xi32>
        %add3A_245 = arith.addi %get3A_144, %add3A_244 : vector<16xi32>
        %gather3A_246 = tpu.vector_load_idx %arg5[%add3A_245] : memref<6528xf32, #tpu.memory_space<vmem>>[vector<16xi32>], vector<16xf32>,
        %add3A_247 = arith.constant 1020 : i32
        %add3A_248 = vector.broadcast %add3A_247 : i32 to vector<16xi32>
        %add3A_249 = arith.addi %get3A_144, %add3A_248 : vector<16xi32>
        %gather3A_250 = tpu.vector_load_idx %arg5[%add3A_249] : memref<6528xf32, #tpu.memory_space<vmem>>[vector<16xi32>], vector<16xf32>,
        %add3A_251 = arith.constant 1122 : i32
        %add3A_252 = vector.broadcast %add3A_251 : i32 to vector<16xi32>
        %add3A_253 = arith.addi %get3A_144, %add3A_252 : vector<16xi32>
        %gather3A_254 = tpu.vector_load_idx %arg5[%add3A_253] : memref<6528xf32, #tpu.memory_space<vmem>>[vector<16xi32>], vector<16xf32>,
        %add3A_255 = arith.constant 1224 : i32
        %add3A_256 = vector.broadcast %add3A_255 : i32 to vector<16xi32>
        %add3A_257 = arith.addi %get3A_144, %add3A_256 : vector<16xi32>
        %gather3A_258 = tpu.vector_load_idx %arg5[%add3A_257] : memref<6528xf32, #tpu.memory_space<vmem>>[vector<16xi32>], vector<16xf32>,
        %add3A_259 = arith.constant 1326 : i32
        %add3A_260 = vector.broadcast %add3A_259 : i32 to vector<16xi32>
        %add3A_261 = arith.addi %get3A_144, %add3A_260 : vector<16xi32>
        %gather3A_262 = tpu.vector_load_idx %arg5[%add3A_261] : memref<6528xf32, #tpu.memory_space<vmem>>[vector<16xi32>], vector<16xf32>,
        %add3A_263 = arith.constant 1428 : i32
        %add3A_264 = vector.broadcast %add3A_263 : i32 to vector<16xi32>
        %add3A_265 = arith.addi %get3A_144, %add3A_264 : vector<16xi32>
        %gather3A_266 = tpu.vector_load_idx %arg5[%add3A_265] : memref<6528xf32, #tpu.memory_space<vmem>>[vector<16xi32>], vector<16xf32>,
        %add3A_267 = arith.constant 1530 : i32
        %add3A_268 = vector.broadcast %add3A_267 : i32 to vector<16xi32>
        %add3A_269 = arith.addi %get3A_144, %add3A_268 : vector<16xi32>
        %gather3A_270 = tpu.vector_load_idx %arg5[%add3A_269] : memref<6528xf32, #tpu.memory_space<vmem>>[vector<16xi32>], vector<16xf32>,
        %swap3A_271 = arith.constant 8 : i32
        %swap3A_272 = arith.constant 0 : i32
        %swap3A_273 = arith.constant 0 : i32
        %swap3A_274 = tpu.memref_slice %arg7[%scan3A, %swap3A_272, %swap3A_273] : memref<2x64x512xf32, #tpu.memory_space<vmem>> -> memref<1x64x512xf32, #tpu.memory_space<vmem>>
        %swap3A_275 = tpu.memref_squeeze %swap3A_274 : memref<1x64x512xf32, #tpu.memory_space<vmem>> -> memref<64x512xf32, #tpu.memory_space<vmem>>
        %swap3A_276 = arith.index_cast %swap3A_271 : i32 to index
        %swap3A_277 = arith.index_cast %mul3A_141 : i32 to index
        %swap3A_278 = tpu.vector_load %swap3A_275[%swap3A_276, %swap3A_277] {strides = array<i32>} : memref<64x512xf32, #tpu.memory_space<vmem>>, vector<16xf32>,
        tpu.vector_store %swap3A_275[%swap3A_276, %swap3A_277], %gather3A_242 {strides = array<i32>} : memref<64x512xf32, #tpu.memory_space<vmem>>, vector<16xf32>,
        %swap3A_279 = arith.constant 9 : i32
        %swap3A_280 = arith.constant 0 : i32
        %swap3A_281 = arith.constant 0 : i32
        %swap3A_282 = tpu.memref_slice %arg7[%scan3A, %swap3A_280, %swap3A_281] : memref<2x64x512xf32, #tpu.memory_space<vmem>> -> memref<1x64x512xf32, #tpu.memory_space<vmem>>
        %swap3A_283 = tpu.memref_squeeze %swap3A_282 : memref<1x64x512xf32, #tpu.memory_space<vmem>> -> memref<64x512xf32, #tpu.memory_space<vmem>>
        %swap3A_284 = arith.index_cast %swap3A_279 : i32 to index
        %swap3A_285 = arith.index_cast %mul3A_141 : i32 to index
        %swap3A_286 = tpu.vector_load %swap3A_283[%swap3A_284, %swap3A_285] {strides = array<i32>} : memref<64x512xf32, #tpu.memory_space<vmem>>, vector<16xf32>,
        tpu.vector_store %swap3A_283[%swap3A_284, %swap3A_285], %gather3A_246 {strides = array<i32>} : memref<64x512xf32, #tpu.memory_space<vmem>>, vector<16xf32>,
        %swap3A_287 = arith.constant 10 : i32
        %swap3A_288 = arith.constant 0 : i32
        %swap3A_289 = arith.constant 0 : i32
        %swap3A_290 = tpu.memref_slice %arg7[%scan3A, %swap3A_288, %swap3A_289] : memref<2x64x512xf32, #tpu.memory_space<vmem>> -> memref<1x64x512xf32, #tpu.memory_space<vmem>>
        %swap3A_291 = tpu.memref_squeeze %swap3A_290 : memref<1x64x512xf32, #tpu.memory_space<vmem>> -> memref<64x512xf32, #tpu.memory_space<vmem>>
        %swap3A_292 = arith.index_cast %swap3A_287 : i32 to index
        %swap3A_293 = arith.index_cast %mul3A_141 : i32 to index
        %swap3A_294 = tpu.vector_load %swap3A_291[%swap3A_292, %swap3A_293] {strides = array<i32>} : memref<64x512xf32, #tpu.memory_space<vmem>>, vector<16xf32>,
        tpu.vector_store %swap3A_291[%swap3A_292, %swap3A_293], %gather3A_250 {strides = array<i32>} : memref<64x512xf32, #tpu.memory_space<vmem>>, vector<16xf32>,
        %swap3A_295 = arith.constant 11 : i32
        %swap3A_296 = arith.constant 0 : i32
        %swap3A_297 = arith.constant 0 : i32
        %swap3A_298 = tpu.memref_slice %arg7[%scan3A, %swap3A_296, %swap3A_297] : memref<2x64x512xf32, #tpu.memory_space<vmem>> -> memref<1x64x512xf32, #tpu.memory_space<vmem>>
        %swap3A_299 = tpu.memref_squeeze %swap3A_298 : memref<1x64x512xf32, #tpu.memory_space<vmem>> -> memref<64x512xf32, #tpu.memory_space<vmem>>
        %swap3A_300 = arith.index_cast %swap3A_295 : i32 to index
        %swap3A_301 = arith.index_cast %mul3A_141 : i32 to index
        %swap3A_302 = tpu.vector_load %swap3A_299[%swap3A_300, %swap3A_301] {strides = array<i32>} : memref<64x512xf32, #tpu.memory_space<vmem>>, vector<16xf32>,
        tpu.vector_store %swap3A_299[%swap3A_300, %swap3A_301], %gather3A_254 {strides = array<i32>} : memref<64x512xf32, #tpu.memory_space<vmem>>, vector<16xf32>,
        %swap3A_303 = arith.constant 12 : i32
        %swap3A_304 = arith.constant 0 : i32
        %swap3A_305 = arith.constant 0 : i32
        %swap3A_306 = tpu.memref_slice %arg7[%scan3A, %swap3A_304, %swap3A_305] : memref<2x64x512xf32, #tpu.memory_space<vmem>> -> memref<1x64x512xf32, #tpu.memory_space<vmem>>
        %swap3A_307 = tpu.memref_squeeze %swap3A_306 : memref<1x64x512xf32, #tpu.memory_space<vmem>> -> memref<64x512xf32, #tpu.memory_space<vmem>>
        %swap3A_308 = arith.index_cast %swap3A_303 : i32 to index
        %swap3A_309 = arith.index_cast %mul3A_141 : i32 to index
        %swap3A_310 = tpu.vector_load %swap3A_307[%swap3A_308, %swap3A_309] {strides = array<i32>} : memref<64x512xf32, #tpu.memory_space<vmem>>, vector<16xf32>,
        tpu.vector_store %swap3A_307[%swap3A_308, %swap3A_309], %gather3A_258 {strides = array<i32>} : memref<64x512xf32, #tpu.memory_space<vmem>>, vector<16xf32>,
        %swap3A_311 = arith.constant 13 : i32
        %swap3A_312 = arith.constant 0 : i32
        %swap3A_313 = arith.constant 0 : i32
        %swap3A_314 = tpu.memref_slice %arg7[%scan3A, %swap3A_312, %swap3A_313] : memref<2x64x512xf32, #tpu.memory_space<vmem>> -> memref<1x64x512xf32, #tpu.memory_space<vmem>>
        %swap3A_315 = tpu.memref_squeeze %swap3A_314 : memref<1x64x512xf32, #tpu.memory_space<vmem>> -> memref<64x512xf32, #tpu.memory_space<vmem>>
        %swap3A_316 = arith.index_cast %swap3A_311 : i32 to index
        %swap3A_317 = arith.index_cast %mul3A_141 : i32 to index
        %swap3A_318 = tpu.vector_load %swap3A_315[%swap3A_316, %swap3A_317] {strides = array<i32>} : memref<64x512xf32, #tpu.memory_space<vmem>>, vector<16xf32>,
        tpu.vector_store %swap3A_315[%swap3A_316, %swap3A_317], %gather3A_262 {strides = array<i32>} : memref<64x512xf32, #tpu.memory_space<vmem>>, vector<16xf32>,
        %swap3A_319 = arith.constant 14 : i32
        %swap3A_320 = arith.constant 0 : i32
        %swap3A_321 = arith.constant 0 : i32
        %swap3A_322 = tpu.memref_slice %arg7[%scan3A, %swap3A_320, %swap3A_321] : memref<2x64x512xf32, #tpu.memory_space<vmem>> -> memref<1x64x512xf32, #tpu.memory_space<vmem>>
        %swap3A_323 = tpu.memref_squeeze %swap3A_322 : memref<1x64x512xf32, #tpu.memory_space<vmem>> -> memref<64x512xf32, #tpu.memory_space<vmem>>
        %swap3A_324 = arith.index_cast %swap3A_319 : i32 to index
        %swap3A_325 = arith.index_cast %mul3A_141 : i32 to index
        %swap3A_326 = tpu.vector_load %swap3A_323[%swap3A_324, %swap3A_325] {strides = array<i32>} : memref<64x512xf32, #tpu.memory_space<vmem>>, vector<16xf32>,
        tpu.vector_store %swap3A_323[%swap3A_324, %swap3A_325], %gather3A_266 {strides = array<i32>} : memref<64x512xf32, #tpu.memory_space<vmem>>, vector<16xf32>,
        %swap3A_327 = arith.constant 15 : i32
        %swap3A_328 = arith.constant 0 : i32
        %swap3A_329 = arith.constant 0 : i32
        %swap3A_330 = tpu.memref_slice %arg7[%scan3A, %swap3A_328, %swap3A_329] : memref<2x64x512xf32, #tpu.memory_space<vmem>> -> memref<1x64x512xf32, #tpu.memory_space<vmem>>
        %swap3A_331 = tpu.memref_squeeze %swap3A_330 : memref<1x64x512xf32, #tpu.memory_space<vmem>> -> memref<64x512xf32, #tpu.memory_space<vmem>>
        %swap3A_332 = arith.index_cast %swap3A_327 : i32 to index
        %swap3A_333 = arith.index_cast %mul3A_141 : i32 to index
        %swap3A_334 = tpu.vector_load %swap3A_331[%swap3A_332, %swap3A_333] {strides = array<i32>} : memref<64x512xf32, #tpu.memory_space<vmem>>, vector<16xf32>,
        tpu.vector_store %swap3A_331[%swap3A_332, %swap3A_333], %gather3A_270 {strides = array<i32>} : memref<64x512xf32, #tpu.memory_space<vmem>>, vector<16xf32>,
        %add3A_335 = arith.constant 1632 : i32
        %add3A_336 = vector.broadcast %add3A_335 : i32 to vector<16xi32>
        %add3A_337 = arith.addi %get3A_144, %add3A_336 : vector<16xi32>
        %gather3A_338 = tpu.vector_load_idx %arg5[%add3A_337] : memref<6528xf32, #tpu.memory_space<vmem>>[vector<16xi32>], vector<16xf32>,
        %add3A_339 = arith.constant 1734 : i32
        %add3A_340 = vector.broadcast %add3A_339 : i32 to vector<16xi32>
        %add3A_341 = arith.addi %get3A_144, %add3A_340 : vector<16xi32>
        %gather3A_342 = tpu.vector_load_idx %arg5[%add3A_341] : memref<6528xf32, #tpu.memory_space<vmem>>[vector<16xi32>], vector<16xf32>,
        %add3A_343 = arith.constant 1836 : i32
        %add3A_344 = vector.broadcast %add3A_343 : i32 to vector<16xi32>
        %add3A_345 = arith.addi %get3A_144, %add3A_344 : vector<16xi32>
        %gather3A_346 = tpu.vector_load_idx %arg5[%add3A_345] : memref<6528xf32, #tpu.memory_space<vmem>>[vector<16xi32>], vector<16xf32>,
        %add3A_347 = arith.constant 1938 : i32
        %add3A_348 = vector.broadcast %add3A_347 : i32 to vector<16xi32>
        %add3A_349 = arith.addi %get3A_144, %add3A_348 : vector<16xi32>
        %gather3A_350 = tpu.vector_load_idx %arg5[%add3A_349] : memref<6528xf32, #tpu.memory_space<vmem>>[vector<16xi32>], vector<16xf32>,
        %add3A_351 = arith.constant 2040 : i32
        %add3A_352 = vector.broadcast %add3A_351 : i32 to vector<16xi32>
        %add3A_353 = arith.addi %get3A_144, %add3A_352 : vector<16xi32>
        %gather3A_354 = tpu.vector_load_idx %arg5[%add3A_353] : memref<6528xf32, #tpu.memory_space<vmem>>[vector<16xi32>], vector<16xf32>,
        %add3A_355 = arith.constant 2142 : i32
        %add3A_356 = vector.broadcast %add3A_355 : i32 to vector<16xi32>
        %add3A_357 = arith.addi %get3A_144, %add3A_356 : vector<16xi32>
        %gather3A_358 = tpu.vector_load_idx %arg5[%add3A_357] : memref<6528xf32, #tpu.memory_space<vmem>>[vector<16xi32>], vector<16xf32>,
        %add3A_359 = arith.constant 2244 : i32
        %add3A_360 = vector.broadcast %add3A_359 : i32 to vector<16xi32>
        %add3A_361 = arith.addi %get3A_144, %add3A_360 : vector<16xi32>
        %gather3A_362 = tpu.vector_load_idx %arg5[%add3A_361] : memref<6528xf32, #tpu.memory_space<vmem>>[vector<16xi32>], vector<16xf32>,
        %add3A_363 = arith.constant 2346 : i32
        %add3A_364 = vector.broadcast %add3A_363 : i32 to vector<16xi32>
        %add3A_365 = arith.addi %get3A_144, %add3A_364 : vector<16xi32>
        %gather3A_366 = tpu.vector_load_idx %arg5[%add3A_365] : memref<6528xf32, #tpu.memory_space<vmem>>[vector<16xi32>], vector<16xf32>,
        %swap3A_367 = arith.constant 16 : i32
        %swap3A_368 = arith.constant 0 : i32
        %swap3A_369 = arith.constant 0 : i32
        %swap3A_370 = tpu.memref_slice %arg7[%scan3A, %swap3A_368, %swap3A_369] : memref<2x64x512xf32, #tpu.memory_space<vmem>> -> memref<1x64x512xf32, #tpu.memory_space<vmem>>
        %swap3A_371 = tpu.memref_squeeze %swap3A_370 : memref<1x64x512xf32, #tpu.memory_space<vmem>> -> memref<64x512xf32, #tpu.memory_space<vmem>>
        %swap3A_372 = arith.index_cast %swap3A_367 : i32 to index
        %swap3A_373 = arith.index_cast %mul3A_141 : i32 to index
        %swap3A_374 = tpu.vector_load %swap3A_371[%swap3A_372, %swap3A_373] {strides = array<i32>} : memref<64x512xf32, #tpu.memory_space<vmem>>, vector<16xf32>,
        tpu.vector_store %swap3A_371[%swap3A_372, %swap3A_373], %gather3A_338 {strides = array<i32>} : memref<64x512xf32, #tpu.memory_space<vmem>>, vector<16xf32>,
        %swap3A_375 = arith.constant 17 : i32
        %swap3A_376 = arith.constant 0 : i32
        %swap3A_377 = arith.constant 0 : i32
        %swap3A_378 = tpu.memref_slice %arg7[%scan3A, %swap3A_376, %swap3A_377] : memref<2x64x512xf32, #tpu.memory_space<vmem>> -> memref<1x64x512xf32, #tpu.memory_space<vmem>>
        %swap3A_379 = tpu.memref_squeeze %swap3A_378 : memref<1x64x512xf32, #tpu.memory_space<vmem>> -> memref<64x512xf32, #tpu.memory_space<vmem>>
        %swap3A_380 = arith.index_cast %swap3A_375 : i32 to index
        %swap3A_381 = arith.index_cast %mul3A_141 : i32 to index
        %swap3A_382 = tpu.vector_load %swap3A_379[%swap3A_380, %swap3A_381] {strides = array<i32>} : memref<64x512xf32, #tpu.memory_space<vmem>>, vector<16xf32>,
        tpu.vector_store %swap3A_379[%swap3A_380, %swap3A_381], %gather3A_342 {strides = array<i32>} : memref<64x512xf32, #tpu.memory_space<vmem>>, vector<16xf32>,
        %swap3A_383 = arith.constant 18 : i32
        %swap3A_384 = arith.constant 0 : i32
        %swap3A_385 = arith.constant 0 : i32
        %swap3A_386 = tpu.memref_slice %arg7[%scan3A, %swap3A_384, %swap3A_385] : memref<2x64x512xf32, #tpu.memory_space<vmem>> -> memref<1x64x512xf32, #tpu.memory_space<vmem>>
        %swap3A_387 = tpu.memref_squeeze %swap3A_386 : memref<1x64x512xf32, #tpu.memory_space<vmem>> -> memref<64x512xf32, #tpu.memory_space<vmem>>
        %swap3A_388 = arith.index_cast %swap3A_383 : i32 to index
        %swap3A_389 = arith.index_cast %mul3A_141 : i32 to index
        %swap3A_390 = tpu.vector_load %swap3A_387[%swap3A_388, %swap3A_389] {strides = array<i32>} : memref<64x512xf32, #tpu.memory_space<vmem>>, vector<16xf32>,
        tpu.vector_store %swap3A_387[%swap3A_388, %swap3A_389], %gather3A_346 {strides = array<i32>} : memref<64x512xf32, #tpu.memory_space<vmem>>, vector<16xf32>,
        %swap3A_391 = arith.constant 19 : i32
        %swap3A_392 = arith.constant 0 : i32
        %swap3A_393 = arith.constant 0 : i32
        %swap3A_394 = tpu.memref_slice %arg7[%scan3A, %swap3A_392, %swap3A_393] : memref<2x64x512xf32, #tpu.memory_space<vmem>> -> memref<1x64x512xf32, #tpu.memory_space<vmem>>
        %swap3A_395 = tpu.memref_squeeze %swap3A_394 : memref<1x64x512xf32, #tpu.memory_space<vmem>> -> memref<64x512xf32, #tpu.memory_space<vmem>>
        %swap3A_396 = arith.index_cast %swap3A_391 : i32 to index
        %swap3A_397 = arith.index_cast %mul3A_141 : i32 to index
        %swap3A_398 = tpu.vector_load %swap3A_395[%swap3A_396, %swap3A_397] {strides = array<i32>} : memref<64x512xf32, #tpu.memory_space<vmem>>, vector<16xf32>,
        tpu.vector_store %swap3A_395[%swap3A_396, %swap3A_397], %gather3A_350 {strides = array<i32>} : memref<64x512xf32, #tpu.memory_space<vmem>>, vector<16xf32>,
        %swap3A_399 = arith.constant 20 : i32
        %swap3A_400 = arith.constant 0 : i32
        %swap3A_401 = arith.constant 0 : i32
        %swap3A_402 = tpu.memref_slice %arg7[%scan3A, %swap3A_400, %swap3A_401] : memref<2x64x512xf32, #tpu.memory_space<vmem>> -> memref<1x64x512xf32, #tpu.memory_space<vmem>>
        %swap3A_403 = tpu.memref_squeeze %swap3A_402 : memref<1x64x512xf32, #tpu.memory_space<vmem>> -> memref<64x512xf32, #tpu.memory_space<vmem>>
        %swap3A_404 = arith.index_cast %swap3A_399 : i32 to index
        %swap3A_405 = arith.index_cast %mul3A_141 : i32 to index
        %swap3A_406 = tpu.vector_load %swap3A_403[%swap3A_404, %swap3A_405] {strides = array<i32>} : memref<64x512xf32, #tpu.memory_space<vmem>>, vector<16xf32>,
        tpu.vector_store %swap3A_403[%swap3A_404, %swap3A_405], %gather3A_354 {strides = array<i32>} : memref<64x512xf32, #tpu.memory_space<vmem>>, vector<16xf32>,
        %swap3A_407 = arith.constant 21 : i32
        %swap3A_408 = arith.constant 0 : i32
        %swap3A_409 = arith.constant 0 : i32
        %swap3A_410 = tpu.memref_slice %arg7[%scan3A, %swap3A_408, %swap3A_409] : memref<2x64x512xf32, #tpu.memory_space<vmem>> -> memref<1x64x512xf32, #tpu.memory_space<vmem>>
        %swap3A_411 = tpu.memref_squeeze %swap3A_410 : memref<1x64x512xf32, #tpu.memory_space<vmem>> -> memref<64x512xf32, #tpu.memory_space<vmem>>
        %swap3A_412 = arith.index_cast %swap3A_407 : i32 to index
        %swap3A_413 = arith.index_cast %mul3A_141 : i32 to index
        %swap3A_414 = tpu.vector_load %swap3A_411[%swap3A_412, %swap3A_413] {strides = array<i32>} : memref<64x512xf32, #tpu.memory_space<vmem>>, vector<16xf32>,
        tpu.vector_store %swap3A_411[%swap3A_412, %swap3A_413], %gather3A_358 {strides = array<i32>} : memref<64x512xf32, #tpu.memory_space<vmem>>, vector<16xf32>,
        %swap3A_415 = arith.constant 22 : i32
        %swap3A_416 = arith.constant 0 : i32
        %swap3A_417 = arith.constant 0 : i32
        %swap3A_418 = tpu.memref_slice %arg7[%scan3A, %swap3A_416, %swap3A_417] : memref<2x64x512xf32, #tpu.memory_space<vmem>> -> memref<1x64x512xf32, #tpu.memory_space<vmem>>
        %swap3A_419 = tpu.memref_squeeze %swap3A_418 : memref<1x64x512xf32, #tpu.memory_space<vmem>> -> memref<64x512xf32, #tpu.memory_space<vmem>>
        %swap3A_420 = arith.index_cast %swap3A_415 : i32 to index
        %swap3A_421 = arith.index_cast %mul3A_141 : i32 to index
        %swap3A_422 = tpu.vector_load %swap3A_419[%swap3A_420, %swap3A_421] {strides = array<i32>} : memref<64x512xf32, #tpu.memory_space<vmem>>, vector<16xf32>,
        tpu.vector_store %swap3A_419[%swap3A_420, %swap3A_421], %gather3A_362 {strides = array<i32>} : memref<64x512xf32, #tpu.memory_space<vmem>>, vector<16xf32>,
        %swap3A_423 = arith.constant 23 : i32
        %swap3A_424 = arith.constant 0 : i32
        %swap3A_425 = arith.constant 0 : i32
        %swap3A_426 = tpu.memref_slice %arg7[%scan3A, %swap3A_424, %swap3A_425] : memref<2x64x512xf32, #tpu.memory_space<vmem>> -> memref<1x64x512xf32, #tpu.memory_space<vmem>>
        %swap3A_427 = tpu.memref_squeeze %swap3A_426 : memref<1x64x512xf32, #tpu.memory_space<vmem>> -> memref<64x512xf32, #tpu.memory_space<vmem>>
        %swap3A_428 = arith.index_cast %swap3A_423 : i32 to index
        %swap3A_429 = arith.index_cast %mul3A_141 : i32 to index
        %swap3A_430 = tpu.vector_load %swap3A_427[%swap3A_428, %swap3A_429] {strides = array<i32>} : memref<64x512xf32, #tpu.memory_space<vmem>>, vector<16xf32>,
        tpu.vector_store %swap3A_427[%swap3A_428, %swap3A_429], %gather3A_366 {strides = array<i32>} : memref<64x512xf32, #tpu.memory_space<vmem>>, vector<16xf32>,
        %add3A_431 = arith.constant 2448 : i32
        %add3A_432 = vector.broadcast %add3A_431 : i32 to vector<16xi32>
        %add3A_433 = arith.addi %get3A_144, %add3A_432 : vector<16xi32>
        %gather3A_434 = tpu.vector_load_idx %arg5[%add3A_433] : memref<6528xf32, #tpu.memory_space<vmem>>[vector<16xi32>], vector<16xf32>,
        %add3A_435 = arith.constant 2550 : i32
        %add3A_436 = vector.broadcast %add3A_435 : i32 to vector<16xi32>
        %add3A_437 = arith.addi %get3A_144, %add3A_436 : vector<16xi32>
        %gather3A_438 = tpu.vector_load_idx %arg5[%add3A_437] : memref<6528xf32, #tpu.memory_space<vmem>>[vector<16xi32>], vector<16xf32>,
        %add3A_439 = arith.constant 2652 : i32
        %add3A_440 = vector.broadcast %add3A_439 : i32 to vector<16xi32>
        %add3A_441 = arith.addi %get3A_144, %add3A_440 : vector<16xi32>
        %gather3A_442 = tpu.vector_load_idx %arg5[%add3A_441] : memref<6528xf32, #tpu.memory_space<vmem>>[vector<16xi32>], vector<16xf32>,
        %add3A_443 = arith.constant 2754 : i32
        %add3A_444 = vector.broadcast %add3A_443 : i32 to vector<16xi32>
        %add3A_445 = arith.addi %get3A_144, %add3A_444 : vector<16xi32>
        %gather3A_446 = tpu.vector_load_idx %arg5[%add3A_445] : memref<6528xf32, #tpu.memory_space<vmem>>[vector<16xi32>], vector<16xf32>,
        %add3A_447 = arith.constant 2856 : i32
        %add3A_448 = vector.broadcast %add3A_447 : i32 to vector<16xi32>
        %add3A_449 = arith.addi %get3A_144, %add3A_448 : vector<16xi32>
        %gather3A_450 = tpu.vector_load_idx %arg5[%add3A_449] : memref<6528xf32, #tpu.memory_space<vmem>>[vector<16xi32>], vector<16xf32>,
        %add3A_451 = arith.constant 2958 : i32
        %add3A_452 = vector.broadcast %add3A_451 : i32 to vector<16xi32>
        %add3A_453 = arith.addi %get3A_144, %add3A_452 : vector<16xi32>
        %gather3A_454 = tpu.vector_load_idx %arg5[%add3A_453] : memref<6528xf32, #tpu.memory_space<vmem>>[vector<16xi32>], vector<16xf32>,
        %add3A_455 = arith.constant 3060 : i32
        %add3A_456 = vector.broadcast %add3A_455 : i32 to vector<16xi32>
        %add3A_457 = arith.addi %get3A_144, %add3A_456 : vector<16xi32>
        %gather3A_458 = tpu.vector_load_idx %arg5[%add3A_457] : memref<6528xf32, #tpu.memory_space<vmem>>[vector<16xi32>], vector<16xf32>,
        %add3A_459 = arith.constant 3162 : i32
        %add3A_460 = vector.broadcast %add3A_459 : i32 to vector<16xi32>
        %add3A_461 = arith.addi %get3A_144, %add3A_460 : vector<16xi32>
        %gather3A_462 = tpu.vector_load_idx %arg5[%add3A_461] : memref<6528xf32, #tpu.memory_space<vmem>>[vector<16xi32>], vector<16xf32>,
        %swap3A_463 = arith.constant 24 : i32
        %swap3A_464 = arith.constant 0 : i32
        %swap3A_465 = arith.constant 0 : i32
        %swap3A_466 = tpu.memref_slice %arg7[%scan3A, %swap3A_464, %swap3A_465] : memref<2x64x512xf32, #tpu.memory_space<vmem>> -> memref<1x64x512xf32, #tpu.memory_space<vmem>>
        %swap3A_467 = tpu.memref_squeeze %swap3A_466 : memref<1x64x512xf32, #tpu.memory_space<vmem>> -> memref<64x512xf32, #tpu.memory_space<vmem>>
        %swap3A_468 = arith.index_cast %swap3A_463 : i32 to index
        %swap3A_469 = arith.index_cast %mul3A_141 : i32 to index
        %swap3A_470 = tpu.vector_load %swap3A_467[%swap3A_468, %swap3A_469] {strides = array<i32>} : memref<64x512xf32, #tpu.memory_space<vmem>>, vector<16xf32>,
        tpu.vector_store %swap3A_467[%swap3A_468, %swap3A_469], %gather3A_434 {strides = array<i32>} : memref<64x512xf32, #tpu.memory_space<vmem>>, vector<16xf32>,
        %swap3A_471 = arith.constant 25 : i32
        %swap3A_472 = arith.constant 0 : i32
        %swap3A_473 = arith.constant 0 : i32
        %swap3A_474 = tpu.memref_slice %arg7[%scan3A, %swap3A_472, %swap3A_473] : memref<2x64x512xf32, #tpu.memory_space<vmem>> -> memref<1x64x512xf32, #tpu.memory_space<vmem>>
        %swap3A_475 = tpu.memref_squeeze %swap3A_474 : memref<1x64x512xf32, #tpu.memory_space<vmem>> -> memref<64x512xf32, #tpu.memory_space<vmem>>
        %swap3A_476 = arith.index_cast %swap3A_471 : i32 to index
        %swap3A_477 = arith.index_cast %mul3A_141 : i32 to index
        %swap3A_478 = tpu.vector_load %swap3A_475[%swap3A_476, %swap3A_477] {strides = array<i32>} : memref<64x512xf32, #tpu.memory_space<vmem>>, vector<16xf32>,
        tpu.vector_store %swap3A_475[%swap3A_476, %swap3A_477], %gather3A_438 {strides = array<i32>} : memref<64x512xf32, #tpu.memory_space<vmem>>, vector<16xf32>,
        %swap3A_479 = arith.constant 26 : i32
        %swap3A_480 = arith.constant 0 : i32
        %swap3A_481 = arith.constant 0 : i32
        %swap3A_482 = tpu.memref_slice %arg7[%scan3A, %swap3A_480, %swap3A_481] : memref<2x64x512xf32, #tpu.memory_space<vmem>> -> memref<1x64x512xf32, #tpu.memory_space<vmem>>
        %swap3A_483 = tpu.memref_squeeze %swap3A_482 : memref<1x64x512xf32, #tpu.memory_space<vmem>> -> memref<64x512xf32, #tpu.memory_space<vmem>>
        %swap3A_484 = arith.index_cast %swap3A_479 : i32 to index
        %swap3A_485 = arith.index_cast %mul3A_141 : i32 to index
        %swap3A_486 = tpu.vector_load %swap3A_483[%swap3A_484, %swap3A_485] {strides = array<i32>} : memref<64x512xf32, #tpu.memory_space<vmem>>, vector<16xf32>,
        tpu.vector_store %swap3A_483[%swap3A_484, %swap3A_485], %gather3A_442 {strides = array<i32>} : memref<64x512xf32, #tpu.memory_space<vmem>>, vector<16xf32>,
        %swap3A_487 = arith.constant 27 : i32
        %swap3A_488 = arith.constant 0 : i32
        %swap3A_489 = arith.constant 0 : i32
        %swap3A_490 = tpu.memref_slice %arg7[%scan3A, %swap3A_488, %swap3A_489] : memref<2x64x512xf32, #tpu.memory_space<vmem>> -> memref<1x64x512xf32, #tpu.memory_space<vmem>>
        %swap3A_491 = tpu.memref_squeeze %swap3A_490 : memref<1x64x512xf32, #tpu.memory_space<vmem>> -> memref<64x512xf32, #tpu.memory_space<vmem>>
        %swap3A_492 = arith.index_cast %swap3A_487 : i32 to index
        %swap3A_493 = arith.index_cast %mul3A_141 : i32 to index
        %swap3A_494 = tpu.vector_load %swap3A_491[%swap3A_492, %swap3A_493] {strides = array<i32>} : memref<64x512xf32, #tpu.memory_space<vmem>>, vector<16xf32>,
        tpu.vector_store %swap3A_491[%swap3A_492, %swap3A_493], %gather3A_446 {strides = array<i32>} : memref<64x512xf32, #tpu.memory_space<vmem>>, vector<16xf32>,
        %swap3A_495 = arith.constant 28 : i32
        %swap3A_496 = arith.constant 0 : i32
        %swap3A_497 = arith.constant 0 : i32
        %swap3A_498 = tpu.memref_slice %arg7[%scan3A, %swap3A_496, %swap3A_497] : memref<2x64x512xf32, #tpu.memory_space<vmem>> -> memref<1x64x512xf32, #tpu.memory_space<vmem>>
        %swap3A_499 = tpu.memref_squeeze %swap3A_498 : memref<1x64x512xf32, #tpu.memory_space<vmem>> -> memref<64x512xf32, #tpu.memory_space<vmem>>
        %swap3A_500 = arith.index_cast %swap3A_495 : i32 to index
        %swap3A_501 = arith.index_cast %mul3A_141 : i32 to index
        %swap3A_502 = tpu.vector_load %swap3A_499[%swap3A_500, %swap3A_501] {strides = array<i32>} : memref<64x512xf32, #tpu.memory_space<vmem>>, vector<16xf32>,
        tpu.vector_store %swap3A_499[%swap3A_500, %swap3A_501], %gather3A_450 {strides = array<i32>} : memref<64x512xf32, #tpu.memory_space<vmem>>, vector<16xf32>,
        %swap3A_503 = arith.constant 29 : i32
        %swap3A_504 = arith.constant 0 : i32
        %swap3A_505 = arith.constant 0 : i32
        %swap3A_506 = tpu.memref_slice %arg7[%scan3A, %swap3A_504, %swap3A_505] : memref<2x64x512xf32, #tpu.memory_space<vmem>> -> memref<1x64x512xf32, #tpu.memory_space<vmem>>
        %swap3A_507 = tpu.memref_squeeze %swap3A_506 : memref<1x64x512xf32, #tpu.memory_space<vmem>> -> memref<64x512xf32, #tpu.memory_space<vmem>>
        %swap3A_508 = arith.index_cast %swap3A_503 : i32 to index
        %swap3A_509 = arith.index_cast %mul3A_141 : i32 to index
        %swap3A_510 = tpu.vector_load %swap3A_507[%swap3A_508, %swap3A_509] {strides = array<i32>} : memref<64x512xf32, #tpu.memory_space<vmem>>, vector<16xf32>,
        tpu.vector_store %swap3A_507[%swap3A_508, %swap3A_509], %gather3A_454 {strides = array<i32>} : memref<64x512xf32, #tpu.memory_space<vmem>>, vector<16xf32>,
        %swap3A_511 = arith.constant 30 : i32
        %swap3A_512 = arith.constant 0 : i32
        %swap3A_513 = arith.constant 0 : i32
        %swap3A_514 = tpu.memref_slice %arg7[%scan3A, %swap3A_512, %swap3A_513] : memref<2x64x512xf32, #tpu.memory_space<vmem>> -> memref<1x64x512xf32, #tpu.memory_space<vmem>>
        %swap3A_515 = tpu.memref_squeeze %swap3A_514 : memref<1x64x512xf32, #tpu.memory_space<vmem>> -> memref<64x512xf32, #tpu.memory_space<vmem>>
        %swap3A_516 = arith.index_cast %swap3A_511 : i32 to index
        %swap3A_517 = arith.index_cast %mul3A_141 : i32 to index
        %swap3A_518 = tpu.vector_load %swap3A_515[%swap3A_516, %swap3A_517] {strides = array<i32>} : memref<64x512xf32, #tpu.memory_space<vmem>>, vector<16xf32>,
        tpu.vector_store %swap3A_515[%swap3A_516, %swap3A_517], %gather3A_458 {strides = array<i32>} : memref<64x512xf32, #tpu.memory_space<vmem>>, vector<16xf32>,
        %swap3A_519 = arith.constant 31 : i32
        %swap3A_520 = arith.constant 0 : i32
        %swap3A_521 = arith.constant 0 : i32
        %swap3A_522 = tpu.memref_slice %arg7[%scan3A, %swap3A_520, %swap3A_521] : memref<2x64x512xf32, #tpu.memory_space<vmem>> -> memref<1x64x512xf32, #tpu.memory_space<vmem>>
        %swap3A_523 = tpu.memref_squeeze %swap3A_522 : memref<1x64x512xf32, #tpu.memory_space<vmem>> -> memref<64x512xf32, #tpu.memory_space<vmem>>
        %swap3A_524 = arith.index_cast %swap3A_519 : i32 to index
        %swap3A_525 = arith.index_cast %mul3A_141 : i32 to index
        %swap3A_526 = tpu.vector_load %swap3A_523[%swap3A_524, %swap3A_525] {strides = array<i32>} : memref<64x512xf32, #tpu.memory_space<vmem>>, vector<16xf32>,
        tpu.vector_store %swap3A_523[%swap3A_524, %swap3A_525], %gather3A_462 {strides = array<i32>} : memref<64x512xf32, #tpu.memory_space<vmem>>, vector<16xf32>,
        %add3A_527 = arith.constant 3264 : i32
        %add3A_528 = vector.broadcast %add3A_527 : i32 to vector<16xi32>
        %add3A_529 = arith.addi %get3A_144, %add3A_528 : vector<16xi32>
        %gather3A_530 = tpu.vector_load_idx %arg5[%add3A_529] : memref<6528xf32, #tpu.memory_space<vmem>>[vector<16xi32>], vector<16xf32>,
        %add3A_531 = arith.constant 3366 : i32
        %add3A_532 = vector.broadcast %add3A_531 : i32 to vector<16xi32>
        %add3A_533 = arith.addi %get3A_144, %add3A_532 : vector<16xi32>
        %gather3A_534 = tpu.vector_load_idx %arg5[%add3A_533] : memref<6528xf32, #tpu.memory_space<vmem>>[vector<16xi32>], vector<16xf32>,
        %add3A_535 = arith.constant 3468 : i32
        %add3A_536 = vector.broadcast %add3A_535 : i32 to vector<16xi32>
        %add3A_537 = arith.addi %get3A_144, %add3A_536 : vector<16xi32>
        %gather3A_538 = tpu.vector_load_idx %arg5[%add3A_537] : memref<6528xf32, #tpu.memory_space<vmem>>[vector<16xi32>], vector<16xf32>,
        %add3A_539 = arith.constant 3570 : i32
        %add3A_540 = vector.broadcast %add3A_539 : i32 to vector<16xi32>
        %add3A_541 = arith.addi %get3A_144, %add3A_540 : vector<16xi32>
        %gather3A_542 = tpu.vector_load_idx %arg5[%add3A_541] : memref<6528xf32, #tpu.memory_space<vmem>>[vector<16xi32>], vector<16xf32>,
        %add3A_543 = arith.constant 3672 : i32
        %add3A_544 = vector.broadcast %add3A_543 : i32 to vector<16xi32>
        %add3A_545 = arith.addi %get3A_144, %add3A_544 : vector<16xi32>
        %gather3A_546 = tpu.vector_load_idx %arg5[%add3A_545] : memref<6528xf32, #tpu.memory_space<vmem>>[vector<16xi32>], vector<16xf32>,
        %add3A_547 = arith.constant 3774 : i32
        %add3A_548 = vector.broadcast %add3A_547 : i32 to vector<16xi32>
        %add3A_549 = arith.addi %get3A_144, %add3A_548 : vector<16xi32>
        %gather3A_550 = tpu.vector_load_idx %arg5[%add3A_549] : memref<6528xf32, #tpu.memory_space<vmem>>[vector<16xi32>], vector<16xf32>,
        %add3A_551 = arith.constant 3876 : i32
        %add3A_552 = vector.broadcast %add3A_551 : i32 to vector<16xi32>
        %add3A_553 = arith.addi %get3A_144, %add3A_552 : vector<16xi32>
        %gather3A_554 = tpu.vector_load_idx %arg5[%add3A_553] : memref<6528xf32, #tpu.memory_space<vmem>>[vector<16xi32>], vector<16xf32>,
        %add3A_555 = arith.constant 3978 : i32
        %add3A_556 = vector.broadcast %add3A_555 : i32 to vector<16xi32>
        %add3A_557 = arith.addi %get3A_144, %add3A_556 : vector<16xi32>
        %gather3A_558 = tpu.vector_load_idx %arg5[%add3A_557] : memref<6528xf32, #tpu.memory_space<vmem>>[vector<16xi32>], vector<16xf32>,
        %swap3A_559 = arith.constant 32 : i32
        %swap3A_560 = arith.constant 0 : i32
        %swap3A_561 = arith.constant 0 : i32
        %swap3A_562 = tpu.memref_slice %arg7[%scan3A, %swap3A_560, %swap3A_561] : memref<2x64x512xf32, #tpu.memory_space<vmem>> -> memref<1x64x512xf32, #tpu.memory_space<vmem>>
        %swap3A_563 = tpu.memref_squeeze %swap3A_562 : memref<1x64x512xf32, #tpu.memory_space<vmem>> -> memref<64x512xf32, #tpu.memory_space<vmem>>
        %swap3A_564 = arith.index_cast %swap3A_559 : i32 to index
        %swap3A_565 = arith.index_cast %mul3A_141 : i32 to index
        %swap3A_566 = tpu.vector_load %swap3A_563[%swap3A_564, %swap3A_565] {strides = array<i32>} : memref<64x512xf32, #tpu.memory_space<vmem>>, vector<16xf32>,
        tpu.vector_store %swap3A_563[%swap3A_564, %swap3A_565], %gather3A_530 {strides = array<i32>} : memref<64x512xf32, #tpu.memory_space<vmem>>, vector<16xf32>,
        %swap3A_567 = arith.constant 33 : i32
        %swap3A_568 = arith.constant 0 : i32
        %swap3A_569 = arith.constant 0 : i32
        %swap3A_570 = tpu.memref_slice %arg7[%scan3A, %swap3A_568, %swap3A_569] : memref<2x64x512xf32, #tpu.memory_space<vmem>> -> memref<1x64x512xf32, #tpu.memory_space<vmem>>
        %swap3A_571 = tpu.memref_squeeze %swap3A_570 : memref<1x64x512xf32, #tpu.memory_space<vmem>> -> memref<64x512xf32, #tpu.memory_space<vmem>>
        %swap3A_572 = arith.index_cast %swap3A_567 : i32 to index
        %swap3A_573 = arith.index_cast %mul3A_141 : i32 to index
        %swap3A_574 = tpu.vector_load %swap3A_571[%swap3A_572, %swap3A_573] {strides = array<i32>} : memref<64x512xf32, #tpu.memory_space<vmem>>, vector<16xf32>,
        tpu.vector_store %swap3A_571[%swap3A_572, %swap3A_573], %gather3A_534 {strides = array<i32>} : memref<64x512xf32, #tpu.memory_space<vmem>>, vector<16xf32>,
        %swap3A_575 = arith.constant 34 : i32
        %swap3A_576 = arith.constant 0 : i32
        %swap3A_577 = arith.constant 0 : i32
        %swap3A_578 = tpu.memref_slice %arg7[%scan3A, %swap3A_576, %swap3A_577] : memref<2x64x512xf32, #tpu.memory_space<vmem>> -> memref<1x64x512xf32, #tpu.memory_space<vmem>>
        %swap3A_579 = tpu.memref_squeeze %swap3A_578 : memref<1x64x512xf32, #tpu.memory_space<vmem>> -> memref<64x512xf32, #tpu.memory_space<vmem>>
        %swap3A_580 = arith.index_cast %swap3A_575 : i32 to index
        %swap3A_581 = arith.index_cast %mul3A_141 : i32 to index
        %swap3A_582 = tpu.vector_load %swap3A_579[%swap3A_580, %swap3A_581] {strides = array<i32>} : memref<64x512xf32, #tpu.memory_space<vmem>>, vector<16xf32>,
        tpu.vector_store %swap3A_579[%swap3A_580, %swap3A_581], %gather3A_538 {strides = array<i32>} : memref<64x512xf32, #tpu.memory_space<vmem>>, vector<16xf32>,
        %swap3A_583 = arith.constant 35 : i32
        %swap3A_584 = arith.constant 0 : i32
        %swap3A_585 = arith.constant 0 : i32
        %swap3A_586 = tpu.memref_slice %arg7[%scan3A, %swap3A_584, %swap3A_585] : memref<2x64x512xf32, #tpu.memory_space<vmem>> -> memref<1x64x512xf32, #tpu.memory_space<vmem>>
        %swap3A_587 = tpu.memref_squeeze %swap3A_586 : memref<1x64x512xf32, #tpu.memory_space<vmem>> -> memref<64x512xf32, #tpu.memory_space<vmem>>
        %swap3A_588 = arith.index_cast %swap3A_583 : i32 to index
        %swap3A_589 = arith.index_cast %mul3A_141 : i32 to index
        %swap3A_590 = tpu.vector_load %swap3A_587[%swap3A_588, %swap3A_589] {strides = array<i32>} : memref<64x512xf32, #tpu.memory_space<vmem>>, vector<16xf32>,
        tpu.vector_store %swap3A_587[%swap3A_588, %swap3A_589], %gather3A_542 {strides = array<i32>} : memref<64x512xf32, #tpu.memory_space<vmem>>, vector<16xf32>,
        %swap3A_591 = arith.constant 36 : i32
        %swap3A_592 = arith.constant 0 : i32
        %swap3A_593 = arith.constant 0 : i32
        %swap3A_594 = tpu.memref_slice %arg7[%scan3A, %swap3A_592, %swap3A_593] : memref<2x64x512xf32, #tpu.memory_space<vmem>> -> memref<1x64x512xf32, #tpu.memory_space<vmem>>
        %swap3A_595 = tpu.memref_squeeze %swap3A_594 : memref<1x64x512xf32, #tpu.memory_space<vmem>> -> memref<64x512xf32, #tpu.memory_space<vmem>>
        %swap3A_596 = arith.index_cast %swap3A_591 : i32 to index
        %swap3A_597 = arith.index_cast %mul3A_141 : i32 to index
        %swap3A_598 = tpu.vector_load %swap3A_595[%swap3A_596, %swap3A_597] {strides = array<i32>} : memref<64x512xf32, #tpu.memory_space<vmem>>, vector<16xf32>,
        tpu.vector_store %swap3A_595[%swap3A_596, %swap3A_597], %gather3A_546 {strides = array<i32>} : memref<64x512xf32, #tpu.memory_space<vmem>>, vector<16xf32>,
        %swap3A_599 = arith.constant 37 : i32
        %swap3A_600 = arith.constant 0 : i32
        %swap3A_601 = arith.constant 0 : i32
        %swap3A_602 = tpu.memref_slice %arg7[%scan3A, %swap3A_600, %swap3A_601] : memref<2x64x512xf32, #tpu.memory_space<vmem>> -> memref<1x64x512xf32, #tpu.memory_space<vmem>>
        %swap3A_603 = tpu.memref_squeeze %swap3A_602 : memref<1x64x512xf32, #tpu.memory_space<vmem>> -> memref<64x512xf32, #tpu.memory_space<vmem>>
        %swap3A_604 = arith.index_cast %swap3A_599 : i32 to index
        %swap3A_605 = arith.index_cast %mul3A_141 : i32 to index
        %swap3A_606 = tpu.vector_load %swap3A_603[%swap3A_604, %swap3A_605] {strides = array<i32>} : memref<64x512xf32, #tpu.memory_space<vmem>>, vector<16xf32>,
        tpu.vector_store %swap3A_603[%swap3A_604, %swap3A_605], %gather3A_550 {strides = array<i32>} : memref<64x512xf32, #tpu.memory_space<vmem>>, vector<16xf32>,
        %swap3A_607 = arith.constant 38 : i32
        %swap3A_608 = arith.constant 0 : i32
        %swap3A_609 = arith.constant 0 : i32
        %swap3A_610 = tpu.memref_slice %arg7[%scan3A, %swap3A_608, %swap3A_609] : memref<2x64x512xf32, #tpu.memory_space<vmem>> -> memref<1x64x512xf32, #tpu.memory_space<vmem>>
        %swap3A_611 = tpu.memref_squeeze %swap3A_610 : memref<1x64x512xf32, #tpu.memory_space<vmem>> -> memref<64x512xf32, #tpu.memory_space<vmem>>
        %swap3A_612 = arith.index_cast %swap3A_607 : i32 to index
        %swap3A_613 = arith.index_cast %mul3A_141 : i32 to index
        %swap3A_614 = tpu.vector_load %swap3A_611[%swap3A_612, %swap3A_613] {strides = array<i32>} : memref<64x512xf32, #tpu.memory_space<vmem>>, vector<16xf32>,
        tpu.vector_store %swap3A_611[%swap3A_612, %swap3A_613], %gather3A_554 {strides = array<i32>} : memref<64x512xf32, #tpu.memory_space<vmem>>, vector<16xf32>,
        %swap3A_615 = arith.constant 39 : i32
        %swap3A_616 = arith.constant 0 : i32
        %swap3A_617 = arith.constant 0 : i32
        %swap3A_618 = tpu.memref_slice %arg7[%scan3A, %swap3A_616, %swap3A_617] : memref<2x64x512xf32, #tpu.memory_space<vmem>> -> memref<1x64x512xf32, #tpu.memory_space<vmem>>
        %swap3A_619 = tpu.memref_squeeze %swap3A_618 : memref<1x64x512xf32, #tpu.memory_space<vmem>> -> memref<64x512xf32, #tpu.memory_space<vmem>>
        %swap3A_620 = arith.index_cast %swap3A_615 : i32 to index
        %swap3A_621 = arith.index_cast %mul3A_141 : i32 to index
        %swap3A_622 = tpu.vector_load %swap3A_619[%swap3A_620, %swap3A_621] {strides = array<i32>} : memref<64x512xf32, #tpu.memory_space<vmem>>, vector<16xf32>,
        tpu.vector_store %swap3A_619[%swap3A_620, %swap3A_621], %gather3A_558 {strides = array<i32>} : memref<64x512xf32, #tpu.memory_space<vmem>>, vector<16xf32>,
        %add3A_623 = arith.constant 4080 : i32
        %add3A_624 = vector.broadcast %add3A_623 : i32 to vector<16xi32>
        %add3A_625 = arith.addi %get3A_144, %add3A_624 : vector<16xi32>
        %gather3A_626 = tpu.vector_load_idx %arg5[%add3A_625] : memref<6528xf32, #tpu.memory_space<vmem>>[vector<16xi32>], vector<16xf32>,
        %add3A_627 = arith.constant 4182 : i32
        %add3A_628 = vector.broadcast %add3A_627 : i32 to vector<16xi32>
        %add3A_629 = arith.addi %get3A_144, %add3A_628 : vector<16xi32>
        %gather3A_630 = tpu.vector_load_idx %arg5[%add3A_629] : memref<6528xf32, #tpu.memory_space<vmem>>[vector<16xi32>], vector<16xf32>,
        %add3A_631 = arith.constant 4284 : i32
        %add3A_632 = vector.broadcast %add3A_631 : i32 to vector<16xi32>
        %add3A_633 = arith.addi %get3A_144, %add3A_632 : vector<16xi32>
        %gather3A_634 = tpu.vector_load_idx %arg5[%add3A_633] : memref<6528xf32, #tpu.memory_space<vmem>>[vector<16xi32>], vector<16xf32>,
        %add3A_635 = arith.constant 4386 : i32
        %add3A_636 = vector.broadcast %add3A_635 : i32 to vector<16xi32>
        %add3A_637 = arith.addi %get3A_144, %add3A_636 : vector<16xi32>
        %gather3A_638 = tpu.vector_load_idx %arg5[%add3A_637] : memref<6528xf32, #tpu.memory_space<vmem>>[vector<16xi32>], vector<16xf32>,
        %add3A_639 = arith.constant 4488 : i32
        %add3A_640 = vector.broadcast %add3A_639 : i32 to vector<16xi32>
        %add3A_641 = arith.addi %get3A_144, %add3A_640 : vector<16xi32>
        %gather3A_642 = tpu.vector_load_idx %arg5[%add3A_641] : memref<6528xf32, #tpu.memory_space<vmem>>[vector<16xi32>], vector<16xf32>,
        %add3A_643 = arith.constant 4590 : i32
        %add3A_644 = vector.broadcast %add3A_643 : i32 to vector<16xi32>
        %add3A_645 = arith.addi %get3A_144, %add3A_644 : vector<16xi32>
        %gather3A_646 = tpu.vector_load_idx %arg5[%add3A_645] : memref<6528xf32, #tpu.memory_space<vmem>>[vector<16xi32>], vector<16xf32>,
        %add3A_647 = arith.constant 4692 : i32
        %add3A_648 = vector.broadcast %add3A_647 : i32 to vector<16xi32>
        %add3A_649 = arith.addi %get3A_144, %add3A_648 : vector<16xi32>
        %gather3A_650 = tpu.vector_load_idx %arg5[%add3A_649] : memref<6528xf32, #tpu.memory_space<vmem>>[vector<16xi32>], vector<16xf32>,
        %add3A_651 = arith.constant 4794 : i32
        %add3A_652 = vector.broadcast %add3A_651 : i32 to vector<16xi32>
        %add3A_653 = arith.addi %get3A_144, %add3A_652 : vector<16xi32>
        %gather3A_654 = tpu.vector_load_idx %arg5[%add3A_653] : memref<6528xf32, #tpu.memory_space<vmem>>[vector<16xi32>], vector<16xf32>,
        %swap3A_655 = arith.constant 40 : i32
        %swap3A_656 = arith.constant 0 : i32
        %swap3A_657 = arith.constant 0 : i32
        %swap3A_658 = tpu.memref_slice %arg7[%scan3A, %swap3A_656, %swap3A_657] : memref<2x64x512xf32, #tpu.memory_space<vmem>> -> memref<1x64x512xf32, #tpu.memory_space<vmem>>
        %swap3A_659 = tpu.memref_squeeze %swap3A_658 : memref<1x64x512xf32, #tpu.memory_space<vmem>> -> memref<64x512xf32, #tpu.memory_space<vmem>>
        %swap3A_660 = arith.index_cast %swap3A_655 : i32 to index
        %swap3A_661 = arith.index_cast %mul3A_141 : i32 to index
        %swap3A_662 = tpu.vector_load %swap3A_659[%swap3A_660, %swap3A_661] {strides = array<i32>} : memref<64x512xf32, #tpu.memory_space<vmem>>, vector<16xf32>,
        tpu.vector_store %swap3A_659[%swap3A_660, %swap3A_661], %gather3A_626 {strides = array<i32>} : memref<64x512xf32, #tpu.memory_space<vmem>>, vector<16xf32>,
        %swap3A_663 = arith.constant 41 : i32
        %swap3A_664 = arith.constant 0 : i32
        %swap3A_665 = arith.constant 0 : i32
        %swap3A_666 = tpu.memref_slice %arg7[%scan3A, %swap3A_664, %swap3A_665] : memref<2x64x512xf32, #tpu.memory_space<vmem>> -> memref<1x64x512xf32, #tpu.memory_space<vmem>>
        %swap3A_667 = tpu.memref_squeeze %swap3A_666 : memref<1x64x512xf32, #tpu.memory_space<vmem>> -> memref<64x512xf32, #tpu.memory_space<vmem>>
        %swap3A_668 = arith.index_cast %swap3A_663 : i32 to index
        %swap3A_669 = arith.index_cast %mul3A_141 : i32 to index
        %swap3A_670 = tpu.vector_load %swap3A_667[%swap3A_668, %swap3A_669] {strides = array<i32>} : memref<64x512xf32, #tpu.memory_space<vmem>>, vector<16xf32>,
        tpu.vector_store %swap3A_667[%swap3A_668, %swap3A_669], %gather3A_630 {strides = array<i32>} : memref<64x512xf32, #tpu.memory_space<vmem>>, vector<16xf32>,
        %swap3A_671 = arith.constant 42 : i32
        %swap3A_672 = arith.constant 0 : i32
        %swap3A_673 = arith.constant 0 : i32
        %swap3A_674 = tpu.memref_slice %arg7[%scan3A, %swap3A_672, %swap3A_673] : memref<2x64x512xf32, #tpu.memory_space<vmem>> -> memref<1x64x512xf32, #tpu.memory_space<vmem>>
        %swap3A_675 = tpu.memref_squeeze %swap3A_674 : memref<1x64x512xf32, #tpu.memory_space<vmem>> -> memref<64x512xf32, #tpu.memory_space<vmem>>
        %swap3A_676 = arith.index_cast %swap3A_671 : i32 to index
        %swap3A_677 = arith.index_cast %mul3A_141 : i32 to index
        %swap3A_678 = tpu.vector_load %swap3A_675[%swap3A_676, %swap3A_677] {strides = array<i32>} : memref<64x512xf32, #tpu.memory_space<vmem>>, vector<16xf32>,
        tpu.vector_store %swap3A_675[%swap3A_676, %swap3A_677], %gather3A_634 {strides = array<i32>} : memref<64x512xf32, #tpu.memory_space<vmem>>, vector<16xf32>,
        %swap3A_679 = arith.constant 43 : i32
        %swap3A_680 = arith.constant 0 : i32
        %swap3A_681 = arith.constant 0 : i32
        %swap3A_682 = tpu.memref_slice %arg7[%scan3A, %swap3A_680, %swap3A_681] : memref<2x64x512xf32, #tpu.memory_space<vmem>> -> memref<1x64x512xf32, #tpu.memory_space<vmem>>
        %swap3A_683 = tpu.memref_squeeze %swap3A_682 : memref<1x64x512xf32, #tpu.memory_space<vmem>> -> memref<64x512xf32, #tpu.memory_space<vmem>>
        %swap3A_684 = arith.index_cast %swap3A_679 : i32 to index
        %swap3A_685 = arith.index_cast %mul3A_141 : i32 to index
        %swap3A_686 = tpu.vector_load %swap3A_683[%swap3A_684, %swap3A_685] {strides = array<i32>} : memref<64x512xf32, #tpu.memory_space<vmem>>, vector<16xf32>,
        tpu.vector_store %swap3A_683[%swap3A_684, %swap3A_685], %gather3A_638 {strides = array<i32>} : memref<64x512xf32, #tpu.memory_space<vmem>>, vector<16xf32>,
        %swap3A_687 = arith.constant 44 : i32
        %swap3A_688 = arith.constant 0 : i32
        %swap3A_689 = arith.constant 0 : i32
        %swap3A_690 = tpu.memref_slice %arg7[%scan3A, %swap3A_688, %swap3A_689] : memref<2x64x512xf32, #tpu.memory_space<vmem>> -> memref<1x64x512xf32, #tpu.memory_space<vmem>>
        %swap3A_691 = tpu.memref_squeeze %swap3A_690 : memref<1x64x512xf32, #tpu.memory_space<vmem>> -> memref<64x512xf32, #tpu.memory_space<vmem>>
        %swap3A_692 = arith.index_cast %swap3A_687 : i32 to index
        %swap3A_693 = arith.index_cast %mul3A_141 : i32 to index
        %swap3A_694 = tpu.vector_load %swap3A_691[%swap3A_692, %swap3A_693] {strides = array<i32>} : memref<64x512xf32, #tpu.memory_space<vmem>>, vector<16xf32>,
        tpu.vector_store %swap3A_691[%swap3A_692, %swap3A_693], %gather3A_642 {strides = array<i32>} : memref<64x512xf32, #tpu.memory_space<vmem>>, vector<16xf32>,
        %swap3A_695 = arith.constant 45 : i32
        %swap3A_696 = arith.constant 0 : i32
        %swap3A_697 = arith.constant 0 : i32
        %swap3A_698 = tpu.memref_slice %arg7[%scan3A, %swap3A_696, %swap3A_697] : memref<2x64x512xf32, #tpu.memory_space<vmem>> -> memref<1x64x512xf32, #tpu.memory_space<vmem>>
        %swap3A_699 = tpu.memref_squeeze %swap3A_698 : memref<1x64x512xf32, #tpu.memory_space<vmem>> -> memref<64x512xf32, #tpu.memory_space<vmem>>
        %swap3A_700 = arith.index_cast %swap3A_695 : i32 to index
        %swap3A_701 = arith.index_cast %mul3A_141 : i32 to index
        %swap3A_702 = tpu.vector_load %swap3A_699[%swap3A_700, %swap3A_701] {strides = array<i32>} : memref<64x512xf32, #tpu.memory_space<vmem>>, vector<16xf32>,
        tpu.vector_store %swap3A_699[%swap3A_700, %swap3A_701], %gather3A_646 {strides = array<i32>} : memref<64x512xf32, #tpu.memory_space<vmem>>, vector<16xf32>,
        %swap3A_703 = arith.constant 46 : i32
        %swap3A_704 = arith.constant 0 : i32
        %swap3A_705 = arith.constant 0 : i32
        %swap3A_706 = tpu.memref_slice %arg7[%scan3A, %swap3A_704, %swap3A_705] : memref<2x64x512xf32, #tpu.memory_space<vmem>> -> memref<1x64x512xf32, #tpu.memory_space<vmem>>
        %swap3A_707 = tpu.memref_squeeze %swap3A_706 : memref<1x64x512xf32, #tpu.memory_space<vmem>> -> memref<64x512xf32, #tpu.memory_space<vmem>>
        %swap3A_708 = arith.index_cast %swap3A_703 : i32 to index
        %swap3A_709 = arith.index_cast %mul3A_141 : i32 to index
        %swap3A_710 = tpu.vector_load %swap3A_707[%swap3A_708, %swap3A_709] {strides = array<i32>} : memref<64x512xf32, #tpu.memory_space<vmem>>, vector<16xf32>,
        tpu.vector_store %swap3A_707[%swap3A_708, %swap3A_709], %gather3A_650 {strides = array<i32>} : memref<64x512xf32, #tpu.memory_space<vmem>>, vector<16xf32>,
        %swap3A_711 = arith.constant 47 : i32
        %swap3A_712 = arith.constant 0 : i32
        %swap3A_713 = arith.constant 0 : i32
        %swap3A_714 = tpu.memref_slice %arg7[%scan3A, %swap3A_712, %swap3A_713] : memref<2x64x512xf32, #tpu.memory_space<vmem>> -> memref<1x64x512xf32, #tpu.memory_space<vmem>>
        %swap3A_715 = tpu.memref_squeeze %swap3A_714 : memref<1x64x512xf32, #tpu.memory_space<vmem>> -> memref<64x512xf32, #tpu.memory_space<vmem>>
        %swap3A_716 = arith.index_cast %swap3A_711 : i32 to index
        %swap3A_717 = arith.index_cast %mul3A_141 : i32 to index
        %swap3A_718 = tpu.vector_load %swap3A_715[%swap3A_716, %swap3A_717] {strides = array<i32>} : memref<64x512xf32, #tpu.memory_space<vmem>>, vector<16xf32>,
        tpu.vector_store %swap3A_715[%swap3A_716, %swap3A_717], %gather3A_654 {strides = array<i32>} : memref<64x512xf32, #tpu.memory_space<vmem>>, vector<16xf32>,
        %add3A_719 = arith.constant 4896 : i32
        %add3A_720 = vector.broadcast %add3A_719 : i32 to vector<16xi32>
        %add3A_721 = arith.addi %get3A_144, %add3A_720 : vector<16xi32>
        %gather3A_722 = tpu.vector_load_idx %arg5[%add3A_721] : memref<6528xf32, #tpu.memory_space<vmem>>[vector<16xi32>], vector<16xf32>,
        %add3A_723 = arith.constant 4998 : i32
        %add3A_724 = vector.broadcast %add3A_723 : i32 to vector<16xi32>
        %add3A_725 = arith.addi %get3A_144, %add3A_724 : vector<16xi32>
        %gather3A_726 = tpu.vector_load_idx %arg5[%add3A_725] : memref<6528xf32, #tpu.memory_space<vmem>>[vector<16xi32>], vector<16xf32>,
        %add3A_727 = arith.constant 5100 : i32
        %add3A_728 = vector.broadcast %add3A_727 : i32 to vector<16xi32>
        %add3A_729 = arith.addi %get3A_144, %add3A_728 : vector<16xi32>
        %gather3A_730 = tpu.vector_load_idx %arg5[%add3A_729] : memref<6528xf32, #tpu.memory_space<vmem>>[vector<16xi32>], vector<16xf32>,
        %add3A_731 = arith.constant 5202 : i32
        %add3A_732 = vector.broadcast %add3A_731 : i32 to vector<16xi32>
        %add3A_733 = arith.addi %get3A_144, %add3A_732 : vector<16xi32>
        %gather3A_734 = tpu.vector_load_idx %arg5[%add3A_733] : memref<6528xf32, #tpu.memory_space<vmem>>[vector<16xi32>], vector<16xf32>,
        %add3A_735 = arith.constant 5304 : i32
        %add3A_736 = vector.broadcast %add3A_735 : i32 to vector<16xi32>
        %add3A_737 = arith.addi %get3A_144, %add3A_736 : vector<16xi32>
        %gather3A_738 = tpu.vector_load_idx %arg5[%add3A_737] : memref<6528xf32, #tpu.memory_space<vmem>>[vector<16xi32>], vector<16xf32>,
        %add3A_739 = arith.constant 5406 : i32
        %add3A_740 = vector.broadcast %add3A_739 : i32 to vector<16xi32>
        %add3A_741 = arith.addi %get3A_144, %add3A_740 : vector<16xi32>
        %gather3A_742 = tpu.vector_load_idx %arg5[%add3A_741] : memref<6528xf32, #tpu.memory_space<vmem>>[vector<16xi32>], vector<16xf32>,
        %add3A_743 = arith.constant 5508 : i32
        %add3A_744 = vector.broadcast %add3A_743 : i32 to vector<16xi32>
        %add3A_745 = arith.addi %get3A_144, %add3A_744 : vector<16xi32>
        %gather3A_746 = tpu.vector_load_idx %arg5[%add3A_745] : memref<6528xf32, #tpu.memory_space<vmem>>[vector<16xi32>], vector<16xf32>,
        %add3A_747 = arith.constant 5610 : i32
        %add3A_748 = vector.broadcast %add3A_747 : i32 to vector<16xi32>
        %add3A_749 = arith.addi %get3A_144, %add3A_748 : vector<16xi32>
        %gather3A_750 = tpu.vector_load_idx %arg5[%add3A_749] : memref<6528xf32, #tpu.memory_space<vmem>>[vector<16xi32>], vector<16xf32>,
        %swap3A_751 = arith.constant 48 : i32
        %swap3A_752 = arith.constant 0 : i32
        %swap3A_753 = arith.constant 0 : i32
        %swap3A_754 = tpu.memref_slice %arg7[%scan3A, %swap3A_752, %swap3A_753] : memref<2x64x512xf32, #tpu.memory_space<vmem>> -> memref<1x64x512xf32, #tpu.memory_space<vmem>>
        %swap3A_755 = tpu.memref_squeeze %swap3A_754 : memref<1x64x512xf32, #tpu.memory_space<vmem>> -> memref<64x512xf32, #tpu.memory_space<vmem>>
        %swap3A_756 = arith.index_cast %swap3A_751 : i32 to index
        %swap3A_757 = arith.index_cast %mul3A_141 : i32 to index
        %swap3A_758 = tpu.vector_load %swap3A_755[%swap3A_756, %swap3A_757] {strides = array<i32>} : memref<64x512xf32, #tpu.memory_space<vmem>>, vector<16xf32>,
        tpu.vector_store %swap3A_755[%swap3A_756, %swap3A_757], %gather3A_722 {strides = array<i32>} : memref<64x512xf32, #tpu.memory_space<vmem>>, vector<16xf32>,
        %swap3A_759 = arith.constant 49 : i32
        %swap3A_760 = arith.constant 0 : i32
        %swap3A_761 = arith.constant 0 : i32
        %swap3A_762 = tpu.memref_slice %arg7[%scan3A, %swap3A_760, %swap3A_761] : memref<2x64x512xf32, #tpu.memory_space<vmem>> -> memref<1x64x512xf32, #tpu.memory_space<vmem>>
        %swap3A_763 = tpu.memref_squeeze %swap3A_762 : memref<1x64x512xf32, #tpu.memory_space<vmem>> -> memref<64x512xf32, #tpu.memory_space<vmem>>
        %swap3A_764 = arith.index_cast %swap3A_759 : i32 to index
        %swap3A_765 = arith.index_cast %mul3A_141 : i32 to index
        %swap3A_766 = tpu.vector_load %swap3A_763[%swap3A_764, %swap3A_765] {strides = array<i32>} : memref<64x512xf32, #tpu.memory_space<vmem>>, vector<16xf32>,
        tpu.vector_store %swap3A_763[%swap3A_764, %swap3A_765], %gather3A_726 {strides = array<i32>} : memref<64x512xf32, #tpu.memory_space<vmem>>, vector<16xf32>,
        %swap3A_767 = arith.constant 50 : i32
        %swap3A_768 = arith.constant 0 : i32
        %swap3A_769 = arith.constant 0 : i32
        %swap3A_770 = tpu.memref_slice %arg7[%scan3A, %swap3A_768, %swap3A_769] : memref<2x64x512xf32, #tpu.memory_space<vmem>> -> memref<1x64x512xf32, #tpu.memory_space<vmem>>
        %swap3A_771 = tpu.memref_squeeze %swap3A_770 : memref<1x64x512xf32, #tpu.memory_space<vmem>> -> memref<64x512xf32, #tpu.memory_space<vmem>>
        %swap3A_772 = arith.index_cast %swap3A_767 : i32 to index
        %swap3A_773 = arith.index_cast %mul3A_141 : i32 to index
        %swap3A_774 = tpu.vector_load %swap3A_771[%swap3A_772, %swap3A_773] {strides = array<i32>} : memref<64x512xf32, #tpu.memory_space<vmem>>, vector<16xf32>,
        tpu.vector_store %swap3A_771[%swap3A_772, %swap3A_773], %gather3A_730 {strides = array<i32>} : memref<64x512xf32, #tpu.memory_space<vmem>>, vector<16xf32>,
        %swap3A_775 = arith.constant 51 : i32
        %swap3A_776 = arith.constant 0 : i32
        %swap3A_777 = arith.constant 0 : i32
        %swap3A_778 = tpu.memref_slice %arg7[%scan3A, %swap3A_776, %swap3A_777] : memref<2x64x512xf32, #tpu.memory_space<vmem>> -> memref<1x64x512xf32, #tpu.memory_space<vmem>>
        %swap3A_779 = tpu.memref_squeeze %swap3A_778 : memref<1x64x512xf32, #tpu.memory_space<vmem>> -> memref<64x512xf32, #tpu.memory_space<vmem>>
        %swap3A_780 = arith.index_cast %swap3A_775 : i32 to index
        %swap3A_781 = arith.index_cast %mul3A_141 : i32 to index
        %swap3A_782 = tpu.vector_load %swap3A_779[%swap3A_780, %swap3A_781] {strides = array<i32>} : memref<64x512xf32, #tpu.memory_space<vmem>>, vector<16xf32>,
        tpu.vector_store %swap3A_779[%swap3A_780, %swap3A_781], %gather3A_734 {strides = array<i32>} : memref<64x512xf32, #tpu.memory_space<vmem>>, vector<16xf32>,
        %swap3A_783 = arith.constant 52 : i32
        %swap3A_784 = arith.constant 0 : i32
        %swap3A_785 = arith.constant 0 : i32
        %swap3A_786 = tpu.memref_slice %arg7[%scan3A, %swap3A_784, %swap3A_785] : memref<2x64x512xf32, #tpu.memory_space<vmem>> -> memref<1x64x512xf32, #tpu.memory_space<vmem>>
        %swap3A_787 = tpu.memref_squeeze %swap3A_786 : memref<1x64x512xf32, #tpu.memory_space<vmem>> -> memref<64x512xf32, #tpu.memory_space<vmem>>
        %swap3A_788 = arith.index_cast %swap3A_783 : i32 to index
        %swap3A_789 = arith.index_cast %mul3A_141 : i32 to index
        %swap3A_790 = tpu.vector_load %swap3A_787[%swap3A_788, %swap3A_789] {strides = array<i32>} : memref<64x512xf32, #tpu.memory_space<vmem>>, vector<16xf32>,
        tpu.vector_store %swap3A_787[%swap3A_788, %swap3A_789], %gather3A_738 {strides = array<i32>} : memref<64x512xf32, #tpu.memory_space<vmem>>, vector<16xf32>,
        %swap3A_791 = arith.constant 53 : i32
        %swap3A_792 = arith.constant 0 : i32
        %swap3A_793 = arith.constant 0 : i32
        %swap3A_794 = tpu.memref_slice %arg7[%scan3A, %swap3A_792, %swap3A_793] : memref<2x64x512xf32, #tpu.memory_space<vmem>> -> memref<1x64x512xf32, #tpu.memory_space<vmem>>
        %swap3A_795 = tpu.memref_squeeze %swap3A_794 : memref<1x64x512xf32, #tpu.memory_space<vmem>> -> memref<64x512xf32, #tpu.memory_space<vmem>>
        %swap3A_796 = arith.index_cast %swap3A_791 : i32 to index
        %swap3A_797 = arith.index_cast %mul3A_141 : i32 to index
        %swap3A_798 = tpu.vector_load %swap3A_795[%swap3A_796, %swap3A_797] {strides = array<i32>} : memref<64x512xf32, #tpu.memory_space<vmem>>, vector<16xf32>,
        tpu.vector_store %swap3A_795[%swap3A_796, %swap3A_797], %gather3A_742 {strides = array<i32>} : memref<64x512xf32, #tpu.memory_space<vmem>>, vector<16xf32>,
        %swap3A_799 = arith.constant 54 : i32
        %swap3A_800 = arith.constant 0 : i32
        %swap3A_801 = arith.constant 0 : i32
        %swap3A_802 = tpu.memref_slice %arg7[%scan3A, %swap3A_800, %swap3A_801] : memref<2x64x512xf32, #tpu.memory_space<vmem>> -> memref<1x64x512xf32, #tpu.memory_space<vmem>>
        %swap3A_803 = tpu.memref_squeeze %swap3A_802 : memref<1x64x512xf32, #tpu.memory_space<vmem>> -> memref<64x512xf32, #tpu.memory_space<vmem>>
        %swap3A_804 = arith.index_cast %swap3A_799 : i32 to index
        %swap3A_805 = arith.index_cast %mul3A_141 : i32 to index
        %swap3A_806 = tpu.vector_load %swap3A_803[%swap3A_804, %swap3A_805] {strides = array<i32>} : memref<64x512xf32, #tpu.memory_space<vmem>>, vector<16xf32>,
        tpu.vector_store %swap3A_803[%swap3A_804, %swap3A_805], %gather3A_746 {strides = array<i32>} : memref<64x512xf32, #tpu.memory_space<vmem>>, vector<16xf32>,
        %swap3A_807 = arith.constant 55 : i32
        %swap3A_808 = arith.constant 0 : i32
        %swap3A_809 = arith.constant 0 : i32
        %swap3A_810 = tpu.memref_slice %arg7[%scan3A, %swap3A_808, %swap3A_809] : memref<2x64x512xf32, #tpu.memory_space<vmem>> -> memref<1x64x512xf32, #tpu.memory_space<vmem>>
        %swap3A_811 = tpu.memref_squeeze %swap3A_810 : memref<1x64x512xf32, #tpu.memory_space<vmem>> -> memref<64x512xf32, #tpu.memory_space<vmem>>
        %swap3A_812 = arith.index_cast %swap3A_807 : i32 to index
        %swap3A_813 = arith.index_cast %mul3A_141 : i32 to index
        %swap3A_814 = tpu.vector_load %swap3A_811[%swap3A_812, %swap3A_813] {strides = array<i32>} : memref<64x512xf32, #tpu.memory_space<vmem>>, vector<16xf32>,
        tpu.vector_store %swap3A_811[%swap3A_812, %swap3A_813], %gather3A_750 {strides = array<i32>} : memref<64x512xf32, #tpu.memory_space<vmem>>, vector<16xf32>,
        %add3A_815 = arith.constant 5712 : i32
        %add3A_816 = vector.broadcast %add3A_815 : i32 to vector<16xi32>
        %add3A_817 = arith.addi %get3A_144, %add3A_816 : vector<16xi32>
        %gather3A_818 = tpu.vector_load_idx %arg5[%add3A_817] : memref<6528xf32, #tpu.memory_space<vmem>>[vector<16xi32>], vector<16xf32>,
        %add3A_819 = arith.constant 5814 : i32
        %add3A_820 = vector.broadcast %add3A_819 : i32 to vector<16xi32>
        %add3A_821 = arith.addi %get3A_144, %add3A_820 : vector<16xi32>
        %gather3A_822 = tpu.vector_load_idx %arg5[%add3A_821] : memref<6528xf32, #tpu.memory_space<vmem>>[vector<16xi32>], vector<16xf32>,
        %add3A_823 = arith.constant 5916 : i32
        %add3A_824 = vector.broadcast %add3A_823 : i32 to vector<16xi32>
        %add3A_825 = arith.addi %get3A_144, %add3A_824 : vector<16xi32>
        %gather3A_826 = tpu.vector_load_idx %arg5[%add3A_825] : memref<6528xf32, #tpu.memory_space<vmem>>[vector<16xi32>], vector<16xf32>,
        %add3A_827 = arith.constant 6018 : i32
        %add3A_828 = vector.broadcast %add3A_827 : i32 to vector<16xi32>
        %add3A_829 = arith.addi %get3A_144, %add3A_828 : vector<16xi32>
        %gather3A_830 = tpu.vector_load_idx %arg5[%add3A_829] : memref<6528xf32, #tpu.memory_space<vmem>>[vector<16xi32>], vector<16xf32>,
        %add3A_831 = arith.constant 6120 : i32
        %add3A_832 = vector.broadcast %add3A_831 : i32 to vector<16xi32>
        %add3A_833 = arith.addi %get3A_144, %add3A_832 : vector<16xi32>
        %gather3A_834 = tpu.vector_load_idx %arg5[%add3A_833] : memref<6528xf32, #tpu.memory_space<vmem>>[vector<16xi32>], vector<16xf32>,
        %add3A_835 = arith.constant 6222 : i32
        %add3A_836 = vector.broadcast %add3A_835 : i32 to vector<16xi32>
        %add3A_837 = arith.addi %get3A_144, %add3A_836 : vector<16xi32>
        %gather3A_838 = tpu.vector_load_idx %arg5[%add3A_837] : memref<6528xf32, #tpu.memory_space<vmem>>[vector<16xi32>], vector<16xf32>,
        %add3A_839 = arith.constant 6324 : i32
        %add3A_840 = vector.broadcast %add3A_839 : i32 to vector<16xi32>
        %add3A_841 = arith.addi %get3A_144, %add3A_840 : vector<16xi32>
        %gather3A_842 = tpu.vector_load_idx %arg5[%add3A_841] : memref<6528xf32, #tpu.memory_space<vmem>>[vector<16xi32>], vector<16xf32>,
        %add3A_843 = arith.constant 6426 : i32
        %add3A_844 = vector.broadcast %add3A_843 : i32 to vector<16xi32>
        %add3A_845 = arith.addi %get3A_144, %add3A_844 : vector<16xi32>
        %gather3A_846 = tpu.vector_load_idx %arg5[%add3A_845] : memref<6528xf32, #tpu.memory_space<vmem>>[vector<16xi32>], vector<16xf32>,
        %swap3A_847 = arith.constant 56 : i32
        %swap3A_848 = arith.constant 0 : i32
        %swap3A_849 = arith.constant 0 : i32
        %swap3A_850 = tpu.memref_slice %arg7[%scan3A, %swap3A_848, %swap3A_849] : memref<2x64x512xf32, #tpu.memory_space<vmem>> -> memref<1x64x512xf32, #tpu.memory_space<vmem>>
        %swap3A_851 = tpu.memref_squeeze %swap3A_850 : memref<1x64x512xf32, #tpu.memory_space<vmem>> -> memref<64x512xf32, #tpu.memory_space<vmem>>
        %swap3A_852 = arith.index_cast %swap3A_847 : i32 to index
        %swap3A_853 = arith.index_cast %mul3A_141 : i32 to index
        %swap3A_854 = tpu.vector_load %swap3A_851[%swap3A_852, %swap3A_853] {strides = array<i32>} : memref<64x512xf32, #tpu.memory_space<vmem>>, vector<16xf32>,
        tpu.vector_store %swap3A_851[%swap3A_852, %swap3A_853], %gather3A_818 {strides = array<i32>} : memref<64x512xf32, #tpu.memory_space<vmem>>, vector<16xf32>,
        %swap3A_855 = arith.constant 57 : i32
        %swap3A_856 = arith.constant 0 : i32
        %swap3A_857 = arith.constant 0 : i32
        %swap3A_858 = tpu.memref_slice %arg7[%scan3A, %swap3A_856, %swap3A_857] : memref<2x64x512xf32, #tpu.memory_space<vmem>> -> memref<1x64x512xf32, #tpu.memory_space<vmem>>
        %swap3A_859 = tpu.memref_squeeze %swap3A_858 : memref<1x64x512xf32, #tpu.memory_space<vmem>> -> memref<64x512xf32, #tpu.memory_space<vmem>>
        %swap3A_860 = arith.index_cast %swap3A_855 : i32 to index
        %swap3A_861 = arith.index_cast %mul3A_141 : i32 to index
        %swap3A_862 = tpu.vector_load %swap3A_859[%swap3A_860, %swap3A_861] {strides = array<i32>} : memref<64x512xf32, #tpu.memory_space<vmem>>, vector<16xf32>,
        tpu.vector_store %swap3A_859[%swap3A_860, %swap3A_861], %gather3A_822 {strides = array<i32>} : memref<64x512xf32, #tpu.memory_space<vmem>>, vector<16xf32>,
        %swap3A_863 = arith.constant 58 : i32
        %swap3A_864 = arith.constant 0 : i32
        %swap3A_865 = arith.constant 0 : i32
        %swap3A_866 = tpu.memref_slice %arg7[%scan3A, %swap3A_864, %swap3A_865] : memref<2x64x512xf32, #tpu.memory_space<vmem>> -> memref<1x64x512xf32, #tpu.memory_space<vmem>>
        %swap3A_867 = tpu.memref_squeeze %swap3A_866 : memref<1x64x512xf32, #tpu.memory_space<vmem>> -> memref<64x512xf32, #tpu.memory_space<vmem>>
        %swap3A_868 = arith.index_cast %swap3A_863 : i32 to index
        %swap3A_869 = arith.index_cast %mul3A_141 : i32 to index
        %swap3A_870 = tpu.vector_load %swap3A_867[%swap3A_868, %swap3A_869] {strides = array<i32>} : memref<64x512xf32, #tpu.memory_space<vmem>>, vector<16xf32>,
        tpu.vector_store %swap3A_867[%swap3A_868, %swap3A_869], %gather3A_826 {strides = array<i32>} : memref<64x512xf32, #tpu.memory_space<vmem>>, vector<16xf32>,
        %swap3A_871 = arith.constant 59 : i32
        %swap3A_872 = arith.constant 0 : i32
        %swap3A_873 = arith.constant 0 : i32
        %swap3A_874 = tpu.memref_slice %arg7[%scan3A, %swap3A_872, %swap3A_873] : memref<2x64x512xf32, #tpu.memory_space<vmem>> -> memref<1x64x512xf32, #tpu.memory_space<vmem>>
        %swap3A_875 = tpu.memref_squeeze %swap3A_874 : memref<1x64x512xf32, #tpu.memory_space<vmem>> -> memref<64x512xf32, #tpu.memory_space<vmem>>
        %swap3A_876 = arith.index_cast %swap3A_871 : i32 to index
        %swap3A_877 = arith.index_cast %mul3A_141 : i32 to index
        %swap3A_878 = tpu.vector_load %swap3A_875[%swap3A_876, %swap3A_877] {strides = array<i32>} : memref<64x512xf32, #tpu.memory_space<vmem>>, vector<16xf32>,
        tpu.vector_store %swap3A_875[%swap3A_876, %swap3A_877], %gather3A_830 {strides = array<i32>} : memref<64x512xf32, #tpu.memory_space<vmem>>, vector<16xf32>,
        %swap3A_879 = arith.constant 60 : i32
        %swap3A_880 = arith.constant 0 : i32
        %swap3A_881 = arith.constant 0 : i32
        %swap3A_882 = tpu.memref_slice %arg7[%scan3A, %swap3A_880, %swap3A_881] : memref<2x64x512xf32, #tpu.memory_space<vmem>> -> memref<1x64x512xf32, #tpu.memory_space<vmem>>
        %swap3A_883 = tpu.memref_squeeze %swap3A_882 : memref<1x64x512xf32, #tpu.memory_space<vmem>> -> memref<64x512xf32, #tpu.memory_space<vmem>>
        %swap3A_884 = arith.index_cast %swap3A_879 : i32 to index
        %swap3A_885 = arith.index_cast %mul3A_141 : i32 to index
        %swap3A_886 = tpu.vector_load %swap3A_883[%swap3A_884, %swap3A_885] {strides = array<i32>} : memref<64x512xf32, #tpu.memory_space<vmem>>, vector<16xf32>,
        tpu.vector_store %swap3A_883[%swap3A_884, %swap3A_885], %gather3A_834 {strides = array<i32>} : memref<64x512xf32, #tpu.memory_space<vmem>>, vector<16xf32>,
        %swap3A_887 = arith.constant 61 : i32
        %swap3A_888 = arith.constant 0 : i32
        %swap3A_889 = arith.constant 0 : i32
        %swap3A_890 = tpu.memref_slice %arg7[%scan3A, %swap3A_888, %swap3A_889] : memref<2x64x512xf32, #tpu.memory_space<vmem>> -> memref<1x64x512xf32, #tpu.memory_space<vmem>>
        %swap3A_891 = tpu.memref_squeeze %swap3A_890 : memref<1x64x512xf32, #tpu.memory_space<vmem>> -> memref<64x512xf32, #tpu.memory_space<vmem>>
        %swap3A_892 = arith.index_cast %swap3A_887 : i32 to index
        %swap3A_893 = arith.index_cast %mul3A_141 : i32 to index
        %swap3A_894 = tpu.vector_load %swap3A_891[%swap3A_892, %swap3A_893] {strides = array<i32>} : memref<64x512xf32, #tpu.memory_space<vmem>>, vector<16xf32>,
        tpu.vector_store %swap3A_891[%swap3A_892, %swap3A_893], %gather3A_838 {strides = array<i32>} : memref<64x512xf32, #tpu.memory_space<vmem>>, vector<16xf32>,
        %swap3A_895 = arith.constant 62 : i32
        %swap3A_896 = arith.constant 0 : i32
        %swap3A_897 = arith.constant 0 : i32
        %swap3A_898 = tpu.memref_slice %arg7[%scan3A, %swap3A_896, %swap3A_897] : memref<2x64x512xf32, #tpu.memory_space<vmem>> -> memref<1x64x512xf32, #tpu.memory_space<vmem>>
        %swap3A_899 = tpu.memref_squeeze %swap3A_898 : memref<1x64x512xf32, #tpu.memory_space<vmem>> -> memref<64x512xf32, #tpu.memory_space<vmem>>
        %swap3A_900 = arith.index_cast %swap3A_895 : i32 to index
        %swap3A_901 = arith.index_cast %mul3A_141 : i32 to index
        %swap3A_902 = tpu.vector_load %swap3A_899[%swap3A_900, %swap3A_901] {strides = array<i32>} : memref<64x512xf32, #tpu.memory_space<vmem>>, vector<16xf32>,
        tpu.vector_store %swap3A_899[%swap3A_900, %swap3A_901], %gather3A_842 {strides = array<i32>} : memref<64x512xf32, #tpu.memory_space<vmem>>, vector<16xf32>,
        %swap3A_903 = arith.constant 63 : i32
        %swap3A_904 = arith.constant 0 : i32
        %swap3A_905 = arith.constant 0 : i32
        %swap3A_906 = tpu.memref_slice %arg7[%scan3A, %swap3A_904, %swap3A_905] : memref<2x64x512xf32, #tpu.memory_space<vmem>> -> memref<1x64x512xf32, #tpu.memory_space<vmem>>
        %swap3A_907 = tpu.memref_squeeze %swap3A_906 : memref<1x64x512xf32, #tpu.memory_space<vmem>> -> memref<64x512xf32, #tpu.memory_space<vmem>>
        %swap3A_908 = arith.index_cast %swap3A_903 : i32 to index
        %swap3A_909 = arith.index_cast %mul3A_141 : i32 to index
        %swap3A_910 = tpu.vector_load %swap3A_907[%swap3A_908, %swap3A_909] {strides = array<i32>} : memref<64x512xf32, #tpu.memory_space<vmem>>, vector<16xf32>,
        tpu.vector_store %swap3A_907[%swap3A_908, %swap3A_909], %gather3A_846 {strides = array<i32>} : memref<64x512xf32, #tpu.memory_space<vmem>>, vector<16xf32>,
      }
      %scan3A_77 = arith.constant 32 : i32
      %lt3A = arith.constant 99 : i32
      %lt3A_78 = arith.cmpi slt, %scan3A_56, %lt3A : i32
      %convert_element_type3A_79 = arith.extui %lt3A_78 : i1 to i32
      %cond3A_80 = arith.constant 0 : i32
      %cond3A_81 = arith.cmpi ne, %convert_element_type3A_79, %cond3A_80 : i32
      scf.if %cond3A_81 {
        %add3A_139 = arith.constant 2 : i32
        %add3A_140 = arith.addi %add3A_60, %add3A_139 : i32
        %mul3A_141 = arith.constant 16384 : i32
        %mul3A_142 = arith.muli %add3A_140, %mul3A_141 : i32
        %add3A_143 = arith.addi %mul3A_142, %mul3A_2 : i32
        %multiple_of3A_144 = tpu.assume_multiple %add3A_143, 8 : i32
        %dma_start3A_145 = arith.constant 0 : i32
        %dma_start3A_146 = tpu.memref_slice %arg6[%dma_start3A_145] : memref<1024xi32, #tpu.memory_space<vmem>> -> memref<512xi32, #tpu.memory_space<vmem>>
        %dma_start3A_147 = tpu.memref_slice %arg2[%multiple_of3A_144] : memref<3276800xi32, #tpu.memory_space<hbm>> -> memref<512xi32, #tpu.memory_space<hbm>>
        %dma_start3A_148 = arith.constant 0 : i32
        %dma_start3A_149 = tpu.memref_slice %arg6[%dma_start3A_148] : memref<1024xi32, #tpu.memory_space<vmem>> -> memref<512xi32, #tpu.memory_space<vmem>>
        %dma_start3A_150 = tpu.memref_slice %arg2[%multiple_of3A_144] : memref<3276800xi32, #tpu.memory_space<hbm>> -> memref<512xi32, #tpu.memory_space<hbm>>
        tpu.enqueue_dma source(%dma_start3A_150 : memref<512xi32, #tpu.memory_space<hbm>>) target(%dma_start3A_149 : memref<512xi32, #tpu.memory_space<vmem>>) target_semaphore(%arg8 : memref<!tpu.dma_semaphore, #tpu.memory_space<semaphore_mem>>)
      } else {
      }
      %dma_start3A_82 = arith.constant 0 : i32
      %dma_start3A_83 = arith.constant 0 : i32
      %dma_start3A_84 = tpu.memref_slice %arg7[%scan3A, %dma_start3A_82, %dma_start3A_83] : memref<2x64x512xf32, #tpu.memory_space<vmem>> -> memref<1x64x512xf32, #tpu.memory_space<vmem>>
      %dma_start3A_85 = tpu.memref_squeeze %dma_start3A_84 : memref<1x64x512xf32, #tpu.memory_space<vmem>> -> memref<64x512xf32, #tpu.memory_space<vmem>>
      %dma_start3A_86 = arith.constant 0 : i32
      %dma_start3A_87 = tpu.memref_slice %arg4[%add3A_60, %dma_start3A_86, %mul3A_2] : memref<200x64x16384xf32, #tpu.memory_space<hbm>> -> memref<1x64x512xf32, #tpu.memory_space<hbm>>
      %dma_start3A_88 = tpu.memref_squeeze %dma_start3A_87 : memref<1x64x512xf32, #tpu.memory_space<hbm>> -> memref<64x512xf32, #tpu.memory_space<hbm>>
      %dma_start3A_89 = arith.constant 0 : i32
      %dma_start3A_90 = tpu.memref_slice %arg4[%add3A_60, %dma_start3A_89, %mul3A_2] : memref<200x64x16384xf32, #tpu.memory_space<hbm>> -> memref<1x64x512xf32, #tpu.memory_space<hbm>>
      %dma_start3A_91 = tpu.memref_squeeze %dma_start3A_90 : memref<1x64x512xf32, #tpu.memory_space<hbm>> -> memref<64x512xf32, #tpu.memory_space<hbm>>
      %dma_start3A_92 = arith.constant 0 : i32
      %dma_start3A_93 = arith.constant 0 : i32
      %dma_start3A_94 = tpu.memref_slice %arg7[%scan3A, %dma_start3A_92, %dma_start3A_93] : memref<2x64x512xf32, #tpu.memory_space<vmem>> -> memref<1x64x512xf32, #tpu.memory_space<vmem>>
      %dma_start3A_95 = tpu.memref_squeeze %dma_start3A_94 : memref<1x64x512xf32, #tpu.memory_space<vmem>> -> memref<64x512xf32, #tpu.memory_space<vmem>>
      tpu.enqueue_dma source(%dma_start3A_95 : memref<64x512xf32, #tpu.memory_space<vmem>>) target(%dma_start3A_91 : memref<64x512xf32, #tpu.memory_space<hbm>>) target_semaphore(%arg10 : memref<!tpu.dma_semaphore, #tpu.memory_space<semaphore_mem>>)
      %mul3A_96 = arith.constant 2 : i32
      %mul3A_97 = arith.muli %mul3A_96, %scan3A_56 : i32
      %add3A_98 = arith.constant 1 : i32
      %add3A_99 = arith.addi %mul3A_97, %add3A_98 : i32
      %mul3A_100 = arith.constant 16384 : i32
      %mul3A_101 = arith.muli %add3A_99, %mul3A_100 : i32
      %add3A_102 = arith.addi %mul3A_101, %mul3A_2 : i32
      %multiple_of3A_103 = tpu.assume_multiple %add3A_102, 8 : i32
      %dma_wait3A_104 = arith.constant 512 : i32
      %dma_wait3A_105 = tpu.memref_slice %arg6[%dma_wait3A_104] : memref<1024xi32, #tpu.memory_space<vmem>> -> memref<512xi32, #tpu.memory_space<vmem>>
      %dma_wait3A_106 = tpu.memref_slice %arg2[%multiple_of3A_103] : memref<3276800xi32, #tpu.memory_space<hbm>> -> memref<512xi32, #tpu.memory_space<hbm>>
      %dma_wait3A_107 = arith.constant 512 : i32
      %dma_wait3A_108 = tpu.memref_slice %arg6[%dma_wait3A_107] : memref<1024xi32, #tpu.memory_space<vmem>> -> memref<512xi32, #tpu.memory_space<vmem>>
      %dma_wait3A_109 = tpu.memref_slice %arg2[%multiple_of3A_103] : memref<3276800xi32, #tpu.memory_space<hbm>> -> memref<512xi32, #tpu.memory_space<hbm>>
      tpu.wait_dma2 semaphore(%arg9 : memref<!tpu.dma_semaphore, #tpu.memory_space<semaphore_mem>>) src(%dma_wait3A_109 : memref<512xi32, #tpu.memory_space<hbm>>) dst(%dma_wait3A_108 : memref<512xi32, #tpu.memory_space<vmem>>)
      %gt3A_110 = arith.constant 0 : i32
      %gt3A_111 = arith.cmpi sgt, %scan3A_56, %gt3A_110 : i32
      %convert_element_type3A_112 = arith.extui %gt3A_111 : i1 to i32
      %cond3A_113 = arith.constant 0 : i32
      %cond3A_114 = arith.cmpi ne, %convert_element_type3A_112, %cond3A_113 : i32
      scf.if %cond3A_114 {
        %sub3A = arith.constant 2 : i32
        %sub3A_139 = arith.subi %add3A_99, %sub3A : i32
        %dma_wait3A_140 = arith.constant 0 : i32
        %dma_wait3A_141 = arith.constant 0 : i32
        %dma_wait3A_142 = tpu.memref_slice %arg7[%scan3A_19, %dma_wait3A_140, %dma_wait3A_141] : memref<2x64x512xf32, #tpu.memory_space<vmem>> -> memref<1x64x512xf32, #tpu.memory_space<vmem>>
        %dma_wait3A_143 = tpu.memref_squeeze %dma_wait3A_142 : memref<1x64x512xf32, #tpu.memory_space<vmem>> -> memref<64x512xf32, #tpu.memory_space<vmem>>
        %dma_wait3A_144 = arith.constant 0 : i32
        %dma_wait3A_145 = tpu.memref_slice %arg4[%sub3A_139, %dma_wait3A_144, %mul3A_2] : memref<200x64x16384xf32, #tpu.memory_space<hbm>> -> memref<1x64x512xf32, #tpu.memory_space<hbm>>
        %dma_wait3A_146 = tpu.memref_squeeze %dma_wait3A_145 : memref<1x64x512xf32, #tpu.memory_space<hbm>> -> memref<64x512xf32, #tpu.memory_space<hbm>>
        %dma_wait3A_147 = arith.constant 0 : i32
        %dma_wait3A_148 = tpu.memref_slice %arg4[%sub3A_139, %dma_wait3A_147, %mul3A_2] : memref<200x64x16384xf32, #tpu.memory_space<hbm>> -> memref<1x64x512xf32, #tpu.memory_space<hbm>>
        %dma_wait3A_149 = tpu.memref_squeeze %dma_wait3A_148 : memref<1x64x512xf32, #tpu.memory_space<hbm>> -> memref<64x512xf32, #tpu.memory_space<hbm>>
        %dma_wait3A_150 = arith.constant 0 : i32
        %dma_wait3A_151 = arith.constant 0 : i32
        %dma_wait3A_152 = tpu.memref_slice %arg7[%scan3A_19, %dma_wait3A_150, %dma_wait3A_151] : memref<2x64x512xf32, #tpu.memory_space<vmem>> -> memref<1x64x512xf32, #tpu.memory_space<vmem>>
        %dma_wait3A_153 = tpu.memref_squeeze %dma_wait3A_152 : memref<1x64x512xf32, #tpu.memory_space<vmem>> -> memref<64x512xf32, #tpu.memory_space<vmem>>
        tpu.wait_dma2 semaphore(%arg11 : memref<!tpu.dma_semaphore, #tpu.memory_space<semaphore_mem>>) src(%dma_wait3A_153 : memref<64x512xf32, #tpu.memory_space<vmem>>) dst(%dma_wait3A_149 : memref<64x512xf32, #tpu.memory_space<hbm>>)
      } else {
      }
      %scan3A_115 = arith.constant 0 : i32
      %scan3A_116 = arith.constant 32 : i32
      %scan3A_117 = arith.addi %scan3A_115, %scan3A_116 : i32
      %scan3A_118 = arith.constant 1 : i32
      scf.for %scan3A_139 = %scan3A_115 to %scan3A_117 step %scan3A_118  : i32 {
        %mul3A_140 = arith.constant 16 : i32
        %mul3A_141 = arith.muli %scan3A_139, %mul3A_140 : i32
        %get3A = arith.constant 512 : i32
        %get3A_142 = tpu.memref_slice %arg6[%get3A] : memref<1024xi32, #tpu.memory_space<vmem>> -> memref<512xi32, #tpu.memory_space<vmem>>
        %get3A_143 = arith.index_cast %mul3A_141 : i32 to index
        %get3A_144 = tpu.vector_load %get3A_142[%get3A_143] {strides = array<i32>} : memref<512xi32, #tpu.memory_space<vmem>>, vector<16xi32>,
        %add3A_145 = arith.constant 0 : i32
        %add3A_146 = vector.broadcast %add3A_145 : i32 to vector<16xi32>
        %add3A_147 = arith.addi %get3A_144, %add3A_146 : vector<16xi32>
        %gather3A = tpu.vector_load_idx %arg5[%add3A_147] : memref<6528xf32, #tpu.memory_space<vmem>>[vector<16xi32>], vector<16xf32>,
        %add3A_148 = arith.constant 102 : i32
        %add3A_149 = vector.broadcast %add3A_148 : i32 to vector<16xi32>
        %add3A_150 = arith.addi %get3A_144, %add3A_149 : vector<16xi32>
        %gather3A_151 = tpu.vector_load_idx %arg5[%add3A_150] : memref<6528xf32, #tpu.memory_space<vmem>>[vector<16xi32>], vector<16xf32>,
        %add3A_152 = arith.constant 204 : i32
        %add3A_153 = vector.broadcast %add3A_152 : i32 to vector<16xi32>
        %add3A_154 = arith.addi %get3A_144, %add3A_153 : vector<16xi32>
        %gather3A_155 = tpu.vector_load_idx %arg5[%add3A_154] : memref<6528xf32, #tpu.memory_space<vmem>>[vector<16xi32>], vector<16xf32>,
        %add3A_156 = arith.constant 306 : i32
        %add3A_157 = vector.broadcast %add3A_156 : i32 to vector<16xi32>
        %add3A_158 = arith.addi %get3A_144, %add3A_157 : vector<16xi32>
        %gather3A_159 = tpu.vector_load_idx %arg5[%add3A_158] : memref<6528xf32, #tpu.memory_space<vmem>>[vector<16xi32>], vector<16xf32>,
        %add3A_160 = arith.constant 408 : i32
        %add3A_161 = vector.broadcast %add3A_160 : i32 to vector<16xi32>
        %add3A_162 = arith.addi %get3A_144, %add3A_161 : vector<16xi32>
        %gather3A_163 = tpu.vector_load_idx %arg5[%add3A_162] : memref<6528xf32, #tpu.memory_space<vmem>>[vector<16xi32>], vector<16xf32>,
        %add3A_164 = arith.constant 510 : i32
        %add3A_165 = vector.broadcast %add3A_164 : i32 to vector<16xi32>
        %add3A_166 = arith.addi %get3A_144, %add3A_165 : vector<16xi32>
        %gather3A_167 = tpu.vector_load_idx %arg5[%add3A_166] : memref<6528xf32, #tpu.memory_space<vmem>>[vector<16xi32>], vector<16xf32>,
        %add3A_168 = arith.constant 612 : i32
        %add3A_169 = vector.broadcast %add3A_168 : i32 to vector<16xi32>
        %add3A_170 = arith.addi %get3A_144, %add3A_169 : vector<16xi32>
        %gather3A_171 = tpu.vector_load_idx %arg5[%add3A_170] : memref<6528xf32, #tpu.memory_space<vmem>>[vector<16xi32>], vector<16xf32>,
        %add3A_172 = arith.constant 714 : i32
        %add3A_173 = vector.broadcast %add3A_172 : i32 to vector<16xi32>
        %add3A_174 = arith.addi %get3A_144, %add3A_173 : vector<16xi32>
        %gather3A_175 = tpu.vector_load_idx %arg5[%add3A_174] : memref<6528xf32, #tpu.memory_space<vmem>>[vector<16xi32>], vector<16xf32>,
        %swap3A = arith.constant 0 : i32
        %swap3A_176 = arith.constant 0 : i32
        %swap3A_177 = arith.constant 0 : i32
        %swap3A_178 = tpu.memref_slice %arg7[%scan3A_19, %swap3A_176, %swap3A_177] : memref<2x64x512xf32, #tpu.memory_space<vmem>> -> memref<1x64x512xf32, #tpu.memory_space<vmem>>
        %swap3A_179 = tpu.memref_squeeze %swap3A_178 : memref<1x64x512xf32, #tpu.memory_space<vmem>> -> memref<64x512xf32, #tpu.memory_space<vmem>>
        %swap3A_180 = arith.index_cast %swap3A : i32 to index
        %swap3A_181 = arith.index_cast %mul3A_141 : i32 to index
        %swap3A_182 = tpu.vector_load %swap3A_179[%swap3A_180, %swap3A_181] {strides = array<i32>} : memref<64x512xf32, #tpu.memory_space<vmem>>, vector<16xf32>,
        tpu.vector_store %swap3A_179[%swap3A_180, %swap3A_181], %gather3A {strides = array<i32>} : memref<64x512xf32, #tpu.memory_space<vmem>>, vector<16xf32>,
        %swap3A_183 = arith.constant 1 : i32
        %swap3A_184 = arith.constant 0 : i32
        %swap3A_185 = arith.constant 0 : i32
        %swap3A_186 = tpu.memref_slice %arg7[%scan3A_19, %swap3A_184, %swap3A_185] : memref<2x64x512xf32, #tpu.memory_space<vmem>> -> memref<1x64x512xf32, #tpu.memory_space<vmem>>
        %swap3A_187 = tpu.memref_squeeze %swap3A_186 : memref<1x64x512xf32, #tpu.memory_space<vmem>> -> memref<64x512xf32, #tpu.memory_space<vmem>>
        %swap3A_188 = arith.index_cast %swap3A_183 : i32 to index
        %swap3A_189 = arith.index_cast %mul3A_141 : i32 to index
        %swap3A_190 = tpu.vector_load %swap3A_187[%swap3A_188, %swap3A_189] {strides = array<i32>} : memref<64x512xf32, #tpu.memory_space<vmem>>, vector<16xf32>,
        tpu.vector_store %swap3A_187[%swap3A_188, %swap3A_189], %gather3A_151 {strides = array<i32>} : memref<64x512xf32, #tpu.memory_space<vmem>>, vector<16xf32>,
        %swap3A_191 = arith.constant 2 : i32
        %swap3A_192 = arith.constant 0 : i32
        %swap3A_193 = arith.constant 0 : i32
        %swap3A_194 = tpu.memref_slice %arg7[%scan3A_19, %swap3A_192, %swap3A_193] : memref<2x64x512xf32, #tpu.memory_space<vmem>> -> memref<1x64x512xf32, #tpu.memory_space<vmem>>
        %swap3A_195 = tpu.memref_squeeze %swap3A_194 : memref<1x64x512xf32, #tpu.memory_space<vmem>> -> memref<64x512xf32, #tpu.memory_space<vmem>>
        %swap3A_196 = arith.index_cast %swap3A_191 : i32 to index
        %swap3A_197 = arith.index_cast %mul3A_141 : i32 to index
        %swap3A_198 = tpu.vector_load %swap3A_195[%swap3A_196, %swap3A_197] {strides = array<i32>} : memref<64x512xf32, #tpu.memory_space<vmem>>, vector<16xf32>,
        tpu.vector_store %swap3A_195[%swap3A_196, %swap3A_197], %gather3A_155 {strides = array<i32>} : memref<64x512xf32, #tpu.memory_space<vmem>>, vector<16xf32>,
        %swap3A_199 = arith.constant 3 : i32
        %swap3A_200 = arith.constant 0 : i32
        %swap3A_201 = arith.constant 0 : i32
        %swap3A_202 = tpu.memref_slice %arg7[%scan3A_19, %swap3A_200, %swap3A_201] : memref<2x64x512xf32, #tpu.memory_space<vmem>> -> memref<1x64x512xf32, #tpu.memory_space<vmem>>
        %swap3A_203 = tpu.memref_squeeze %swap3A_202 : memref<1x64x512xf32, #tpu.memory_space<vmem>> -> memref<64x512xf32, #tpu.memory_space<vmem>>
        %swap3A_204 = arith.index_cast %swap3A_199 : i32 to index
        %swap3A_205 = arith.index_cast %mul3A_141 : i32 to index
        %swap3A_206 = tpu.vector_load %swap3A_203[%swap3A_204, %swap3A_205] {strides = array<i32>} : memref<64x512xf32, #tpu.memory_space<vmem>>, vector<16xf32>,
        tpu.vector_store %swap3A_203[%swap3A_204, %swap3A_205], %gather3A_159 {strides = array<i32>} : memref<64x512xf32, #tpu.memory_space<vmem>>, vector<16xf32>,
        %swap3A_207 = arith.constant 4 : i32
        %swap3A_208 = arith.constant 0 : i32
        %swap3A_209 = arith.constant 0 : i32
        %swap3A_210 = tpu.memref_slice %arg7[%scan3A_19, %swap3A_208, %swap3A_209] : memref<2x64x512xf32, #tpu.memory_space<vmem>> -> memref<1x64x512xf32, #tpu.memory_space<vmem>>
        %swap3A_211 = tpu.memref_squeeze %swap3A_210 : memref<1x64x512xf32, #tpu.memory_space<vmem>> -> memref<64x512xf32, #tpu.memory_space<vmem>>
        %swap3A_212 = arith.index_cast %swap3A_207 : i32 to index
        %swap3A_213 = arith.index_cast %mul3A_141 : i32 to index
        %swap3A_214 = tpu.vector_load %swap3A_211[%swap3A_212, %swap3A_213] {strides = array<i32>} : memref<64x512xf32, #tpu.memory_space<vmem>>, vector<16xf32>,
        tpu.vector_store %swap3A_211[%swap3A_212, %swap3A_213], %gather3A_163 {strides = array<i32>} : memref<64x512xf32, #tpu.memory_space<vmem>>, vector<16xf32>,
        %swap3A_215 = arith.constant 5 : i32
        %swap3A_216 = arith.constant 0 : i32
        %swap3A_217 = arith.constant 0 : i32
        %swap3A_218 = tpu.memref_slice %arg7[%scan3A_19, %swap3A_216, %swap3A_217] : memref<2x64x512xf32, #tpu.memory_space<vmem>> -> memref<1x64x512xf32, #tpu.memory_space<vmem>>
        %swap3A_219 = tpu.memref_squeeze %swap3A_218 : memref<1x64x512xf32, #tpu.memory_space<vmem>> -> memref<64x512xf32, #tpu.memory_space<vmem>>
        %swap3A_220 = arith.index_cast %swap3A_215 : i32 to index
        %swap3A_221 = arith.index_cast %mul3A_141 : i32 to index
        %swap3A_222 = tpu.vector_load %swap3A_219[%swap3A_220, %swap3A_221] {strides = array<i32>} : memref<64x512xf32, #tpu.memory_space<vmem>>, vector<16xf32>,
        tpu.vector_store %swap3A_219[%swap3A_220, %swap3A_221], %gather3A_167 {strides = array<i32>} : memref<64x512xf32, #tpu.memory_space<vmem>>, vector<16xf32>,
        %swap3A_223 = arith.constant 6 : i32
        %swap3A_224 = arith.constant 0 : i32
        %swap3A_225 = arith.constant 0 : i32
        %swap3A_226 = tpu.memref_slice %arg7[%scan3A_19, %swap3A_224, %swap3A_225] : memref<2x64x512xf32, #tpu.memory_space<vmem>> -> memref<1x64x512xf32, #tpu.memory_space<vmem>>
        %swap3A_227 = tpu.memref_squeeze %swap3A_226 : memref<1x64x512xf32, #tpu.memory_space<vmem>> -> memref<64x512xf32, #tpu.memory_space<vmem>>
        %swap3A_228 = arith.index_cast %swap3A_223 : i32 to index
        %swap3A_229 = arith.index_cast %mul3A_141 : i32 to index
        %swap3A_230 = tpu.vector_load %swap3A_227[%swap3A_228, %swap3A_229] {strides = array<i32>} : memref<64x512xf32, #tpu.memory_space<vmem>>, vector<16xf32>,
        tpu.vector_store %swap3A_227[%swap3A_228, %swap3A_229], %gather3A_171 {strides = array<i32>} : memref<64x512xf32, #tpu.memory_space<vmem>>, vector<16xf32>,
        %swap3A_231 = arith.constant 7 : i32
        %swap3A_232 = arith.constant 0 : i32
        %swap3A_233 = arith.constant 0 : i32
        %swap3A_234 = tpu.memref_slice %arg7[%scan3A_19, %swap3A_232, %swap3A_233] : memref<2x64x512xf32, #tpu.memory_space<vmem>> -> memref<1x64x512xf32, #tpu.memory_space<vmem>>
        %swap3A_235 = tpu.memref_squeeze %swap3A_234 : memref<1x64x512xf32, #tpu.memory_space<vmem>> -> memref<64x512xf32, #tpu.memory_space<vmem>>
        %swap3A_236 = arith.index_cast %swap3A_231 : i32 to index
        %swap3A_237 = arith.index_cast %mul3A_141 : i32 to index
        %swap3A_238 = tpu.vector_load %swap3A_235[%swap3A_236, %swap3A_237] {strides = array<i32>} : memref<64x512xf32, #tpu.memory_space<vmem>>, vector<16xf32>,
        tpu.vector_store %swap3A_235[%swap3A_236, %swap3A_237], %gather3A_175 {strides = array<i32>} : memref<64x512xf32, #tpu.memory_space<vmem>>, vector<16xf32>,
        %add3A_239 = arith.constant 816 : i32
        %add3A_240 = vector.broadcast %add3A_239 : i32 to vector<16xi32>
        %add3A_241 = arith.addi %get3A_144, %add3A_240 : vector<16xi32>
        %gather3A_242 = tpu.vector_load_idx %arg5[%add3A_241] : memref<6528xf32, #tpu.memory_space<vmem>>[vector<16xi32>], vector<16xf32>,
        %add3A_243 = arith.constant 918 : i32
        %add3A_244 = vector.broadcast %add3A_243 : i32 to vector<16xi32>
        %add3A_245 = arith.addi %get3A_144, %add3A_244 : vector<16xi32>
        %gather3A_246 = tpu.vector_load_idx %arg5[%add3A_245] : memref<6528xf32, #tpu.memory_space<vmem>>[vector<16xi32>], vector<16xf32>,
        %add3A_247 = arith.constant 1020 : i32
        %add3A_248 = vector.broadcast %add3A_247 : i32 to vector<16xi32>
        %add3A_249 = arith.addi %get3A_144, %add3A_248 : vector<16xi32>
        %gather3A_250 = tpu.vector_load_idx %arg5[%add3A_249] : memref<6528xf32, #tpu.memory_space<vmem>>[vector<16xi32>], vector<16xf32>,
        %add3A_251 = arith.constant 1122 : i32
        %add3A_252 = vector.broadcast %add3A_251 : i32 to vector<16xi32>
        %add3A_253 = arith.addi %get3A_144, %add3A_252 : vector<16xi32>
        %gather3A_254 = tpu.vector_load_idx %arg5[%add3A_253] : memref<6528xf32, #tpu.memory_space<vmem>>[vector<16xi32>], vector<16xf32>,
        %add3A_255 = arith.constant 1224 : i32
        %add3A_256 = vector.broadcast %add3A_255 : i32 to vector<16xi32>
        %add3A_257 = arith.addi %get3A_144, %add3A_256 : vector<16xi32>
        %gather3A_258 = tpu.vector_load_idx %arg5[%add3A_257] : memref<6528xf32, #tpu.memory_space<vmem>>[vector<16xi32>], vector<16xf32>,
        %add3A_259 = arith.constant 1326 : i32
        %add3A_260 = vector.broadcast %add3A_259 : i32 to vector<16xi32>
        %add3A_261 = arith.addi %get3A_144, %add3A_260 : vector<16xi32>
        %gather3A_262 = tpu.vector_load_idx %arg5[%add3A_261] : memref<6528xf32, #tpu.memory_space<vmem>>[vector<16xi32>], vector<16xf32>,
        %add3A_263 = arith.constant 1428 : i32
        %add3A_264 = vector.broadcast %add3A_263 : i32 to vector<16xi32>
        %add3A_265 = arith.addi %get3A_144, %add3A_264 : vector<16xi32>
        %gather3A_266 = tpu.vector_load_idx %arg5[%add3A_265] : memref<6528xf32, #tpu.memory_space<vmem>>[vector<16xi32>], vector<16xf32>,
        %add3A_267 = arith.constant 1530 : i32
        %add3A_268 = vector.broadcast %add3A_267 : i32 to vector<16xi32>
        %add3A_269 = arith.addi %get3A_144, %add3A_268 : vector<16xi32>
        %gather3A_270 = tpu.vector_load_idx %arg5[%add3A_269] : memref<6528xf32, #tpu.memory_space<vmem>>[vector<16xi32>], vector<16xf32>,
        %swap3A_271 = arith.constant 8 : i32
        %swap3A_272 = arith.constant 0 : i32
        %swap3A_273 = arith.constant 0 : i32
        %swap3A_274 = tpu.memref_slice %arg7[%scan3A_19, %swap3A_272, %swap3A_273] : memref<2x64x512xf32, #tpu.memory_space<vmem>> -> memref<1x64x512xf32, #tpu.memory_space<vmem>>
        %swap3A_275 = tpu.memref_squeeze %swap3A_274 : memref<1x64x512xf32, #tpu.memory_space<vmem>> -> memref<64x512xf32, #tpu.memory_space<vmem>>
        %swap3A_276 = arith.index_cast %swap3A_271 : i32 to index
        %swap3A_277 = arith.index_cast %mul3A_141 : i32 to index
        %swap3A_278 = tpu.vector_load %swap3A_275[%swap3A_276, %swap3A_277] {strides = array<i32>} : memref<64x512xf32, #tpu.memory_space<vmem>>, vector<16xf32>,
        tpu.vector_store %swap3A_275[%swap3A_276, %swap3A_277], %gather3A_242 {strides = array<i32>} : memref<64x512xf32, #tpu.memory_space<vmem>>, vector<16xf32>,
        %swap3A_279 = arith.constant 9 : i32
        %swap3A_280 = arith.constant 0 : i32
        %swap3A_281 = arith.constant 0 : i32
        %swap3A_282 = tpu.memref_slice %arg7[%scan3A_19, %swap3A_280, %swap3A_281] : memref<2x64x512xf32, #tpu.memory_space<vmem>> -> memref<1x64x512xf32, #tpu.memory_space<vmem>>
        %swap3A_283 = tpu.memref_squeeze %swap3A_282 : memref<1x64x512xf32, #tpu.memory_space<vmem>> -> memref<64x512xf32, #tpu.memory_space<vmem>>
        %swap3A_284 = arith.index_cast %swap3A_279 : i32 to index
        %swap3A_285 = arith.index_cast %mul3A_141 : i32 to index
        %swap3A_286 = tpu.vector_load %swap3A_283[%swap3A_284, %swap3A_285] {strides = array<i32>} : memref<64x512xf32, #tpu.memory_space<vmem>>, vector<16xf32>,
        tpu.vector_store %swap3A_283[%swap3A_284, %swap3A_285], %gather3A_246 {strides = array<i32>} : memref<64x512xf32, #tpu.memory_space<vmem>>, vector<16xf32>,
        %swap3A_287 = arith.constant 10 : i32
        %swap3A_288 = arith.constant 0 : i32
        %swap3A_289 = arith.constant 0 : i32
        %swap3A_290 = tpu.memref_slice %arg7[%scan3A_19, %swap3A_288, %swap3A_289] : memref<2x64x512xf32, #tpu.memory_space<vmem>> -> memref<1x64x512xf32, #tpu.memory_space<vmem>>
        %swap3A_291 = tpu.memref_squeeze %swap3A_290 : memref<1x64x512xf32, #tpu.memory_space<vmem>> -> memref<64x512xf32, #tpu.memory_space<vmem>>
        %swap3A_292 = arith.index_cast %swap3A_287 : i32 to index
        %swap3A_293 = arith.index_cast %mul3A_141 : i32 to index
        %swap3A_294 = tpu.vector_load %swap3A_291[%swap3A_292, %swap3A_293] {strides = array<i32>} : memref<64x512xf32, #tpu.memory_space<vmem>>, vector<16xf32>,
        tpu.vector_store %swap3A_291[%swap3A_292, %swap3A_293], %gather3A_250 {strides = array<i32>} : memref<64x512xf32, #tpu.memory_space<vmem>>, vector<16xf32>,
        %swap3A_295 = arith.constant 11 : i32
        %swap3A_296 = arith.constant 0 : i32
        %swap3A_297 = arith.constant 0 : i32
        %swap3A_298 = tpu.memref_slice %arg7[%scan3A_19, %swap3A_296, %swap3A_297] : memref<2x64x512xf32, #tpu.memory_space<vmem>> -> memref<1x64x512xf32, #tpu.memory_space<vmem>>
        %swap3A_299 = tpu.memref_squeeze %swap3A_298 : memref<1x64x512xf32, #tpu.memory_space<vmem>> -> memref<64x512xf32, #tpu.memory_space<vmem>>
        %swap3A_300 = arith.index_cast %swap3A_295 : i32 to index
        %swap3A_301 = arith.index_cast %mul3A_141 : i32 to index
        %swap3A_302 = tpu.vector_load %swap3A_299[%swap3A_300, %swap3A_301] {strides = array<i32>} : memref<64x512xf32, #tpu.memory_space<vmem>>, vector<16xf32>,
        tpu.vector_store %swap3A_299[%swap3A_300, %swap3A_301], %gather3A_254 {strides = array<i32>} : memref<64x512xf32, #tpu.memory_space<vmem>>, vector<16xf32>,
        %swap3A_303 = arith.constant 12 : i32
        %swap3A_304 = arith.constant 0 : i32
        %swap3A_305 = arith.constant 0 : i32
        %swap3A_306 = tpu.memref_slice %arg7[%scan3A_19, %swap3A_304, %swap3A_305] : memref<2x64x512xf32, #tpu.memory_space<vmem>> -> memref<1x64x512xf32, #tpu.memory_space<vmem>>
        %swap3A_307 = tpu.memref_squeeze %swap3A_306 : memref<1x64x512xf32, #tpu.memory_space<vmem>> -> memref<64x512xf32, #tpu.memory_space<vmem>>
        %swap3A_308 = arith.index_cast %swap3A_303 : i32 to index
        %swap3A_309 = arith.index_cast %mul3A_141 : i32 to index
        %swap3A_310 = tpu.vector_load %swap3A_307[%swap3A_308, %swap3A_309] {strides = array<i32>} : memref<64x512xf32, #tpu.memory_space<vmem>>, vector<16xf32>,
        tpu.vector_store %swap3A_307[%swap3A_308, %swap3A_309], %gather3A_258 {strides = array<i32>} : memref<64x512xf32, #tpu.memory_space<vmem>>, vector<16xf32>,
        %swap3A_311 = arith.constant 13 : i32
        %swap3A_312 = arith.constant 0 : i32
        %swap3A_313 = arith.constant 0 : i32
        %swap3A_314 = tpu.memref_slice %arg7[%scan3A_19, %swap3A_312, %swap3A_313] : memref<2x64x512xf32, #tpu.memory_space<vmem>> -> memref<1x64x512xf32, #tpu.memory_space<vmem>>
        %swap3A_315 = tpu.memref_squeeze %swap3A_314 : memref<1x64x512xf32, #tpu.memory_space<vmem>> -> memref<64x512xf32, #tpu.memory_space<vmem>>
        %swap3A_316 = arith.index_cast %swap3A_311 : i32 to index
        %swap3A_317 = arith.index_cast %mul3A_141 : i32 to index
        %swap3A_318 = tpu.vector_load %swap3A_315[%swap3A_316, %swap3A_317] {strides = array<i32>} : memref<64x512xf32, #tpu.memory_space<vmem>>, vector<16xf32>,
        tpu.vector_store %swap3A_315[%swap3A_316, %swap3A_317], %gather3A_262 {strides = array<i32>} : memref<64x512xf32, #tpu.memory_space<vmem>>, vector<16xf32>,
        %swap3A_319 = arith.constant 14 : i32
        %swap3A_320 = arith.constant 0 : i32
        %swap3A_321 = arith.constant 0 : i32
        %swap3A_322 = tpu.memref_slice %arg7[%scan3A_19, %swap3A_320, %swap3A_321] : memref<2x64x512xf32, #tpu.memory_space<vmem>> -> memref<1x64x512xf32, #tpu.memory_space<vmem>>
        %swap3A_323 = tpu.memref_squeeze %swap3A_322 : memref<1x64x512xf32, #tpu.memory_space<vmem>> -> memref<64x512xf32, #tpu.memory_space<vmem>>
        %swap3A_324 = arith.index_cast %swap3A_319 : i32 to index
        %swap3A_325 = arith.index_cast %mul3A_141 : i32 to index
        %swap3A_326 = tpu.vector_load %swap3A_323[%swap3A_324, %swap3A_325] {strides = array<i32>} : memref<64x512xf32, #tpu.memory_space<vmem>>, vector<16xf32>,
        tpu.vector_store %swap3A_323[%swap3A_324, %swap3A_325], %gather3A_266 {strides = array<i32>} : memref<64x512xf32, #tpu.memory_space<vmem>>, vector<16xf32>,
        %swap3A_327 = arith.constant 15 : i32
        %swap3A_328 = arith.constant 0 : i32
        %swap3A_329 = arith.constant 0 : i32
        %swap3A_330 = tpu.memref_slice %arg7[%scan3A_19, %swap3A_328, %swap3A_329] : memref<2x64x512xf32, #tpu.memory_space<vmem>> -> memref<1x64x512xf32, #tpu.memory_space<vmem>>
        %swap3A_331 = tpu.memref_squeeze %swap3A_330 : memref<1x64x512xf32, #tpu.memory_space<vmem>> -> memref<64x512xf32, #tpu.memory_space<vmem>>
        %swap3A_332 = arith.index_cast %swap3A_327 : i32 to index
        %swap3A_333 = arith.index_cast %mul3A_141 : i32 to index
        %swap3A_334 = tpu.vector_load %swap3A_331[%swap3A_332, %swap3A_333] {strides = array<i32>} : memref<64x512xf32, #tpu.memory_space<vmem>>, vector<16xf32>,
        tpu.vector_store %swap3A_331[%swap3A_332, %swap3A_333], %gather3A_270 {strides = array<i32>} : memref<64x512xf32, #tpu.memory_space<vmem>>, vector<16xf32>,
        %add3A_335 = arith.constant 1632 : i32
        %add3A_336 = vector.broadcast %add3A_335 : i32 to vector<16xi32>
        %add3A_337 = arith.addi %get3A_144, %add3A_336 : vector<16xi32>
        %gather3A_338 = tpu.vector_load_idx %arg5[%add3A_337] : memref<6528xf32, #tpu.memory_space<vmem>>[vector<16xi32>], vector<16xf32>,
        %add3A_339 = arith.constant 1734 : i32
        %add3A_340 = vector.broadcast %add3A_339 : i32 to vector<16xi32>
        %add3A_341 = arith.addi %get3A_144, %add3A_340 : vector<16xi32>
        %gather3A_342 = tpu.vector_load_idx %arg5[%add3A_341] : memref<6528xf32, #tpu.memory_space<vmem>>[vector<16xi32>], vector<16xf32>,
        %add3A_343 = arith.constant 1836 : i32
        %add3A_344 = vector.broadcast %add3A_343 : i32 to vector<16xi32>
        %add3A_345 = arith.addi %get3A_144, %add3A_344 : vector<16xi32>
        %gather3A_346 = tpu.vector_load_idx %arg5[%add3A_345] : memref<6528xf32, #tpu.memory_space<vmem>>[vector<16xi32>], vector<16xf32>,
        %add3A_347 = arith.constant 1938 : i32
        %add3A_348 = vector.broadcast %add3A_347 : i32 to vector<16xi32>
        %add3A_349 = arith.addi %get3A_144, %add3A_348 : vector<16xi32>
        %gather3A_350 = tpu.vector_load_idx %arg5[%add3A_349] : memref<6528xf32, #tpu.memory_space<vmem>>[vector<16xi32>], vector<16xf32>,
        %add3A_351 = arith.constant 2040 : i32
        %add3A_352 = vector.broadcast %add3A_351 : i32 to vector<16xi32>
        %add3A_353 = arith.addi %get3A_144, %add3A_352 : vector<16xi32>
        %gather3A_354 = tpu.vector_load_idx %arg5[%add3A_353] : memref<6528xf32, #tpu.memory_space<vmem>>[vector<16xi32>], vector<16xf32>,
        %add3A_355 = arith.constant 2142 : i32
        %add3A_356 = vector.broadcast %add3A_355 : i32 to vector<16xi32>
        %add3A_357 = arith.addi %get3A_144, %add3A_356 : vector<16xi32>
        %gather3A_358 = tpu.vector_load_idx %arg5[%add3A_357] : memref<6528xf32, #tpu.memory_space<vmem>>[vector<16xi32>], vector<16xf32>,
        %add3A_359 = arith.constant 2244 : i32
        %add3A_360 = vector.broadcast %add3A_359 : i32 to vector<16xi32>
        %add3A_361 = arith.addi %get3A_144, %add3A_360 : vector<16xi32>
        %gather3A_362 = tpu.vector_load_idx %arg5[%add3A_361] : memref<6528xf32, #tpu.memory_space<vmem>>[vector<16xi32>], vector<16xf32>,
        %add3A_363 = arith.constant 2346 : i32
        %add3A_364 = vector.broadcast %add3A_363 : i32 to vector<16xi32>
        %add3A_365 = arith.addi %get3A_144, %add3A_364 : vector<16xi32>
        %gather3A_366 = tpu.vector_load_idx %arg5[%add3A_365] : memref<6528xf32, #tpu.memory_space<vmem>>[vector<16xi32>], vector<16xf32>,
        %swap3A_367 = arith.constant 16 : i32
        %swap3A_368 = arith.constant 0 : i32
        %swap3A_369 = arith.constant 0 : i32
        %swap3A_370 = tpu.memref_slice %arg7[%scan3A_19, %swap3A_368, %swap3A_369] : memref<2x64x512xf32, #tpu.memory_space<vmem>> -> memref<1x64x512xf32, #tpu.memory_space<vmem>>
        %swap3A_371 = tpu.memref_squeeze %swap3A_370 : memref<1x64x512xf32, #tpu.memory_space<vmem>> -> memref<64x512xf32, #tpu.memory_space<vmem>>
        %swap3A_372 = arith.index_cast %swap3A_367 : i32 to index
        %swap3A_373 = arith.index_cast %mul3A_141 : i32 to index
        %swap3A_374 = tpu.vector_load %swap3A_371[%swap3A_372, %swap3A_373] {strides = array<i32>} : memref<64x512xf32, #tpu.memory_space<vmem>>, vector<16xf32>,
        tpu.vector_store %swap3A_371[%swap3A_372, %swap3A_373], %gather3A_338 {strides = array<i32>} : memref<64x512xf32, #tpu.memory_space<vmem>>, vector<16xf32>,
        %swap3A_375 = arith.constant 17 : i32
        %swap3A_376 = arith.constant 0 : i32
        %swap3A_377 = arith.constant 0 : i32
        %swap3A_378 = tpu.memref_slice %arg7[%scan3A_19, %swap3A_376, %swap3A_377] : memref<2x64x512xf32, #tpu.memory_space<vmem>> -> memref<1x64x512xf32, #tpu.memory_space<vmem>>
        %swap3A_379 = tpu.memref_squeeze %swap3A_378 : memref<1x64x512xf32, #tpu.memory_space<vmem>> -> memref<64x512xf32, #tpu.memory_space<vmem>>
        %swap3A_380 = arith.index_cast %swap3A_375 : i32 to index
        %swap3A_381 = arith.index_cast %mul3A_141 : i32 to index
        %swap3A_382 = tpu.vector_load %swap3A_379[%swap3A_380, %swap3A_381] {strides = array<i32>} : memref<64x512xf32, #tpu.memory_space<vmem>>, vector<16xf32>,
        tpu.vector_store %swap3A_379[%swap3A_380, %swap3A_381], %gather3A_342 {strides = array<i32>} : memref<64x512xf32, #tpu.memory_space<vmem>>, vector<16xf32>,
        %swap3A_383 = arith.constant 18 : i32
        %swap3A_384 = arith.constant 0 : i32
        %swap3A_385 = arith.constant 0 : i32
        %swap3A_386 = tpu.memref_slice %arg7[%scan3A_19, %swap3A_384, %swap3A_385] : memref<2x64x512xf32, #tpu.memory_space<vmem>> -> memref<1x64x512xf32, #tpu.memory_space<vmem>>
        %swap3A_387 = tpu.memref_squeeze %swap3A_386 : memref<1x64x512xf32, #tpu.memory_space<vmem>> -> memref<64x512xf32, #tpu.memory_space<vmem>>
        %swap3A_388 = arith.index_cast %swap3A_383 : i32 to index
        %swap3A_389 = arith.index_cast %mul3A_141 : i32 to index
        %swap3A_390 = tpu.vector_load %swap3A_387[%swap3A_388, %swap3A_389] {strides = array<i32>} : memref<64x512xf32, #tpu.memory_space<vmem>>, vector<16xf32>,
        tpu.vector_store %swap3A_387[%swap3A_388, %swap3A_389], %gather3A_346 {strides = array<i32>} : memref<64x512xf32, #tpu.memory_space<vmem>>, vector<16xf32>,
        %swap3A_391 = arith.constant 19 : i32
        %swap3A_392 = arith.constant 0 : i32
        %swap3A_393 = arith.constant 0 : i32
        %swap3A_394 = tpu.memref_slice %arg7[%scan3A_19, %swap3A_392, %swap3A_393] : memref<2x64x512xf32, #tpu.memory_space<vmem>> -> memref<1x64x512xf32, #tpu.memory_space<vmem>>
        %swap3A_395 = tpu.memref_squeeze %swap3A_394 : memref<1x64x512xf32, #tpu.memory_space<vmem>> -> memref<64x512xf32, #tpu.memory_space<vmem>>
        %swap3A_396 = arith.index_cast %swap3A_391 : i32 to index
        %swap3A_397 = arith.index_cast %mul3A_141 : i32 to index
        %swap3A_398 = tpu.vector_load %swap3A_395[%swap3A_396, %swap3A_397] {strides = array<i32>} : memref<64x512xf32, #tpu.memory_space<vmem>>, vector<16xf32>,
        tpu.vector_store %swap3A_395[%swap3A_396, %swap3A_397], %gather3A_350 {strides = array<i32>} : memref<64x512xf32, #tpu.memory_space<vmem>>, vector<16xf32>,
        %swap3A_399 = arith.constant 20 : i32
        %swap3A_400 = arith.constant 0 : i32
        %swap3A_401 = arith.constant 0 : i32
        %swap3A_402 = tpu.memref_slice %arg7[%scan3A_19, %swap3A_400, %swap3A_401] : memref<2x64x512xf32, #tpu.memory_space<vmem>> -> memref<1x64x512xf32, #tpu.memory_space<vmem>>
        %swap3A_403 = tpu.memref_squeeze %swap3A_402 : memref<1x64x512xf32, #tpu.memory_space<vmem>> -> memref<64x512xf32, #tpu.memory_space<vmem>>
        %swap3A_404 = arith.index_cast %swap3A_399 : i32 to index
        %swap3A_405 = arith.index_cast %mul3A_141 : i32 to index
        %swap3A_406 = tpu.vector_load %swap3A_403[%swap3A_404, %swap3A_405] {strides = array<i32>} : memref<64x512xf32, #tpu.memory_space<vmem>>, vector<16xf32>,
        tpu.vector_store %swap3A_403[%swap3A_404, %swap3A_405], %gather3A_354 {strides = array<i32>} : memref<64x512xf32, #tpu.memory_space<vmem>>, vector<16xf32>,
        %swap3A_407 = arith.constant 21 : i32
        %swap3A_408 = arith.constant 0 : i32
        %swap3A_409 = arith.constant 0 : i32
        %swap3A_410 = tpu.memref_slice %arg7[%scan3A_19, %swap3A_408, %swap3A_409] : memref<2x64x512xf32, #tpu.memory_space<vmem>> -> memref<1x64x512xf32, #tpu.memory_space<vmem>>
        %swap3A_411 = tpu.memref_squeeze %swap3A_410 : memref<1x64x512xf32, #tpu.memory_space<vmem>> -> memref<64x512xf32, #tpu.memory_space<vmem>>
        %swap3A_412 = arith.index_cast %swap3A_407 : i32 to index
        %swap3A_413 = arith.index_cast %mul3A_141 : i32 to index
        %swap3A_414 = tpu.vector_load %swap3A_411[%swap3A_412, %swap3A_413] {strides = array<i32>} : memref<64x512xf32, #tpu.memory_space<vmem>>, vector<16xf32>,
        tpu.vector_store %swap3A_411[%swap3A_412, %swap3A_413], %gather3A_358 {strides = array<i32>} : memref<64x512xf32, #tpu.memory_space<vmem>>, vector<16xf32>,
        %swap3A_415 = arith.constant 22 : i32
        %swap3A_416 = arith.constant 0 : i32
        %swap3A_417 = arith.constant 0 : i32
        %swap3A_418 = tpu.memref_slice %arg7[%scan3A_19, %swap3A_416, %swap3A_417] : memref<2x64x512xf32, #tpu.memory_space<vmem>> -> memref<1x64x512xf32, #tpu.memory_space<vmem>>
        %swap3A_419 = tpu.memref_squeeze %swap3A_418 : memref<1x64x512xf32, #tpu.memory_space<vmem>> -> memref<64x512xf32, #tpu.memory_space<vmem>>
        %swap3A_420 = arith.index_cast %swap3A_415 : i32 to index
        %swap3A_421 = arith.index_cast %mul3A_141 : i32 to index
        %swap3A_422 = tpu.vector_load %swap3A_419[%swap3A_420, %swap3A_421] {strides = array<i32>} : memref<64x512xf32, #tpu.memory_space<vmem>>, vector<16xf32>,
        tpu.vector_store %swap3A_419[%swap3A_420, %swap3A_421], %gather3A_362 {strides = array<i32>} : memref<64x512xf32, #tpu.memory_space<vmem>>, vector<16xf32>,
        %swap3A_423 = arith.constant 23 : i32
        %swap3A_424 = arith.constant 0 : i32
        %swap3A_425 = arith.constant 0 : i32
        %swap3A_426 = tpu.memref_slice %arg7[%scan3A_19, %swap3A_424, %swap3A_425] : memref<2x64x512xf32, #tpu.memory_space<vmem>> -> memref<1x64x512xf32, #tpu.memory_space<vmem>>
        %swap3A_427 = tpu.memref_squeeze %swap3A_426 : memref<1x64x512xf32, #tpu.memory_space<vmem>> -> memref<64x512xf32, #tpu.memory_space<vmem>>
        %swap3A_428 = arith.index_cast %swap3A_423 : i32 to index
        %swap3A_429 = arith.index_cast %mul3A_141 : i32 to index
        %swap3A_430 = tpu.vector_load %swap3A_427[%swap3A_428, %swap3A_429] {strides = array<i32>} : memref<64x512xf32, #tpu.memory_space<vmem>>, vector<16xf32>,
        tpu.vector_store %swap3A_427[%swap3A_428, %swap3A_429], %gather3A_366 {strides = array<i32>} : memref<64x512xf32, #tpu.memory_space<vmem>>, vector<16xf32>,
        %add3A_431 = arith.constant 2448 : i32
        %add3A_432 = vector.broadcast %add3A_431 : i32 to vector<16xi32>
        %add3A_433 = arith.addi %get3A_144, %add3A_432 : vector<16xi32>
        %gather3A_434 = tpu.vector_load_idx %arg5[%add3A_433] : memref<6528xf32, #tpu.memory_space<vmem>>[vector<16xi32>], vector<16xf32>,
        %add3A_435 = arith.constant 2550 : i32
        %add3A_436 = vector.broadcast %add3A_435 : i32 to vector<16xi32>
        %add3A_437 = arith.addi %get3A_144, %add3A_436 : vector<16xi32>
        %gather3A_438 = tpu.vector_load_idx %arg5[%add3A_437] : memref<6528xf32, #tpu.memory_space<vmem>>[vector<16xi32>], vector<16xf32>,
        %add3A_439 = arith.constant 2652 : i32
        %add3A_440 = vector.broadcast %add3A_439 : i32 to vector<16xi32>
        %add3A_441 = arith.addi %get3A_144, %add3A_440 : vector<16xi32>
        %gather3A_442 = tpu.vector_load_idx %arg5[%add3A_441] : memref<6528xf32, #tpu.memory_space<vmem>>[vector<16xi32>], vector<16xf32>,
        %add3A_443 = arith.constant 2754 : i32
        %add3A_444 = vector.broadcast %add3A_443 : i32 to vector<16xi32>
        %add3A_445 = arith.addi %get3A_144, %add3A_444 : vector<16xi32>
        %gather3A_446 = tpu.vector_load_idx %arg5[%add3A_445] : memref<6528xf32, #tpu.memory_space<vmem>>[vector<16xi32>], vector<16xf32>,
        %add3A_447 = arith.constant 2856 : i32
        %add3A_448 = vector.broadcast %add3A_447 : i32 to vector<16xi32>
        %add3A_449 = arith.addi %get3A_144, %add3A_448 : vector<16xi32>
        %gather3A_450 = tpu.vector_load_idx %arg5[%add3A_449] : memref<6528xf32, #tpu.memory_space<vmem>>[vector<16xi32>], vector<16xf32>,
        %add3A_451 = arith.constant 2958 : i32
        %add3A_452 = vector.broadcast %add3A_451 : i32 to vector<16xi32>
        %add3A_453 = arith.addi %get3A_144, %add3A_452 : vector<16xi32>
        %gather3A_454 = tpu.vector_load_idx %arg5[%add3A_453] : memref<6528xf32, #tpu.memory_space<vmem>>[vector<16xi32>], vector<16xf32>,
        %add3A_455 = arith.constant 3060 : i32
        %add3A_456 = vector.broadcast %add3A_455 : i32 to vector<16xi32>
        %add3A_457 = arith.addi %get3A_144, %add3A_456 : vector<16xi32>
        %gather3A_458 = tpu.vector_load_idx %arg5[%add3A_457] : memref<6528xf32, #tpu.memory_space<vmem>>[vector<16xi32>], vector<16xf32>,
        %add3A_459 = arith.constant 3162 : i32
        %add3A_460 = vector.broadcast %add3A_459 : i32 to vector<16xi32>
        %add3A_461 = arith.addi %get3A_144, %add3A_460 : vector<16xi32>
        %gather3A_462 = tpu.vector_load_idx %arg5[%add3A_461] : memref<6528xf32, #tpu.memory_space<vmem>>[vector<16xi32>], vector<16xf32>,
        %swap3A_463 = arith.constant 24 : i32
        %swap3A_464 = arith.constant 0 : i32
        %swap3A_465 = arith.constant 0 : i32
        %swap3A_466 = tpu.memref_slice %arg7[%scan3A_19, %swap3A_464, %swap3A_465] : memref<2x64x512xf32, #tpu.memory_space<vmem>> -> memref<1x64x512xf32, #tpu.memory_space<vmem>>
        %swap3A_467 = tpu.memref_squeeze %swap3A_466 : memref<1x64x512xf32, #tpu.memory_space<vmem>> -> memref<64x512xf32, #tpu.memory_space<vmem>>
        %swap3A_468 = arith.index_cast %swap3A_463 : i32 to index
        %swap3A_469 = arith.index_cast %mul3A_141 : i32 to index
        %swap3A_470 = tpu.vector_load %swap3A_467[%swap3A_468, %swap3A_469] {strides = array<i32>} : memref<64x512xf32, #tpu.memory_space<vmem>>, vector<16xf32>,
        tpu.vector_store %swap3A_467[%swap3A_468, %swap3A_469], %gather3A_434 {strides = array<i32>} : memref<64x512xf32, #tpu.memory_space<vmem>>, vector<16xf32>,
        %swap3A_471 = arith.constant 25 : i32
        %swap3A_472 = arith.constant 0 : i32
        %swap3A_473 = arith.constant 0 : i32
        %swap3A_474 = tpu.memref_slice %arg7[%scan3A_19, %swap3A_472, %swap3A_473] : memref<2x64x512xf32, #tpu.memory_space<vmem>> -> memref<1x64x512xf32, #tpu.memory_space<vmem>>
        %swap3A_475 = tpu.memref_squeeze %swap3A_474 : memref<1x64x512xf32, #tpu.memory_space<vmem>> -> memref<64x512xf32, #tpu.memory_space<vmem>>
        %swap3A_476 = arith.index_cast %swap3A_471 : i32 to index
        %swap3A_477 = arith.index_cast %mul3A_141 : i32 to index
        %swap3A_478 = tpu.vector_load %swap3A_475[%swap3A_476, %swap3A_477] {strides = array<i32>} : memref<64x512xf32, #tpu.memory_space<vmem>>, vector<16xf32>,
        tpu.vector_store %swap3A_475[%swap3A_476, %swap3A_477], %gather3A_438 {strides = array<i32>} : memref<64x512xf32, #tpu.memory_space<vmem>>, vector<16xf32>,
        %swap3A_479 = arith.constant 26 : i32
        %swap3A_480 = arith.constant 0 : i32
        %swap3A_481 = arith.constant 0 : i32
        %swap3A_482 = tpu.memref_slice %arg7[%scan3A_19, %swap3A_480, %swap3A_481] : memref<2x64x512xf32, #tpu.memory_space<vmem>> -> memref<1x64x512xf32, #tpu.memory_space<vmem>>
        %swap3A_483 = tpu.memref_squeeze %swap3A_482 : memref<1x64x512xf32, #tpu.memory_space<vmem>> -> memref<64x512xf32, #tpu.memory_space<vmem>>
        %swap3A_484 = arith.index_cast %swap3A_479 : i32 to index
        %swap3A_485 = arith.index_cast %mul3A_141 : i32 to index
        %swap3A_486 = tpu.vector_load %swap3A_483[%swap3A_484, %swap3A_485] {strides = array<i32>} : memref<64x512xf32, #tpu.memory_space<vmem>>, vector<16xf32>,
        tpu.vector_store %swap3A_483[%swap3A_484, %swap3A_485], %gather3A_442 {strides = array<i32>} : memref<64x512xf32, #tpu.memory_space<vmem>>, vector<16xf32>,
        %swap3A_487 = arith.constant 27 : i32
        %swap3A_488 = arith.constant 0 : i32
        %swap3A_489 = arith.constant 0 : i32
        %swap3A_490 = tpu.memref_slice %arg7[%scan3A_19, %swap3A_488, %swap3A_489] : memref<2x64x512xf32, #tpu.memory_space<vmem>> -> memref<1x64x512xf32, #tpu.memory_space<vmem>>
        %swap3A_491 = tpu.memref_squeeze %swap3A_490 : memref<1x64x512xf32, #tpu.memory_space<vmem>> -> memref<64x512xf32, #tpu.memory_space<vmem>>
        %swap3A_492 = arith.index_cast %swap3A_487 : i32 to index
        %swap3A_493 = arith.index_cast %mul3A_141 : i32 to index
        %swap3A_494 = tpu.vector_load %swap3A_491[%swap3A_492, %swap3A_493] {strides = array<i32>} : memref<64x512xf32, #tpu.memory_space<vmem>>, vector<16xf32>,
        tpu.vector_store %swap3A_491[%swap3A_492, %swap3A_493], %gather3A_446 {strides = array<i32>} : memref<64x512xf32, #tpu.memory_space<vmem>>, vector<16xf32>,
        %swap3A_495 = arith.constant 28 : i32
        %swap3A_496 = arith.constant 0 : i32
        %swap3A_497 = arith.constant 0 : i32
        %swap3A_498 = tpu.memref_slice %arg7[%scan3A_19, %swap3A_496, %swap3A_497] : memref<2x64x512xf32, #tpu.memory_space<vmem>> -> memref<1x64x512xf32, #tpu.memory_space<vmem>>
        %swap3A_499 = tpu.memref_squeeze %swap3A_498 : memref<1x64x512xf32, #tpu.memory_space<vmem>> -> memref<64x512xf32, #tpu.memory_space<vmem>>
        %swap3A_500 = arith.index_cast %swap3A_495 : i32 to index
        %swap3A_501 = arith.index_cast %mul3A_141 : i32 to index
        %swap3A_502 = tpu.vector_load %swap3A_499[%swap3A_500, %swap3A_501] {strides = array<i32>} : memref<64x512xf32, #tpu.memory_space<vmem>>, vector<16xf32>,
        tpu.vector_store %swap3A_499[%swap3A_500, %swap3A_501], %gather3A_450 {strides = array<i32>} : memref<64x512xf32, #tpu.memory_space<vmem>>, vector<16xf32>,
        %swap3A_503 = arith.constant 29 : i32
        %swap3A_504 = arith.constant 0 : i32
        %swap3A_505 = arith.constant 0 : i32
        %swap3A_506 = tpu.memref_slice %arg7[%scan3A_19, %swap3A_504, %swap3A_505] : memref<2x64x512xf32, #tpu.memory_space<vmem>> -> memref<1x64x512xf32, #tpu.memory_space<vmem>>
        %swap3A_507 = tpu.memref_squeeze %swap3A_506 : memref<1x64x512xf32, #tpu.memory_space<vmem>> -> memref<64x512xf32, #tpu.memory_space<vmem>>
        %swap3A_508 = arith.index_cast %swap3A_503 : i32 to index
        %swap3A_509 = arith.index_cast %mul3A_141 : i32 to index
        %swap3A_510 = tpu.vector_load %swap3A_507[%swap3A_508, %swap3A_509] {strides = array<i32>} : memref<64x512xf32, #tpu.memory_space<vmem>>, vector<16xf32>,
        tpu.vector_store %swap3A_507[%swap3A_508, %swap3A_509], %gather3A_454 {strides = array<i32>} : memref<64x512xf32, #tpu.memory_space<vmem>>, vector<16xf32>,
        %swap3A_511 = arith.constant 30 : i32
        %swap3A_512 = arith.constant 0 : i32
        %swap3A_513 = arith.constant 0 : i32
        %swap3A_514 = tpu.memref_slice %arg7[%scan3A_19, %swap3A_512, %swap3A_513] : memref<2x64x512xf32, #tpu.memory_space<vmem>> -> memref<1x64x512xf32, #tpu.memory_space<vmem>>
        %swap3A_515 = tpu.memref_squeeze %swap3A_514 : memref<1x64x512xf32, #tpu.memory_space<vmem>> -> memref<64x512xf32, #tpu.memory_space<vmem>>
        %swap3A_516 = arith.index_cast %swap3A_511 : i32 to index
        %swap3A_517 = arith.index_cast %mul3A_141 : i32 to index
        %swap3A_518 = tpu.vector_load %swap3A_515[%swap3A_516, %swap3A_517] {strides = array<i32>} : memref<64x512xf32, #tpu.memory_space<vmem>>, vector<16xf32>,
        tpu.vector_store %swap3A_515[%swap3A_516, %swap3A_517], %gather3A_458 {strides = array<i32>} : memref<64x512xf32, #tpu.memory_space<vmem>>, vector<16xf32>,
        %swap3A_519 = arith.constant 31 : i32
        %swap3A_520 = arith.constant 0 : i32
        %swap3A_521 = arith.constant 0 : i32
        %swap3A_522 = tpu.memref_slice %arg7[%scan3A_19, %swap3A_520, %swap3A_521] : memref<2x64x512xf32, #tpu.memory_space<vmem>> -> memref<1x64x512xf32, #tpu.memory_space<vmem>>
        %swap3A_523 = tpu.memref_squeeze %swap3A_522 : memref<1x64x512xf32, #tpu.memory_space<vmem>> -> memref<64x512xf32, #tpu.memory_space<vmem>>
        %swap3A_524 = arith.index_cast %swap3A_519 : i32 to index
        %swap3A_525 = arith.index_cast %mul3A_141 : i32 to index
        %swap3A_526 = tpu.vector_load %swap3A_523[%swap3A_524, %swap3A_525] {strides = array<i32>} : memref<64x512xf32, #tpu.memory_space<vmem>>, vector<16xf32>,
        tpu.vector_store %swap3A_523[%swap3A_524, %swap3A_525], %gather3A_462 {strides = array<i32>} : memref<64x512xf32, #tpu.memory_space<vmem>>, vector<16xf32>,
        %add3A_527 = arith.constant 3264 : i32
        %add3A_528 = vector.broadcast %add3A_527 : i32 to vector<16xi32>
        %add3A_529 = arith.addi %get3A_144, %add3A_528 : vector<16xi32>
        %gather3A_530 = tpu.vector_load_idx %arg5[%add3A_529] : memref<6528xf32, #tpu.memory_space<vmem>>[vector<16xi32>], vector<16xf32>,
        %add3A_531 = arith.constant 3366 : i32
        %add3A_532 = vector.broadcast %add3A_531 : i32 to vector<16xi32>
        %add3A_533 = arith.addi %get3A_144, %add3A_532 : vector<16xi32>
        %gather3A_534 = tpu.vector_load_idx %arg5[%add3A_533] : memref<6528xf32, #tpu.memory_space<vmem>>[vector<16xi32>], vector<16xf32>,
        %add3A_535 = arith.constant 3468 : i32
        %add3A_536 = vector.broadcast %add3A_535 : i32 to vector<16xi32>
        %add3A_537 = arith.addi %get3A_144, %add3A_536 : vector<16xi32>
        %gather3A_538 = tpu.vector_load_idx %arg5[%add3A_537] : memref<6528xf32, #tpu.memory_space<vmem>>[vector<16xi32>], vector<16xf32>,
        %add3A_539 = arith.constant 3570 : i32
        %add3A_540 = vector.broadcast %add3A_539 : i32 to vector<16xi32>
        %add3A_541 = arith.addi %get3A_144, %add3A_540 : vector<16xi32>
        %gather3A_542 = tpu.vector_load_idx %arg5[%add3A_541] : memref<6528xf32, #tpu.memory_space<vmem>>[vector<16xi32>], vector<16xf32>,
        %add3A_543 = arith.constant 3672 : i32
        %add3A_544 = vector.broadcast %add3A_543 : i32 to vector<16xi32>
        %add3A_545 = arith.addi %get3A_144, %add3A_544 : vector<16xi32>
        %gather3A_546 = tpu.vector_load_idx %arg5[%add3A_545] : memref<6528xf32, #tpu.memory_space<vmem>>[vector<16xi32>], vector<16xf32>,
        %add3A_547 = arith.constant 3774 : i32
        %add3A_548 = vector.broadcast %add3A_547 : i32 to vector<16xi32>
        %add3A_549 = arith.addi %get3A_144, %add3A_548 : vector<16xi32>
        %gather3A_550 = tpu.vector_load_idx %arg5[%add3A_549] : memref<6528xf32, #tpu.memory_space<vmem>>[vector<16xi32>], vector<16xf32>,
        %add3A_551 = arith.constant 3876 : i32
        %add3A_552 = vector.broadcast %add3A_551 : i32 to vector<16xi32>
        %add3A_553 = arith.addi %get3A_144, %add3A_552 : vector<16xi32>
        %gather3A_554 = tpu.vector_load_idx %arg5[%add3A_553] : memref<6528xf32, #tpu.memory_space<vmem>>[vector<16xi32>], vector<16xf32>,
        %add3A_555 = arith.constant 3978 : i32
        %add3A_556 = vector.broadcast %add3A_555 : i32 to vector<16xi32>
        %add3A_557 = arith.addi %get3A_144, %add3A_556 : vector<16xi32>
        %gather3A_558 = tpu.vector_load_idx %arg5[%add3A_557] : memref<6528xf32, #tpu.memory_space<vmem>>[vector<16xi32>], vector<16xf32>,
        %swap3A_559 = arith.constant 32 : i32
        %swap3A_560 = arith.constant 0 : i32
        %swap3A_561 = arith.constant 0 : i32
        %swap3A_562 = tpu.memref_slice %arg7[%scan3A_19, %swap3A_560, %swap3A_561] : memref<2x64x512xf32, #tpu.memory_space<vmem>> -> memref<1x64x512xf32, #tpu.memory_space<vmem>>
        %swap3A_563 = tpu.memref_squeeze %swap3A_562 : memref<1x64x512xf32, #tpu.memory_space<vmem>> -> memref<64x512xf32, #tpu.memory_space<vmem>>
        %swap3A_564 = arith.index_cast %swap3A_559 : i32 to index
        %swap3A_565 = arith.index_cast %mul3A_141 : i32 to index
        %swap3A_566 = tpu.vector_load %swap3A_563[%swap3A_564, %swap3A_565] {strides = array<i32>} : memref<64x512xf32, #tpu.memory_space<vmem>>, vector<16xf32>,
        tpu.vector_store %swap3A_563[%swap3A_564, %swap3A_565], %gather3A_530 {strides = array<i32>} : memref<64x512xf32, #tpu.memory_space<vmem>>, vector<16xf32>,
        %swap3A_567 = arith.constant 33 : i32
        %swap3A_568 = arith.constant 0 : i32
        %swap3A_569 = arith.constant 0 : i32
        %swap3A_570 = tpu.memref_slice %arg7[%scan3A_19, %swap3A_568, %swap3A_569] : memref<2x64x512xf32, #tpu.memory_space<vmem>> -> memref<1x64x512xf32, #tpu.memory_space<vmem>>
        %swap3A_571 = tpu.memref_squeeze %swap3A_570 : memref<1x64x512xf32, #tpu.memory_space<vmem>> -> memref<64x512xf32, #tpu.memory_space<vmem>>
        %swap3A_572 = arith.index_cast %swap3A_567 : i32 to index
        %swap3A_573 = arith.index_cast %mul3A_141 : i32 to index
        %swap3A_574 = tpu.vector_load %swap3A_571[%swap3A_572, %swap3A_573] {strides = array<i32>} : memref<64x512xf32, #tpu.memory_space<vmem>>, vector<16xf32>,
        tpu.vector_store %swap3A_571[%swap3A_572, %swap3A_573], %gather3A_534 {strides = array<i32>} : memref<64x512xf32, #tpu.memory_space<vmem>>, vector<16xf32>,
        %swap3A_575 = arith.constant 34 : i32
        %swap3A_576 = arith.constant 0 : i32
        %swap3A_577 = arith.constant 0 : i32
        %swap3A_578 = tpu.memref_slice %arg7[%scan3A_19, %swap3A_576, %swap3A_577] : memref<2x64x512xf32, #tpu.memory_space<vmem>> -> memref<1x64x512xf32, #tpu.memory_space<vmem>>
        %swap3A_579 = tpu.memref_squeeze %swap3A_578 : memref<1x64x512xf32, #tpu.memory_space<vmem>> -> memref<64x512xf32, #tpu.memory_space<vmem>>
        %swap3A_580 = arith.index_cast %swap3A_575 : i32 to index
        %swap3A_581 = arith.index_cast %mul3A_141 : i32 to index
        %swap3A_582 = tpu.vector_load %swap3A_579[%swap3A_580, %swap3A_581] {strides = array<i32>} : memref<64x512xf32, #tpu.memory_space<vmem>>, vector<16xf32>,
        tpu.vector_store %swap3A_579[%swap3A_580, %swap3A_581], %gather3A_538 {strides = array<i32>} : memref<64x512xf32, #tpu.memory_space<vmem>>, vector<16xf32>,
        %swap3A_583 = arith.constant 35 : i32
        %swap3A_584 = arith.constant 0 : i32
        %swap3A_585 = arith.constant 0 : i32
        %swap3A_586 = tpu.memref_slice %arg7[%scan3A_19, %swap3A_584, %swap3A_585] : memref<2x64x512xf32, #tpu.memory_space<vmem>> -> memref<1x64x512xf32, #tpu.memory_space<vmem>>
        %swap3A_587 = tpu.memref_squeeze %swap3A_586 : memref<1x64x512xf32, #tpu.memory_space<vmem>> -> memref<64x512xf32, #tpu.memory_space<vmem>>
        %swap3A_588 = arith.index_cast %swap3A_583 : i32 to index
        %swap3A_589 = arith.index_cast %mul3A_141 : i32 to index
        %swap3A_590 = tpu.vector_load %swap3A_587[%swap3A_588, %swap3A_589] {strides = array<i32>} : memref<64x512xf32, #tpu.memory_space<vmem>>, vector<16xf32>,
        tpu.vector_store %swap3A_587[%swap3A_588, %swap3A_589], %gather3A_542 {strides = array<i32>} : memref<64x512xf32, #tpu.memory_space<vmem>>, vector<16xf32>,
        %swap3A_591 = arith.constant 36 : i32
        %swap3A_592 = arith.constant 0 : i32
        %swap3A_593 = arith.constant 0 : i32
        %swap3A_594 = tpu.memref_slice %arg7[%scan3A_19, %swap3A_592, %swap3A_593] : memref<2x64x512xf32, #tpu.memory_space<vmem>> -> memref<1x64x512xf32, #tpu.memory_space<vmem>>
        %swap3A_595 = tpu.memref_squeeze %swap3A_594 : memref<1x64x512xf32, #tpu.memory_space<vmem>> -> memref<64x512xf32, #tpu.memory_space<vmem>>
        %swap3A_596 = arith.index_cast %swap3A_591 : i32 to index
        %swap3A_597 = arith.index_cast %mul3A_141 : i32 to index
        %swap3A_598 = tpu.vector_load %swap3A_595[%swap3A_596, %swap3A_597] {strides = array<i32>} : memref<64x512xf32, #tpu.memory_space<vmem>>, vector<16xf32>,
        tpu.vector_store %swap3A_595[%swap3A_596, %swap3A_597], %gather3A_546 {strides = array<i32>} : memref<64x512xf32, #tpu.memory_space<vmem>>, vector<16xf32>,
        %swap3A_599 = arith.constant 37 : i32
        %swap3A_600 = arith.constant 0 : i32
        %swap3A_601 = arith.constant 0 : i32
        %swap3A_602 = tpu.memref_slice %arg7[%scan3A_19, %swap3A_600, %swap3A_601] : memref<2x64x512xf32, #tpu.memory_space<vmem>> -> memref<1x64x512xf32, #tpu.memory_space<vmem>>
        %swap3A_603 = tpu.memref_squeeze %swap3A_602 : memref<1x64x512xf32, #tpu.memory_space<vmem>> -> memref<64x512xf32, #tpu.memory_space<vmem>>
        %swap3A_604 = arith.index_cast %swap3A_599 : i32 to index
        %swap3A_605 = arith.index_cast %mul3A_141 : i32 to index
        %swap3A_606 = tpu.vector_load %swap3A_603[%swap3A_604, %swap3A_605] {strides = array<i32>} : memref<64x512xf32, #tpu.memory_space<vmem>>, vector<16xf32>,
        tpu.vector_store %swap3A_603[%swap3A_604, %swap3A_605], %gather3A_550 {strides = array<i32>} : memref<64x512xf32, #tpu.memory_space<vmem>>, vector<16xf32>,
        %swap3A_607 = arith.constant 38 : i32
        %swap3A_608 = arith.constant 0 : i32
        %swap3A_609 = arith.constant 0 : i32
        %swap3A_610 = tpu.memref_slice %arg7[%scan3A_19, %swap3A_608, %swap3A_609] : memref<2x64x512xf32, #tpu.memory_space<vmem>> -> memref<1x64x512xf32, #tpu.memory_space<vmem>>
        %swap3A_611 = tpu.memref_squeeze %swap3A_610 : memref<1x64x512xf32, #tpu.memory_space<vmem>> -> memref<64x512xf32, #tpu.memory_space<vmem>>
        %swap3A_612 = arith.index_cast %swap3A_607 : i32 to index
        %swap3A_613 = arith.index_cast %mul3A_141 : i32 to index
        %swap3A_614 = tpu.vector_load %swap3A_611[%swap3A_612, %swap3A_613] {strides = array<i32>} : memref<64x512xf32, #tpu.memory_space<vmem>>, vector<16xf32>,
        tpu.vector_store %swap3A_611[%swap3A_612, %swap3A_613], %gather3A_554 {strides = array<i32>} : memref<64x512xf32, #tpu.memory_space<vmem>>, vector<16xf32>,
        %swap3A_615 = arith.constant 39 : i32
        %swap3A_616 = arith.constant 0 : i32
        %swap3A_617 = arith.constant 0 : i32
        %swap3A_618 = tpu.memref_slice %arg7[%scan3A_19, %swap3A_616, %swap3A_617] : memref<2x64x512xf32, #tpu.memory_space<vmem>> -> memref<1x64x512xf32, #tpu.memory_space<vmem>>
        %swap3A_619 = tpu.memref_squeeze %swap3A_618 : memref<1x64x512xf32, #tpu.memory_space<vmem>> -> memref<64x512xf32, #tpu.memory_space<vmem>>
        %swap3A_620 = arith.index_cast %swap3A_615 : i32 to index
        %swap3A_621 = arith.index_cast %mul3A_141 : i32 to index
        %swap3A_622 = tpu.vector_load %swap3A_619[%swap3A_620, %swap3A_621] {strides = array<i32>} : memref<64x512xf32, #tpu.memory_space<vmem>>, vector<16xf32>,
        tpu.vector_store %swap3A_619[%swap3A_620, %swap3A_621], %gather3A_558 {strides = array<i32>} : memref<64x512xf32, #tpu.memory_space<vmem>>, vector<16xf32>,
        %add3A_623 = arith.constant 4080 : i32
        %add3A_624 = vector.broadcast %add3A_623 : i32 to vector<16xi32>
        %add3A_625 = arith.addi %get3A_144, %add3A_624 : vector<16xi32>
        %gather3A_626 = tpu.vector_load_idx %arg5[%add3A_625] : memref<6528xf32, #tpu.memory_space<vmem>>[vector<16xi32>], vector<16xf32>,
        %add3A_627 = arith.constant 4182 : i32
        %add3A_628 = vector.broadcast %add3A_627 : i32 to vector<16xi32>
        %add3A_629 = arith.addi %get3A_144, %add3A_628 : vector<16xi32>
        %gather3A_630 = tpu.vector_load_idx %arg5[%add3A_629] : memref<6528xf32, #tpu.memory_space<vmem>>[vector<16xi32>], vector<16xf32>,
        %add3A_631 = arith.constant 4284 : i32
        %add3A_632 = vector.broadcast %add3A_631 : i32 to vector<16xi32>
        %add3A_633 = arith.addi %get3A_144, %add3A_632 : vector<16xi32>
        %gather3A_634 = tpu.vector_load_idx %arg5[%add3A_633] : memref<6528xf32, #tpu.memory_space<vmem>>[vector<16xi32>], vector<16xf32>,
        %add3A_635 = arith.constant 4386 : i32
        %add3A_636 = vector.broadcast %add3A_635 : i32 to vector<16xi32>
        %add3A_637 = arith.addi %get3A_144, %add3A_636 : vector<16xi32>
        %gather3A_638 = tpu.vector_load_idx %arg5[%add3A_637] : memref<6528xf32, #tpu.memory_space<vmem>>[vector<16xi32>], vector<16xf32>,
        %add3A_639 = arith.constant 4488 : i32
        %add3A_640 = vector.broadcast %add3A_639 : i32 to vector<16xi32>
        %add3A_641 = arith.addi %get3A_144, %add3A_640 : vector<16xi32>
        %gather3A_642 = tpu.vector_load_idx %arg5[%add3A_641] : memref<6528xf32, #tpu.memory_space<vmem>>[vector<16xi32>], vector<16xf32>,
        %add3A_643 = arith.constant 4590 : i32
        %add3A_644 = vector.broadcast %add3A_643 : i32 to vector<16xi32>
        %add3A_645 = arith.addi %get3A_144, %add3A_644 : vector<16xi32>
        %gather3A_646 = tpu.vector_load_idx %arg5[%add3A_645] : memref<6528xf32, #tpu.memory_space<vmem>>[vector<16xi32>], vector<16xf32>,
        %add3A_647 = arith.constant 4692 : i32
        %add3A_648 = vector.broadcast %add3A_647 : i32 to vector<16xi32>
        %add3A_649 = arith.addi %get3A_144, %add3A_648 : vector<16xi32>
        %gather3A_650 = tpu.vector_load_idx %arg5[%add3A_649] : memref<6528xf32, #tpu.memory_space<vmem>>[vector<16xi32>], vector<16xf32>,
        %add3A_651 = arith.constant 4794 : i32
        %add3A_652 = vector.broadcast %add3A_651 : i32 to vector<16xi32>
        %add3A_653 = arith.addi %get3A_144, %add3A_652 : vector<16xi32>
        %gather3A_654 = tpu.vector_load_idx %arg5[%add3A_653] : memref<6528xf32, #tpu.memory_space<vmem>>[vector<16xi32>], vector<16xf32>,
        %swap3A_655 = arith.constant 40 : i32
        %swap3A_656 = arith.constant 0 : i32
        %swap3A_657 = arith.constant 0 : i32
        %swap3A_658 = tpu.memref_slice %arg7[%scan3A_19, %swap3A_656, %swap3A_657] : memref<2x64x512xf32, #tpu.memory_space<vmem>> -> memref<1x64x512xf32, #tpu.memory_space<vmem>>
        %swap3A_659 = tpu.memref_squeeze %swap3A_658 : memref<1x64x512xf32, #tpu.memory_space<vmem>> -> memref<64x512xf32, #tpu.memory_space<vmem>>
        %swap3A_660 = arith.index_cast %swap3A_655 : i32 to index
        %swap3A_661 = arith.index_cast %mul3A_141 : i32 to index
        %swap3A_662 = tpu.vector_load %swap3A_659[%swap3A_660, %swap3A_661] {strides = array<i32>} : memref<64x512xf32, #tpu.memory_space<vmem>>, vector<16xf32>,
        tpu.vector_store %swap3A_659[%swap3A_660, %swap3A_661], %gather3A_626 {strides = array<i32>} : memref<64x512xf32, #tpu.memory_space<vmem>>, vector<16xf32>,
        %swap3A_663 = arith.constant 41 : i32
        %swap3A_664 = arith.constant 0 : i32
        %swap3A_665 = arith.constant 0 : i32
        %swap3A_666 = tpu.memref_slice %arg7[%scan3A_19, %swap3A_664, %swap3A_665] : memref<2x64x512xf32, #tpu.memory_space<vmem>> -> memref<1x64x512xf32, #tpu.memory_space<vmem>>
        %swap3A_667 = tpu.memref_squeeze %swap3A_666 : memref<1x64x512xf32, #tpu.memory_space<vmem>> -> memref<64x512xf32, #tpu.memory_space<vmem>>
        %swap3A_668 = arith.index_cast %swap3A_663 : i32 to index
        %swap3A_669 = arith.index_cast %mul3A_141 : i32 to index
        %swap3A_670 = tpu.vector_load %swap3A_667[%swap3A_668, %swap3A_669] {strides = array<i32>} : memref<64x512xf32, #tpu.memory_space<vmem>>, vector<16xf32>,
        tpu.vector_store %swap3A_667[%swap3A_668, %swap3A_669], %gather3A_630 {strides = array<i32>} : memref<64x512xf32, #tpu.memory_space<vmem>>, vector<16xf32>,
        %swap3A_671 = arith.constant 42 : i32
        %swap3A_672 = arith.constant 0 : i32
        %swap3A_673 = arith.constant 0 : i32
        %swap3A_674 = tpu.memref_slice %arg7[%scan3A_19, %swap3A_672, %swap3A_673] : memref<2x64x512xf32, #tpu.memory_space<vmem>> -> memref<1x64x512xf32, #tpu.memory_space<vmem>>
        %swap3A_675 = tpu.memref_squeeze %swap3A_674 : memref<1x64x512xf32, #tpu.memory_space<vmem>> -> memref<64x512xf32, #tpu.memory_space<vmem>>
        %swap3A_676 = arith.index_cast %swap3A_671 : i32 to index
        %swap3A_677 = arith.index_cast %mul3A_141 : i32 to index
        %swap3A_678 = tpu.vector_load %swap3A_675[%swap3A_676, %swap3A_677] {strides = array<i32>} : memref<64x512xf32, #tpu.memory_space<vmem>>, vector<16xf32>,
        tpu.vector_store %swap3A_675[%swap3A_676, %swap3A_677], %gather3A_634 {strides = array<i32>} : memref<64x512xf32, #tpu.memory_space<vmem>>, vector<16xf32>,
        %swap3A_679 = arith.constant 43 : i32
        %swap3A_680 = arith.constant 0 : i32
        %swap3A_681 = arith.constant 0 : i32
        %swap3A_682 = tpu.memref_slice %arg7[%scan3A_19, %swap3A_680, %swap3A_681] : memref<2x64x512xf32, #tpu.memory_space<vmem>> -> memref<1x64x512xf32, #tpu.memory_space<vmem>>
        %swap3A_683 = tpu.memref_squeeze %swap3A_682 : memref<1x64x512xf32, #tpu.memory_space<vmem>> -> memref<64x512xf32, #tpu.memory_space<vmem>>
        %swap3A_684 = arith.index_cast %swap3A_679 : i32 to index
        %swap3A_685 = arith.index_cast %mul3A_141 : i32 to index
        %swap3A_686 = tpu.vector_load %swap3A_683[%swap3A_684, %swap3A_685] {strides = array<i32>} : memref<64x512xf32, #tpu.memory_space<vmem>>, vector<16xf32>,
        tpu.vector_store %swap3A_683[%swap3A_684, %swap3A_685], %gather3A_638 {strides = array<i32>} : memref<64x512xf32, #tpu.memory_space<vmem>>, vector<16xf32>,
        %swap3A_687 = arith.constant 44 : i32
        %swap3A_688 = arith.constant 0 : i32
        %swap3A_689 = arith.constant 0 : i32
        %swap3A_690 = tpu.memref_slice %arg7[%scan3A_19, %swap3A_688, %swap3A_689] : memref<2x64x512xf32, #tpu.memory_space<vmem>> -> memref<1x64x512xf32, #tpu.memory_space<vmem>>
        %swap3A_691 = tpu.memref_squeeze %swap3A_690 : memref<1x64x512xf32, #tpu.memory_space<vmem>> -> memref<64x512xf32, #tpu.memory_space<vmem>>
        %swap3A_692 = arith.index_cast %swap3A_687 : i32 to index
        %swap3A_693 = arith.index_cast %mul3A_141 : i32 to index
        %swap3A_694 = tpu.vector_load %swap3A_691[%swap3A_692, %swap3A_693] {strides = array<i32>} : memref<64x512xf32, #tpu.memory_space<vmem>>, vector<16xf32>,
        tpu.vector_store %swap3A_691[%swap3A_692, %swap3A_693], %gather3A_642 {strides = array<i32>} : memref<64x512xf32, #tpu.memory_space<vmem>>, vector<16xf32>,
        %swap3A_695 = arith.constant 45 : i32
        %swap3A_696 = arith.constant 0 : i32
        %swap3A_697 = arith.constant 0 : i32
        %swap3A_698 = tpu.memref_slice %arg7[%scan3A_19, %swap3A_696, %swap3A_697] : memref<2x64x512xf32, #tpu.memory_space<vmem>> -> memref<1x64x512xf32, #tpu.memory_space<vmem>>
        %swap3A_699 = tpu.memref_squeeze %swap3A_698 : memref<1x64x512xf32, #tpu.memory_space<vmem>> -> memref<64x512xf32, #tpu.memory_space<vmem>>
        %swap3A_700 = arith.index_cast %swap3A_695 : i32 to index
        %swap3A_701 = arith.index_cast %mul3A_141 : i32 to index
        %swap3A_702 = tpu.vector_load %swap3A_699[%swap3A_700, %swap3A_701] {strides = array<i32>} : memref<64x512xf32, #tpu.memory_space<vmem>>, vector<16xf32>,
        tpu.vector_store %swap3A_699[%swap3A_700, %swap3A_701], %gather3A_646 {strides = array<i32>} : memref<64x512xf32, #tpu.memory_space<vmem>>, vector<16xf32>,
        %swap3A_703 = arith.constant 46 : i32
        %swap3A_704 = arith.constant 0 : i32
        %swap3A_705 = arith.constant 0 : i32
        %swap3A_706 = tpu.memref_slice %arg7[%scan3A_19, %swap3A_704, %swap3A_705] : memref<2x64x512xf32, #tpu.memory_space<vmem>> -> memref<1x64x512xf32, #tpu.memory_space<vmem>>
        %swap3A_707 = tpu.memref_squeeze %swap3A_706 : memref<1x64x512xf32, #tpu.memory_space<vmem>> -> memref<64x512xf32, #tpu.memory_space<vmem>>
        %swap3A_708 = arith.index_cast %swap3A_703 : i32 to index
        %swap3A_709 = arith.index_cast %mul3A_141 : i32 to index
        %swap3A_710 = tpu.vector_load %swap3A_707[%swap3A_708, %swap3A_709] {strides = array<i32>} : memref<64x512xf32, #tpu.memory_space<vmem>>, vector<16xf32>,
        tpu.vector_store %swap3A_707[%swap3A_708, %swap3A_709], %gather3A_650 {strides = array<i32>} : memref<64x512xf32, #tpu.memory_space<vmem>>, vector<16xf32>,
        %swap3A_711 = arith.constant 47 : i32
        %swap3A_712 = arith.constant 0 : i32
        %swap3A_713 = arith.constant 0 : i32
        %swap3A_714 = tpu.memref_slice %arg7[%scan3A_19, %swap3A_712, %swap3A_713] : memref<2x64x512xf32, #tpu.memory_space<vmem>> -> memref<1x64x512xf32, #tpu.memory_space<vmem>>
        %swap3A_715 = tpu.memref_squeeze %swap3A_714 : memref<1x64x512xf32, #tpu.memory_space<vmem>> -> memref<64x512xf32, #tpu.memory_space<vmem>>
        %swap3A_716 = arith.index_cast %swap3A_711 : i32 to index
        %swap3A_717 = arith.index_cast %mul3A_141 : i32 to index
        %swap3A_718 = tpu.vector_load %swap3A_715[%swap3A_716, %swap3A_717] {strides = array<i32>} : memref<64x512xf32, #tpu.memory_space<vmem>>, vector<16xf32>,
        tpu.vector_store %swap3A_715[%swap3A_716, %swap3A_717], %gather3A_654 {strides = array<i32>} : memref<64x512xf32, #tpu.memory_space<vmem>>, vector<16xf32>,
        %add3A_719 = arith.constant 4896 : i32
        %add3A_720 = vector.broadcast %add3A_719 : i32 to vector<16xi32>
        %add3A_721 = arith.addi %get3A_144, %add3A_720 : vector<16xi32>
        %gather3A_722 = tpu.vector_load_idx %arg5[%add3A_721] : memref<6528xf32, #tpu.memory_space<vmem>>[vector<16xi32>], vector<16xf32>,
        %add3A_723 = arith.constant 4998 : i32
        %add3A_724 = vector.broadcast %add3A_723 : i32 to vector<16xi32>
        %add3A_725 = arith.addi %get3A_144, %add3A_724 : vector<16xi32>
        %gather3A_726 = tpu.vector_load_idx %arg5[%add3A_725] : memref<6528xf32, #tpu.memory_space<vmem>>[vector<16xi32>], vector<16xf32>,
        %add3A_727 = arith.constant 5100 : i32
        %add3A_728 = vector.broadcast %add3A_727 : i32 to vector<16xi32>
        %add3A_729 = arith.addi %get3A_144, %add3A_728 : vector<16xi32>
        %gather3A_730 = tpu.vector_load_idx %arg5[%add3A_729] : memref<6528xf32, #tpu.memory_space<vmem>>[vector<16xi32>], vector<16xf32>,
        %add3A_731 = arith.constant 5202 : i32
        %add3A_732 = vector.broadcast %add3A_731 : i32 to vector<16xi32>
        %add3A_733 = arith.addi %get3A_144, %add3A_732 : vector<16xi32>
        %gather3A_734 = tpu.vector_load_idx %arg5[%add3A_733] : memref<6528xf32, #tpu.memory_space<vmem>>[vector<16xi32>], vector<16xf32>,
        %add3A_735 = arith.constant 5304 : i32
        %add3A_736 = vector.broadcast %add3A_735 : i32 to vector<16xi32>
        %add3A_737 = arith.addi %get3A_144, %add3A_736 : vector<16xi32>
        %gather3A_738 = tpu.vector_load_idx %arg5[%add3A_737] : memref<6528xf32, #tpu.memory_space<vmem>>[vector<16xi32>], vector<16xf32>,
        %add3A_739 = arith.constant 5406 : i32
        %add3A_740 = vector.broadcast %add3A_739 : i32 to vector<16xi32>
        %add3A_741 = arith.addi %get3A_144, %add3A_740 : vector<16xi32>
        %gather3A_742 = tpu.vector_load_idx %arg5[%add3A_741] : memref<6528xf32, #tpu.memory_space<vmem>>[vector<16xi32>], vector<16xf32>,
        %add3A_743 = arith.constant 5508 : i32
        %add3A_744 = vector.broadcast %add3A_743 : i32 to vector<16xi32>
        %add3A_745 = arith.addi %get3A_144, %add3A_744 : vector<16xi32>
        %gather3A_746 = tpu.vector_load_idx %arg5[%add3A_745] : memref<6528xf32, #tpu.memory_space<vmem>>[vector<16xi32>], vector<16xf32>,
        %add3A_747 = arith.constant 5610 : i32
        %add3A_748 = vector.broadcast %add3A_747 : i32 to vector<16xi32>
        %add3A_749 = arith.addi %get3A_144, %add3A_748 : vector<16xi32>
        %gather3A_750 = tpu.vector_load_idx %arg5[%add3A_749] : memref<6528xf32, #tpu.memory_space<vmem>>[vector<16xi32>], vector<16xf32>,
        %swap3A_751 = arith.constant 48 : i32
        %swap3A_752 = arith.constant 0 : i32
        %swap3A_753 = arith.constant 0 : i32
        %swap3A_754 = tpu.memref_slice %arg7[%scan3A_19, %swap3A_752, %swap3A_753] : memref<2x64x512xf32, #tpu.memory_space<vmem>> -> memref<1x64x512xf32, #tpu.memory_space<vmem>>
        %swap3A_755 = tpu.memref_squeeze %swap3A_754 : memref<1x64x512xf32, #tpu.memory_space<vmem>> -> memref<64x512xf32, #tpu.memory_space<vmem>>
        %swap3A_756 = arith.index_cast %swap3A_751 : i32 to index
        %swap3A_757 = arith.index_cast %mul3A_141 : i32 to index
        %swap3A_758 = tpu.vector_load %swap3A_755[%swap3A_756, %swap3A_757] {strides = array<i32>} : memref<64x512xf32, #tpu.memory_space<vmem>>, vector<16xf32>,
        tpu.vector_store %swap3A_755[%swap3A_756, %swap3A_757], %gather3A_722 {strides = array<i32>} : memref<64x512xf32, #tpu.memory_space<vmem>>, vector<16xf32>,
        %swap3A_759 = arith.constant 49 : i32
        %swap3A_760 = arith.constant 0 : i32
        %swap3A_761 = arith.constant 0 : i32
        %swap3A_762 = tpu.memref_slice %arg7[%scan3A_19, %swap3A_760, %swap3A_761] : memref<2x64x512xf32, #tpu.memory_space<vmem>> -> memref<1x64x512xf32, #tpu.memory_space<vmem>>
        %swap3A_763 = tpu.memref_squeeze %swap3A_762 : memref<1x64x512xf32, #tpu.memory_space<vmem>> -> memref<64x512xf32, #tpu.memory_space<vmem>>
        %swap3A_764 = arith.index_cast %swap3A_759 : i32 to index
        %swap3A_765 = arith.index_cast %mul3A_141 : i32 to index
        %swap3A_766 = tpu.vector_load %swap3A_763[%swap3A_764, %swap3A_765] {strides = array<i32>} : memref<64x512xf32, #tpu.memory_space<vmem>>, vector<16xf32>,
        tpu.vector_store %swap3A_763[%swap3A_764, %swap3A_765], %gather3A_726 {strides = array<i32>} : memref<64x512xf32, #tpu.memory_space<vmem>>, vector<16xf32>,
        %swap3A_767 = arith.constant 50 : i32
        %swap3A_768 = arith.constant 0 : i32
        %swap3A_769 = arith.constant 0 : i32
        %swap3A_770 = tpu.memref_slice %arg7[%scan3A_19, %swap3A_768, %swap3A_769] : memref<2x64x512xf32, #tpu.memory_space<vmem>> -> memref<1x64x512xf32, #tpu.memory_space<vmem>>
        %swap3A_771 = tpu.memref_squeeze %swap3A_770 : memref<1x64x512xf32, #tpu.memory_space<vmem>> -> memref<64x512xf32, #tpu.memory_space<vmem>>
        %swap3A_772 = arith.index_cast %swap3A_767 : i32 to index
        %swap3A_773 = arith.index_cast %mul3A_141 : i32 to index
        %swap3A_774 = tpu.vector_load %swap3A_771[%swap3A_772, %swap3A_773] {strides = array<i32>} : memref<64x512xf32, #tpu.memory_space<vmem>>, vector<16xf32>,
        tpu.vector_store %swap3A_771[%swap3A_772, %swap3A_773], %gather3A_730 {strides = array<i32>} : memref<64x512xf32, #tpu.memory_space<vmem>>, vector<16xf32>,
        %swap3A_775 = arith.constant 51 : i32
        %swap3A_776 = arith.constant 0 : i32
        %swap3A_777 = arith.constant 0 : i32
        %swap3A_778 = tpu.memref_slice %arg7[%scan3A_19, %swap3A_776, %swap3A_777] : memref<2x64x512xf32, #tpu.memory_space<vmem>> -> memref<1x64x512xf32, #tpu.memory_space<vmem>>
        %swap3A_779 = tpu.memref_squeeze %swap3A_778 : memref<1x64x512xf32, #tpu.memory_space<vmem>> -> memref<64x512xf32, #tpu.memory_space<vmem>>
        %swap3A_780 = arith.index_cast %swap3A_775 : i32 to index
        %swap3A_781 = arith.index_cast %mul3A_141 : i32 to index
        %swap3A_782 = tpu.vector_load %swap3A_779[%swap3A_780, %swap3A_781] {strides = array<i32>} : memref<64x512xf32, #tpu.memory_space<vmem>>, vector<16xf32>,
        tpu.vector_store %swap3A_779[%swap3A_780, %swap3A_781], %gather3A_734 {strides = array<i32>} : memref<64x512xf32, #tpu.memory_space<vmem>>, vector<16xf32>,
        %swap3A_783 = arith.constant 52 : i32
        %swap3A_784 = arith.constant 0 : i32
        %swap3A_785 = arith.constant 0 : i32
        %swap3A_786 = tpu.memref_slice %arg7[%scan3A_19, %swap3A_784, %swap3A_785] : memref<2x64x512xf32, #tpu.memory_space<vmem>> -> memref<1x64x512xf32, #tpu.memory_space<vmem>>
        %swap3A_787 = tpu.memref_squeeze %swap3A_786 : memref<1x64x512xf32, #tpu.memory_space<vmem>> -> memref<64x512xf32, #tpu.memory_space<vmem>>
        %swap3A_788 = arith.index_cast %swap3A_783 : i32 to index
        %swap3A_789 = arith.index_cast %mul3A_141 : i32 to index
        %swap3A_790 = tpu.vector_load %swap3A_787[%swap3A_788, %swap3A_789] {strides = array<i32>} : memref<64x512xf32, #tpu.memory_space<vmem>>, vector<16xf32>,
        tpu.vector_store %swap3A_787[%swap3A_788, %swap3A_789], %gather3A_738 {strides = array<i32>} : memref<64x512xf32, #tpu.memory_space<vmem>>, vector<16xf32>,
        %swap3A_791 = arith.constant 53 : i32
        %swap3A_792 = arith.constant 0 : i32
        %swap3A_793 = arith.constant 0 : i32
        %swap3A_794 = tpu.memref_slice %arg7[%scan3A_19, %swap3A_792, %swap3A_793] : memref<2x64x512xf32, #tpu.memory_space<vmem>> -> memref<1x64x512xf32, #tpu.memory_space<vmem>>
        %swap3A_795 = tpu.memref_squeeze %swap3A_794 : memref<1x64x512xf32, #tpu.memory_space<vmem>> -> memref<64x512xf32, #tpu.memory_space<vmem>>
        %swap3A_796 = arith.index_cast %swap3A_791 : i32 to index
        %swap3A_797 = arith.index_cast %mul3A_141 : i32 to index
        %swap3A_798 = tpu.vector_load %swap3A_795[%swap3A_796, %swap3A_797] {strides = array<i32>} : memref<64x512xf32, #tpu.memory_space<vmem>>, vector<16xf32>,
        tpu.vector_store %swap3A_795[%swap3A_796, %swap3A_797], %gather3A_742 {strides = array<i32>} : memref<64x512xf32, #tpu.memory_space<vmem>>, vector<16xf32>,
        %swap3A_799 = arith.constant 54 : i32
        %swap3A_800 = arith.constant 0 : i32
        %swap3A_801 = arith.constant 0 : i32
        %swap3A_802 = tpu.memref_slice %arg7[%scan3A_19, %swap3A_800, %swap3A_801] : memref<2x64x512xf32, #tpu.memory_space<vmem>> -> memref<1x64x512xf32, #tpu.memory_space<vmem>>
        %swap3A_803 = tpu.memref_squeeze %swap3A_802 : memref<1x64x512xf32, #tpu.memory_space<vmem>> -> memref<64x512xf32, #tpu.memory_space<vmem>>
        %swap3A_804 = arith.index_cast %swap3A_799 : i32 to index
        %swap3A_805 = arith.index_cast %mul3A_141 : i32 to index
        %swap3A_806 = tpu.vector_load %swap3A_803[%swap3A_804, %swap3A_805] {strides = array<i32>} : memref<64x512xf32, #tpu.memory_space<vmem>>, vector<16xf32>,
        tpu.vector_store %swap3A_803[%swap3A_804, %swap3A_805], %gather3A_746 {strides = array<i32>} : memref<64x512xf32, #tpu.memory_space<vmem>>, vector<16xf32>,
        %swap3A_807 = arith.constant 55 : i32
        %swap3A_808 = arith.constant 0 : i32
        %swap3A_809 = arith.constant 0 : i32
        %swap3A_810 = tpu.memref_slice %arg7[%scan3A_19, %swap3A_808, %swap3A_809] : memref<2x64x512xf32, #tpu.memory_space<vmem>> -> memref<1x64x512xf32, #tpu.memory_space<vmem>>
        %swap3A_811 = tpu.memref_squeeze %swap3A_810 : memref<1x64x512xf32, #tpu.memory_space<vmem>> -> memref<64x512xf32, #tpu.memory_space<vmem>>
        %swap3A_812 = arith.index_cast %swap3A_807 : i32 to index
        %swap3A_813 = arith.index_cast %mul3A_141 : i32 to index
        %swap3A_814 = tpu.vector_load %swap3A_811[%swap3A_812, %swap3A_813] {strides = array<i32>} : memref<64x512xf32, #tpu.memory_space<vmem>>, vector<16xf32>,
        tpu.vector_store %swap3A_811[%swap3A_812, %swap3A_813], %gather3A_750 {strides = array<i32>} : memref<64x512xf32, #tpu.memory_space<vmem>>, vector<16xf32>,
        %add3A_815 = arith.constant 5712 : i32
        %add3A_816 = vector.broadcast %add3A_815 : i32 to vector<16xi32>
        %add3A_817 = arith.addi %get3A_144, %add3A_816 : vector<16xi32>
        %gather3A_818 = tpu.vector_load_idx %arg5[%add3A_817] : memref<6528xf32, #tpu.memory_space<vmem>>[vector<16xi32>], vector<16xf32>,
        %add3A_819 = arith.constant 5814 : i32
        %add3A_820 = vector.broadcast %add3A_819 : i32 to vector<16xi32>
        %add3A_821 = arith.addi %get3A_144, %add3A_820 : vector<16xi32>
        %gather3A_822 = tpu.vector_load_idx %arg5[%add3A_821] : memref<6528xf32, #tpu.memory_space<vmem>>[vector<16xi32>], vector<16xf32>,
        %add3A_823 = arith.constant 5916 : i32
        %add3A_824 = vector.broadcast %add3A_823 : i32 to vector<16xi32>
        %add3A_825 = arith.addi %get3A_144, %add3A_824 : vector<16xi32>
        %gather3A_826 = tpu.vector_load_idx %arg5[%add3A_825] : memref<6528xf32, #tpu.memory_space<vmem>>[vector<16xi32>], vector<16xf32>,
        %add3A_827 = arith.constant 6018 : i32
        %add3A_828 = vector.broadcast %add3A_827 : i32 to vector<16xi32>
        %add3A_829 = arith.addi %get3A_144, %add3A_828 : vector<16xi32>
        %gather3A_830 = tpu.vector_load_idx %arg5[%add3A_829] : memref<6528xf32, #tpu.memory_space<vmem>>[vector<16xi32>], vector<16xf32>,
        %add3A_831 = arith.constant 6120 : i32
        %add3A_832 = vector.broadcast %add3A_831 : i32 to vector<16xi32>
        %add3A_833 = arith.addi %get3A_144, %add3A_832 : vector<16xi32>
        %gather3A_834 = tpu.vector_load_idx %arg5[%add3A_833] : memref<6528xf32, #tpu.memory_space<vmem>>[vector<16xi32>], vector<16xf32>,
        %add3A_835 = arith.constant 6222 : i32
        %add3A_836 = vector.broadcast %add3A_835 : i32 to vector<16xi32>
        %add3A_837 = arith.addi %get3A_144, %add3A_836 : vector<16xi32>
        %gather3A_838 = tpu.vector_load_idx %arg5[%add3A_837] : memref<6528xf32, #tpu.memory_space<vmem>>[vector<16xi32>], vector<16xf32>,
        %add3A_839 = arith.constant 6324 : i32
        %add3A_840 = vector.broadcast %add3A_839 : i32 to vector<16xi32>
        %add3A_841 = arith.addi %get3A_144, %add3A_840 : vector<16xi32>
        %gather3A_842 = tpu.vector_load_idx %arg5[%add3A_841] : memref<6528xf32, #tpu.memory_space<vmem>>[vector<16xi32>], vector<16xf32>,
        %add3A_843 = arith.constant 6426 : i32
        %add3A_844 = vector.broadcast %add3A_843 : i32 to vector<16xi32>
        %add3A_845 = arith.addi %get3A_144, %add3A_844 : vector<16xi32>
        %gather3A_846 = tpu.vector_load_idx %arg5[%add3A_845] : memref<6528xf32, #tpu.memory_space<vmem>>[vector<16xi32>], vector<16xf32>,
        %swap3A_847 = arith.constant 56 : i32
        %swap3A_848 = arith.constant 0 : i32
        %swap3A_849 = arith.constant 0 : i32
        %swap3A_850 = tpu.memref_slice %arg7[%scan3A_19, %swap3A_848, %swap3A_849] : memref<2x64x512xf32, #tpu.memory_space<vmem>> -> memref<1x64x512xf32, #tpu.memory_space<vmem>>
        %swap3A_851 = tpu.memref_squeeze %swap3A_850 : memref<1x64x512xf32, #tpu.memory_space<vmem>> -> memref<64x512xf32, #tpu.memory_space<vmem>>
        %swap3A_852 = arith.index_cast %swap3A_847 : i32 to index
        %swap3A_853 = arith.index_cast %mul3A_141 : i32 to index
        %swap3A_854 = tpu.vector_load %swap3A_851[%swap3A_852, %swap3A_853] {strides = array<i32>} : memref<64x512xf32, #tpu.memory_space<vmem>>, vector<16xf32>,
        tpu.vector_store %swap3A_851[%swap3A_852, %swap3A_853], %gather3A_818 {strides = array<i32>} : memref<64x512xf32, #tpu.memory_space<vmem>>, vector<16xf32>,
        %swap3A_855 = arith.constant 57 : i32
        %swap3A_856 = arith.constant 0 : i32
        %swap3A_857 = arith.constant 0 : i32
        %swap3A_858 = tpu.memref_slice %arg7[%scan3A_19, %swap3A_856, %swap3A_857] : memref<2x64x512xf32, #tpu.memory_space<vmem>> -> memref<1x64x512xf32, #tpu.memory_space<vmem>>
        %swap3A_859 = tpu.memref_squeeze %swap3A_858 : memref<1x64x512xf32, #tpu.memory_space<vmem>> -> memref<64x512xf32, #tpu.memory_space<vmem>>
        %swap3A_860 = arith.index_cast %swap3A_855 : i32 to index
        %swap3A_861 = arith.index_cast %mul3A_141 : i32 to index
        %swap3A_862 = tpu.vector_load %swap3A_859[%swap3A_860, %swap3A_861] {strides = array<i32>} : memref<64x512xf32, #tpu.memory_space<vmem>>, vector<16xf32>,
        tpu.vector_store %swap3A_859[%swap3A_860, %swap3A_861], %gather3A_822 {strides = array<i32>} : memref<64x512xf32, #tpu.memory_space<vmem>>, vector<16xf32>,
        %swap3A_863 = arith.constant 58 : i32
        %swap3A_864 = arith.constant 0 : i32
        %swap3A_865 = arith.constant 0 : i32
        %swap3A_866 = tpu.memref_slice %arg7[%scan3A_19, %swap3A_864, %swap3A_865] : memref<2x64x512xf32, #tpu.memory_space<vmem>> -> memref<1x64x512xf32, #tpu.memory_space<vmem>>
        %swap3A_867 = tpu.memref_squeeze %swap3A_866 : memref<1x64x512xf32, #tpu.memory_space<vmem>> -> memref<64x512xf32, #tpu.memory_space<vmem>>
        %swap3A_868 = arith.index_cast %swap3A_863 : i32 to index
        %swap3A_869 = arith.index_cast %mul3A_141 : i32 to index
        %swap3A_870 = tpu.vector_load %swap3A_867[%swap3A_868, %swap3A_869] {strides = array<i32>} : memref<64x512xf32, #tpu.memory_space<vmem>>, vector<16xf32>,
        tpu.vector_store %swap3A_867[%swap3A_868, %swap3A_869], %gather3A_826 {strides = array<i32>} : memref<64x512xf32, #tpu.memory_space<vmem>>, vector<16xf32>,
        %swap3A_871 = arith.constant 59 : i32
        %swap3A_872 = arith.constant 0 : i32
        %swap3A_873 = arith.constant 0 : i32
        %swap3A_874 = tpu.memref_slice %arg7[%scan3A_19, %swap3A_872, %swap3A_873] : memref<2x64x512xf32, #tpu.memory_space<vmem>> -> memref<1x64x512xf32, #tpu.memory_space<vmem>>
        %swap3A_875 = tpu.memref_squeeze %swap3A_874 : memref<1x64x512xf32, #tpu.memory_space<vmem>> -> memref<64x512xf32, #tpu.memory_space<vmem>>
        %swap3A_876 = arith.index_cast %swap3A_871 : i32 to index
        %swap3A_877 = arith.index_cast %mul3A_141 : i32 to index
        %swap3A_878 = tpu.vector_load %swap3A_875[%swap3A_876, %swap3A_877] {strides = array<i32>} : memref<64x512xf32, #tpu.memory_space<vmem>>, vector<16xf32>,
        tpu.vector_store %swap3A_875[%swap3A_876, %swap3A_877], %gather3A_830 {strides = array<i32>} : memref<64x512xf32, #tpu.memory_space<vmem>>, vector<16xf32>,
        %swap3A_879 = arith.constant 60 : i32
        %swap3A_880 = arith.constant 0 : i32
        %swap3A_881 = arith.constant 0 : i32
        %swap3A_882 = tpu.memref_slice %arg7[%scan3A_19, %swap3A_880, %swap3A_881] : memref<2x64x512xf32, #tpu.memory_space<vmem>> -> memref<1x64x512xf32, #tpu.memory_space<vmem>>
        %swap3A_883 = tpu.memref_squeeze %swap3A_882 : memref<1x64x512xf32, #tpu.memory_space<vmem>> -> memref<64x512xf32, #tpu.memory_space<vmem>>
        %swap3A_884 = arith.index_cast %swap3A_879 : i32 to index
        %swap3A_885 = arith.index_cast %mul3A_141 : i32 to index
        %swap3A_886 = tpu.vector_load %swap3A_883[%swap3A_884, %swap3A_885] {strides = array<i32>} : memref<64x512xf32, #tpu.memory_space<vmem>>, vector<16xf32>,
        tpu.vector_store %swap3A_883[%swap3A_884, %swap3A_885], %gather3A_834 {strides = array<i32>} : memref<64x512xf32, #tpu.memory_space<vmem>>, vector<16xf32>,
        %swap3A_887 = arith.constant 61 : i32
        %swap3A_888 = arith.constant 0 : i32
        %swap3A_889 = arith.constant 0 : i32
        %swap3A_890 = tpu.memref_slice %arg7[%scan3A_19, %swap3A_888, %swap3A_889] : memref<2x64x512xf32, #tpu.memory_space<vmem>> -> memref<1x64x512xf32, #tpu.memory_space<vmem>>
        %swap3A_891 = tpu.memref_squeeze %swap3A_890 : memref<1x64x512xf32, #tpu.memory_space<vmem>> -> memref<64x512xf32, #tpu.memory_space<vmem>>
        %swap3A_892 = arith.index_cast %swap3A_887 : i32 to index
        %swap3A_893 = arith.index_cast %mul3A_141 : i32 to index
        %swap3A_894 = tpu.vector_load %swap3A_891[%swap3A_892, %swap3A_893] {strides = array<i32>} : memref<64x512xf32, #tpu.memory_space<vmem>>, vector<16xf32>,
        tpu.vector_store %swap3A_891[%swap3A_892, %swap3A_893], %gather3A_838 {strides = array<i32>} : memref<64x512xf32, #tpu.memory_space<vmem>>, vector<16xf32>,
        %swap3A_895 = arith.constant 62 : i32
        %swap3A_896 = arith.constant 0 : i32
        %swap3A_897 = arith.constant 0 : i32
        %swap3A_898 = tpu.memref_slice %arg7[%scan3A_19, %swap3A_896, %swap3A_897] : memref<2x64x512xf32, #tpu.memory_space<vmem>> -> memref<1x64x512xf32, #tpu.memory_space<vmem>>
        %swap3A_899 = tpu.memref_squeeze %swap3A_898 : memref<1x64x512xf32, #tpu.memory_space<vmem>> -> memref<64x512xf32, #tpu.memory_space<vmem>>
        %swap3A_900 = arith.index_cast %swap3A_895 : i32 to index
        %swap3A_901 = arith.index_cast %mul3A_141 : i32 to index
        %swap3A_902 = tpu.vector_load %swap3A_899[%swap3A_900, %swap3A_901] {strides = array<i32>} : memref<64x512xf32, #tpu.memory_space<vmem>>, vector<16xf32>,
        tpu.vector_store %swap3A_899[%swap3A_900, %swap3A_901], %gather3A_842 {strides = array<i32>} : memref<64x512xf32, #tpu.memory_space<vmem>>, vector<16xf32>,
        %swap3A_903 = arith.constant 63 : i32
        %swap3A_904 = arith.constant 0 : i32
        %swap3A_905 = arith.constant 0 : i32
        %swap3A_906 = tpu.memref_slice %arg7[%scan3A_19, %swap3A_904, %swap3A_905] : memref<2x64x512xf32, #tpu.memory_space<vmem>> -> memref<1x64x512xf32, #tpu.memory_space<vmem>>
        %swap3A_907 = tpu.memref_squeeze %swap3A_906 : memref<1x64x512xf32, #tpu.memory_space<vmem>> -> memref<64x512xf32, #tpu.memory_space<vmem>>
        %swap3A_908 = arith.index_cast %swap3A_903 : i32 to index
        %swap3A_909 = arith.index_cast %mul3A_141 : i32 to index
        %swap3A_910 = tpu.vector_load %swap3A_907[%swap3A_908, %swap3A_909] {strides = array<i32>} : memref<64x512xf32, #tpu.memory_space<vmem>>, vector<16xf32>,
        tpu.vector_store %swap3A_907[%swap3A_908, %swap3A_909], %gather3A_846 {strides = array<i32>} : memref<64x512xf32, #tpu.memory_space<vmem>>, vector<16xf32>,
      }
      %scan3A_119 = arith.constant 32 : i32
      %lt3A_120 = arith.constant 99 : i32
      %lt3A_121 = arith.cmpi slt, %scan3A_56, %lt3A_120 : i32
      %convert_element_type3A_122 = arith.extui %lt3A_121 : i1 to i32
      %cond3A_123 = arith.constant 0 : i32
      %cond3A_124 = arith.cmpi ne, %convert_element_type3A_122, %cond3A_123 : i32
      scf.if %cond3A_124 {
        %add3A_139 = arith.constant 2 : i32
        %add3A_140 = arith.addi %add3A_99, %add3A_139 : i32
        %mul3A_141 = arith.constant 16384 : i32
        %mul3A_142 = arith.muli %add3A_140, %mul3A_141 : i32
        %add3A_143 = arith.addi %mul3A_142, %mul3A_2 : i32
        %multiple_of3A_144 = tpu.assume_multiple %add3A_143, 8 : i32
        %dma_start3A_145 = arith.constant 512 : i32
        %dma_start3A_146 = tpu.memref_slice %arg6[%dma_start3A_145] : memref<1024xi32, #tpu.memory_space<vmem>> -> memref<512xi32, #tpu.memory_space<vmem>>
        %dma_start3A_147 = tpu.memref_slice %arg2[%multiple_of3A_144] : memref<3276800xi32, #tpu.memory_space<hbm>> -> memref<512xi32, #tpu.memory_space<hbm>>
        %dma_start3A_148 = arith.constant 512 : i32
        %dma_start3A_149 = tpu.memref_slice %arg6[%dma_start3A_148] : memref<1024xi32, #tpu.memory_space<vmem>> -> memref<512xi32, #tpu.memory_space<vmem>>
        %dma_start3A_150 = tpu.memref_slice %arg2[%multiple_of3A_144] : memref<3276800xi32, #tpu.memory_space<hbm>> -> memref<512xi32, #tpu.memory_space<hbm>>
        tpu.enqueue_dma source(%dma_start3A_150 : memref<512xi32, #tpu.memory_space<hbm>>) target(%dma_start3A_149 : memref<512xi32, #tpu.memory_space<vmem>>) target_semaphore(%arg9 : memref<!tpu.dma_semaphore, #tpu.memory_space<semaphore_mem>>)
      } else {
      }
      %dma_start3A_125 = arith.constant 0 : i32
      %dma_start3A_126 = arith.constant 0 : i32
      %dma_start3A_127 = tpu.memref_slice %arg7[%scan3A_19, %dma_start3A_125, %dma_start3A_126] : memref<2x64x512xf32, #tpu.memory_space<vmem>> -> memref<1x64x512xf32, #tpu.memory_space<vmem>>
      %dma_start3A_128 = tpu.memref_squeeze %dma_start3A_127 : memref<1x64x512xf32, #tpu.memory_space<vmem>> -> memref<64x512xf32, #tpu.memory_space<vmem>>
      %dma_start3A_129 = arith.constant 0 : i32
      %dma_start3A_130 = tpu.memref_slice %arg4[%add3A_99, %dma_start3A_129, %mul3A_2] : memref<200x64x16384xf32, #tpu.memory_space<hbm>> -> memref<1x64x512xf32, #tpu.memory_space<hbm>>
      %dma_start3A_131 = tpu.memref_squeeze %dma_start3A_130 : memref<1x64x512xf32, #tpu.memory_space<hbm>> -> memref<64x512xf32, #tpu.memory_space<hbm>>
      %dma_start3A_132 = arith.constant 0 : i32
      %dma_start3A_133 = tpu.memref_slice %arg4[%add3A_99, %dma_start3A_132, %mul3A_2] : memref<200x64x16384xf32, #tpu.memory_space<hbm>> -> memref<1x64x512xf32, #tpu.memory_space<hbm>>
      %dma_start3A_134 = tpu.memref_squeeze %dma_start3A_133 : memref<1x64x512xf32, #tpu.memory_space<hbm>> -> memref<64x512xf32, #tpu.memory_space<hbm>>
      %dma_start3A_135 = arith.constant 0 : i32
      %dma_start3A_136 = arith.constant 0 : i32
      %dma_start3A_137 = tpu.memref_slice %arg7[%scan3A_19, %dma_start3A_135, %dma_start3A_136] : memref<2x64x512xf32, #tpu.memory_space<vmem>> -> memref<1x64x512xf32, #tpu.memory_space<vmem>>
      %dma_start3A_138 = tpu.memref_squeeze %dma_start3A_137 : memref<1x64x512xf32, #tpu.memory_space<vmem>> -> memref<64x512xf32, #tpu.memory_space<vmem>>
      tpu.enqueue_dma source(%dma_start3A_138 : memref<64x512xf32, #tpu.memory_space<vmem>>) target(%dma_start3A_134 : memref<64x512xf32, #tpu.memory_space<hbm>>) target_semaphore(%arg11 : memref<!tpu.dma_semaphore, #tpu.memory_space<semaphore_mem>>)
    }
    %scan3A_24 = arith.constant 100 : i32
    %dma_wait3A = arith.constant 0 : i32
    %dma_wait3A_25 = arith.constant 198 : i32
    %dma_wait3A_26 = arith.constant 0 : i32
    %dma_wait3A_27 = arith.constant 0 : i32
    %dma_wait3A_28 = tpu.memref_slice %arg7[%dma_wait3A, %dma_wait3A_26, %dma_wait3A_27] : memref<2x64x512xf32, #tpu.memory_space<vmem>> -> memref<1x64x512xf32, #tpu.memory_space<vmem>>
    %dma_wait3A_29 = tpu.memref_squeeze %dma_wait3A_28 : memref<1x64x512xf32, #tpu.memory_space<vmem>> -> memref<64x512xf32, #tpu.memory_space<vmem>>
    %dma_wait3A_30 = arith.constant 0 : i32
    %dma_wait3A_31 = tpu.memref_slice %arg4[%dma_wait3A_25, %dma_wait3A_30, %mul3A_2] : memref<200x64x16384xf32, #tpu.memory_space<hbm>> -> memref<1x64x512xf32, #tpu.memory_space<hbm>>
    %dma_wait3A_32 = tpu.memref_squeeze %dma_wait3A_31 : memref<1x64x512xf32, #tpu.memory_space<hbm>> -> memref<64x512xf32, #tpu.memory_space<hbm>>
    %dma_wait3A_33 = arith.constant 0 : i32
    %dma_wait3A_34 = tpu.memref_slice %arg4[%dma_wait3A_25, %dma_wait3A_33, %mul3A_2] : memref<200x64x16384xf32, #tpu.memory_space<hbm>> -> memref<1x64x512xf32, #tpu.memory_space<hbm>>
    %dma_wait3A_35 = tpu.memref_squeeze %dma_wait3A_34 : memref<1x64x512xf32, #tpu.memory_space<hbm>> -> memref<64x512xf32, #tpu.memory_space<hbm>>
    %dma_wait3A_36 = arith.constant 0 : i32
    %dma_wait3A_37 = arith.constant 0 : i32
    %dma_wait3A_38 = tpu.memref_slice %arg7[%dma_wait3A, %dma_wait3A_36, %dma_wait3A_37] : memref<2x64x512xf32, #tpu.memory_space<vmem>> -> memref<1x64x512xf32, #tpu.memory_space<vmem>>
    %dma_wait3A_39 = tpu.memref_squeeze %dma_wait3A_38 : memref<1x64x512xf32, #tpu.memory_space<vmem>> -> memref<64x512xf32, #tpu.memory_space<vmem>>
    tpu.wait_dma2 semaphore(%arg10 : memref<!tpu.dma_semaphore, #tpu.memory_space<semaphore_mem>>) src(%dma_wait3A_39 : memref<64x512xf32, #tpu.memory_space<vmem>>) dst(%dma_wait3A_35 : memref<64x512xf32, #tpu.memory_space<hbm>>)
    %dma_wait3A_40 = arith.constant 1 : i32
    %dma_wait3A_41 = arith.constant 199 : i32
    %dma_wait3A_42 = arith.constant 0 : i32
    %dma_wait3A_43 = arith.constant 0 : i32
    %dma_wait3A_44 = tpu.memref_slice %arg7[%dma_wait3A_40, %dma_wait3A_42, %dma_wait3A_43] : memref<2x64x512xf32, #tpu.memory_space<vmem>> -> memref<1x64x512xf32, #tpu.memory_space<vmem>>
    %dma_wait3A_45 = tpu.memref_squeeze %dma_wait3A_44 : memref<1x64x512xf32, #tpu.memory_space<vmem>> -> memref<64x512xf32, #tpu.memory_space<vmem>>
    %dma_wait3A_46 = arith.constant 0 : i32
    %dma_wait3A_47 = tpu.memref_slice %arg4[%dma_wait3A_41, %dma_wait3A_46, %mul3A_2] : memref<200x64x16384xf32, #tpu.memory_space<hbm>> -> memref<1x64x512xf32, #tpu.memory_space<hbm>>
    %dma_wait3A_48 = tpu.memref_squeeze %dma_wait3A_47 : memref<1x64x512xf32, #tpu.memory_space<hbm>> -> memref<64x512xf32, #tpu.memory_space<hbm>>
    %dma_wait3A_49 = arith.constant 0 : i32
    %dma_wait3A_50 = tpu.memref_slice %arg4[%dma_wait3A_41, %dma_wait3A_49, %mul3A_2] : memref<200x64x16384xf32, #tpu.memory_space<hbm>> -> memref<1x64x512xf32, #tpu.memory_space<hbm>>
    %dma_wait3A_51 = tpu.memref_squeeze %dma_wait3A_50 : memref<1x64x512xf32, #tpu.memory_space<hbm>> -> memref<64x512xf32, #tpu.memory_space<hbm>>
    %dma_wait3A_52 = arith.constant 0 : i32
    %dma_wait3A_53 = arith.constant 0 : i32
    %dma_wait3A_54 = tpu.memref_slice %arg7[%dma_wait3A_40, %dma_wait3A_52, %dma_wait3A_53] : memref<2x64x512xf32, #tpu.memory_space<vmem>> -> memref<1x64x512xf32, #tpu.memory_space<vmem>>
    %dma_wait3A_55 = tpu.memref_squeeze %dma_wait3A_54 : memref<1x64x512xf32, #tpu.memory_space<vmem>> -> memref<64x512xf32, #tpu.memory_space<vmem>>
    tpu.wait_dma2 semaphore(%arg11 : memref<!tpu.dma_semaphore, #tpu.memory_space<semaphore_mem>>) src(%dma_wait3A_55 : memref<64x512xf32, #tpu.memory_space<vmem>>) dst(%dma_wait3A_51 : memref<64x512xf32, #tpu.memory_space<hbm>>)
    return
  }
}

</mosaic_0001>

<sc_bundles>
// kernel: kernel.3.cloned.1.call-start
scs
__scs_entry_jumppad:
0x0: {  	(pc) =	sbr.rel $0x88, $3  }
0x1: {  	(tag) =	ssettag $0x0;
	lr =	simm.s32 $0x1  }
0x2: {  	[smem:$0x3F9F] =	sst lr;
	_ =	strace $0xD0000000  }
0x3: {  	_ = 	snop  }
0x4: {  	_ = 	snop  }
0x5: {  	_ = 	snop  }
0x6: {  	_ = 	snop  }
0x7: {  	_ = 	snop  }
__scs_overlays_trampoline_lowered:
0x8: {  	[smem:$0x3FAE] =	sst s0  }
0x9: {  	[smem:$0x3FAF] =	sst s1  }
0xa: {  	[smem:$0x3FB0] =	sst s2  }
0xb: {  	[smem:$0x3FB1] =	sst s3  }
0xc: {  	[smem:$0x3FB2] =	sst s4  }
0xd: {  	[smem:$0x3FB3] =	sst s5  }
0xe: {  	[smem:$0x3FB4] =	sst s6  }
0xf: {  	[smem:$0x3FB5] =	sst s7  }
0x10: {  	[smem:$0x3FB6] =	sst s8  }
0x11: {  	[smem:$0x3FB7] =	sst s9;
	s0 =	simm.s32 @!p0 $0x0  }
0x12: {  	s1 =	sld [smem:$0x3F9D];
	s0 =	simm.s32 @p0 $0x1  }
0x13: {  	[smem:$0x3FB8] =	sst s0;
	s0 =	simm.s32 @!p1 $0x0  }
0x14: {  	s2 =	sld [smem:$0x3F9C];
	s0 =	simm.s32 @p1 $0x1  }
0x15: {  	[smem:$0x3FB9] =	sst s0;
	s0 =	simm.s32 @!p2 $0x0  }
0x16: {  	s3 =	sld [smem:$0x3FDB];
	s0 =	simm.s32 @p2 $0x1  }
0x17: {  	s4 =	simm.s32 $0x1BF5;
	[smem:$0x3FBB] =	sst s0  }
0x18: {  	s0 =	sld [smem:$0x3F9E];
	_ =	swait.ge [sflag:s4], $0x0  }
0x19: {  	s7 =	sld [smem:$0x3F9F]  }
0x1a: {  	s8 =	sadd.s32 $0xFFFFE003, lr  }
0x1b: {  	s9 =	sadd.s32 $0xFFFFFEF7, lr;
	s5 =	simm.s32 $0xFFFFFFFF;
	p2 =	slt.u32 s8, $0xFFFFF086  }
0x1c: {  	p1 =	slt.u32 s9, $0xF7A;
	s5 =	simm.s32 @!p2 $0x0  }
0x1d: {  	s5 =	simm.s32 @p1 $0x1;
	p0 =	seq.s32 s7, s2  }
0x1e: {  	s7 =	smul.u32 @!p0 $0xF7A, s2;
	p2 =	seq.s32 @!p0 s5, $0x0  }
0x1f: {  	s9 =	smul.u32 $0xF7A, s1;
	s8 =	simm.s32 @!p0 $0x1BF5;
	p2 =	por !p2, p0  }
0x20: {  	[sflag:s8] =	ssyncset.s32 @!p0 $0xFFFFF086;
	s6 =	sadd.s32 @!p0 s3, s7;
	s7 =	simm.s32 @!p0 $0x108  }
0x21: {  	s3 =	sadd.s32 s3, s9;
	s6 =	sadd.s32 @!p0 $0x88, s6;
	s7 =	simm.s32 @p2 $0x1082  }
0x22: {  	[simem:s7], [sflag:s8] =	dma.local @!p0 [hbm:s6], $0xF7A  }
0x23: {  	s9 =	sor.u32 $0xD0000000, s2;
	s6 =	simm.s32 $0x108;
	_ =	swait.ge @!p0 [sflag:s8], $0x0  }
0x24: {  	s3 =	sadd.s32 $0x88, s3;
	s6 =	simm.s32 @!p1 $0x1082;
	[sflag:s4] =	ssyncset.s32 $0xFFFFF086  }
0x25: {  	[simem:s6], [sflag:s4] =	dma.local [hbm:s3], $0xF7A  }
0x26: {  	[smem:$0x3F9F] =	sst s1;
	(tag) =	ssettag s2;
	_ =	strace s9  }
0x27: {  	s1 =	sld [smem:$0x3FAF]  }
0x28: {  	s2 =	sld [smem:$0x3FB0]  }
0x29: {  	s4 =	sld [smem:$0x3FB2]  }
0x2a: {  	p0 =	seq.s32 s5, $0x0;
	s5 =	sld [smem:$0x3FB3]  }
0x2b: {  	s6 =	sld [smem:$0x3FB4]  }
0x2c: {  	s7 =	sld [smem:$0x3FB5]  }
0x2d: {  	s3 =	simm.s32 $0x108;
	s8 =	sld [smem:$0x3FB6]  }
0x2e: {  	s3 =	simm.s32 @!p0 $0x1082;
	s9 =	sld [smem:$0x3FB7]  }
0x2f: {  	lr =	sadd.s32 s0, s3;
	s0 =	sld [smem:$0x3FAE]  }
0x30: {  	s3 =	sld [smem:$0x3FB1]  }
0x31: {  	[smem:$0x3FBA] =	sst s10  }
0x32: {  	s10 =	sld [smem:$0x3FB8];
	_ =	sdelay $0x3  }
0x33: {  	p0 =	seq.s32 s10, $0x1;
	s10 =	sld [smem:$0x3FBA];
	_ =	sdelay $0x3  }
0x34: {  	[smem:$0x3FBA] =	sst s10  }
0x35: {  	s10 =	sld [smem:$0x3FB9];
	_ =	sdelay $0x3  }
0x36: {  	p1 =	seq.s32 s10, $0x1;
	s10 =	sld [smem:$0x3FBA];
	_ =	sdelay $0x3  }
0x37: {  	[smem:$0x3FBA] =	sst s10  }
0x38: {  	s10 =	sld [smem:$0x3FBB]  }
0x39: {  	_ = 	snop;
	(pc) =	sbr.ind lr, $3  }
0x3a: {  	_ = 	snop  }
0x3b: {  	_ = 	snop  }
0x3c: {  	p2 =	seq.s32 s10, $0x1;
	s10 =	sld [smem:$0x3FBA]  }
0x3d: {  	_ =	shalt  }
0x3e: {  	_ =	shalt  }
0x3f: {  	_ =	shalt  }
0x40: {  	_ =	shalt  }
0x41: {  	_ =	shalt  }
0x42: {  	_ =	shalt  }
0x43: {  	_ =	shalt  }
0x44: {  	_ =	shalt  }
0x45: {  	_ =	shalt  }
0x46: {  	_ =	shalt  }
0x47: {  	_ =	shalt  }
0x48: {  	_ =	shalt  }
0x49: {  	_ =	shalt  }
0x4a: {  	_ =	shalt  }
0x4b: {  	_ =	shalt  }
0x4c: {  	_ =	shalt  }
0x4d: {  	_ =	shalt  }
0x4e: {  	_ =	shalt  }
0x4f: {  	_ =	shalt  }
0x50: {  	_ =	shalt  }
0x51: {  	_ =	shalt  }
0x52: {  	_ =	shalt  }
0x53: {  	_ =	shalt  }
0x54: {  	_ =	shalt  }
0x55: {  	_ =	shalt  }
0x56: {  	_ =	shalt  }
0x57: {  	_ =	shalt  }
0x58: {  	_ =	shalt  }
0x59: {  	_ =	shalt  }
0x5a: {  	_ =	shalt  }
0x5b: {  	_ =	shalt  }
0x5c: {  	_ =	shalt  }
0x5d: {  	_ =	shalt  }
0x5e: {  	_ =	shalt  }
0x5f: {  	_ =	shalt  }
0x60: {  	_ =	shalt  }
0x61: {  	_ =	shalt  }
0x62: {  	_ =	shalt  }
0x63: {  	_ =	shalt  }
0x64: {  	_ =	shalt  }
0x65: {  	_ =	shalt  }
0x66: {  	_ =	shalt  }
0x67: {  	_ =	shalt  }
0x68: {  	_ =	shalt  }
0x69: {  	_ =	shalt  }
0x6a: {  	_ =	shalt  }
0x6b: {  	_ =	shalt  }
0x6c: {  	_ =	shalt  }
0x6d: {  	_ =	shalt  }
0x6e: {  	_ =	shalt  }
0x6f: {  	_ =	shalt  }
0x70: {  	_ =	shalt  }
0x71: {  	_ =	shalt  }
0x72: {  	_ =	shalt  }
0x73: {  	_ =	shalt  }
0x74: {  	_ =	shalt  }
0x75: {  	_ =	shalt  }
0x76: {  	_ =	shalt  }
0x77: {  	_ =	shalt  }
0x78: {  	_ =	shalt  }
0x79: {  	_ =	shalt  }
0x7a: {  	_ =	shalt  }
0x7b: {  	_ =	shalt  }
0x7c: {  	_ =	shalt  }
0x7d: {  	_ =	shalt  }
0x7e: {  	_ =	shalt  }
0x7f: {  	_ =	shalt  }
0x80: {  	_ =	shalt  }
0x81: {  	_ =	shalt  }
0x82: {  	_ =	shalt  }
0x83: {  	_ =	shalt  }
0x84: {  	_ =	shalt  }
0x85: {  	_ =	shalt  }
0x86: {  	_ =	shalt  }
0x87: {  	_ =	shalt  }
.Lfunc_end0:
.L_simem_size_0:
called_computation_lowered:
.L_overlay_start_0:
0x88: {  	s2 =	sld [smem:$0x3FD9]  }
0x89: {  	s3 =	sld [smem:$0x3FFE];
	_ =	sdelay $0x1  }
0x8a: {  	s1 =	srdreg.scid  }
0x8b: {  	s0 =	sand.u32 $0x1, s1  }
0x8c: {  	s17 =	sshll.u32 s0, $0xA;
	s2 =	sadd.s32 s3, s2  }
0x8d: {  	s2 =	sadd.s32 s2, s17  }
0x8e: {  	[smem:$0x3FC6] =	sst s2  }
0x8f: {  	_ = 	snop  }
0x90: {  	s2 =	sld [smem:$0x3FD0];
	(tm) =	ssettm $0x1  }
0x91: {  	s18 =	sld [smem:$0x3FFB];
	_ =	sdelay $0x3  }
0x92: {  	_ =	strace s18  }
0x93: {  	s3 =	sld [smem:$0x3FFC];
	_ =	sdelay $0x3  }
0x94: {  	_ =	strace s3  }
0x95: {  	s3 =	sld [smem:$0x3FFD];
	_ =	sdelay $0x3  }
0x96: {  	_ =	strace s3  }
0x97: {  	_ =	strace $0x8FFFFFFF  }
0x98: {  	s19 =	sld [smem:$0x3FDB];
	_ =	sdelay $0x1  }
0x99: {  	s4 =	simm.s32 $_scs_section_size  }
0x9a: {  	s5 =	simm.s32 $_size__tile_overlayer_lowered;
	s6 =	simm.s32 $_tile_overlayer_lowered  }
0x9b: {  	s22 =	simm.s32 $0x1BFF;
	s21 =	sshll.u32 s6, $0x1;
	s3 =	sadd.s32 s4, s19  }
0x9c: {  	s7 =	simm.s32 $0x0;
	s20 =	sshll.u32 s5, $0x1;
	s5 =	sadd.s32 s21, s3  }
0x9d: {  	[timem:s7], [sflag:s22] =	dma.local [hbm:s5], s20  }
0x9e: {  	_ =	swait.ge [sflag:s22], s20  }
0x9f: {  	s4 =	ssub.s32 $0x0, s20;
	[sflag:s22] =	ssyncset.done $0x0  }
0xa0: {  	[sflag:s22] =	ssyncadd.s32 s4;
	_ =	sdelay $0x1  }
0xa1: {  	s23 =	simm.s32 $0x1B8B  }
0xa2: {  	_ =	swait.ge [sflag:s23], $0x1  }
0xa3: {  	[sflag:s23] =	ssyncset.done $0x0  }
0xa4: {  	s25 =	simm.s32 $0x1B8E;
	s24 =	sld [smem:$0x3FFE];
	[sflag:s23] =	ssyncadd.s32 $0xFFFFFFFF  }
0xa5: {  	s26 =	simm.s32 $execute0_lowered;
	[smem:$0x3FD2] =	sst s25  }
0xa6: {  	s5 =	sshll.u32 s26, $0x1;
	_ =	strace $0x80000046;
	[dreg:$0x1] =	wrdreg $0xFFFFFFFF  }
0xa7: {  	s28 =	simm.s32 $_size_execute0_lowered;
	s3 =	sadd.s32 s3, s5;
	[dreg:$0x0] =	wrdreg $0x0  }
0xa8: {  	s5 =	sshll.u32 s28, $0x1;
	[dreg:$0x2] =	wrdreg s3  }
0xa9: {  	[dreg:$0x3] =	wrdreg s5  }
0xaa: {  	[dreg:$0x4] =	wrdreg $0xC0  }
0xab: {  	_ =	task [dreg:s7], $0x5FFFF  }
0xac: {  	[dreg:$0x1] =	wrdreg $0xFFFFFFFF  }
0xad: {  	[dreg:$0x0] =	wrdreg $0x60  }
0xae: {  	[dreg:$0x2] =	wrdreg s24  }
0xaf: {  	[dreg:$0x3] =	wrdreg s2  }
0xb0: {  	[dreg:$0x4] =	wrdreg $0x9  }
0xb1: {  	_ =	task.clear_ibuf [dreg:s7], $0x5FFFF;
	_ =	strace $0x90000046  }
0xb2: {  	s29 =	simm.s32 $0x9;
	_ =	strace $0x80000048  }
0xb3: {  	_ =	swait.ge [sflag:s29], $0x1  }
0xb4: {  	[sflag:s29] =	ssyncadd.s32 $0xFFFFFFFF  }
0xb5: {  	_ =	strace $0x90000048  }
0xb6: {  	_ =	sfence  }
0xb7: {  	s30 =	sld [smem:$0x0];
	_ =	sdelay $0x2  }
0xb8: {  	s31 =	sshll.u32 s1, $0xD;
	s1 =	sshrl.u32 s1, $0x2  }
0xb9: {  	s3 =	sand.u32 $0x4000, s31;
	s1 =	sadd.s32 s1, s30  }
0xba: {  	s0 =	sor.u32 s3, s0;
	s1 =	sshll.u32 s1, $0x11  }
0xbb: {  	s0 =	sor.u32 s1, s0  }
0xbc: {  	s0 =	sadd.s32 $0x8F2B, s0  }
0xbd: {  	[sflag:s0] =	ssyncadd.remote.s32 $0x1  }
0xbe: {  	_ =	sfence.sel $0xFFFF  }
0xbf: {  	[dreg:$0x0] =	wrdreg $0xFFFFFFFF;
	(pc) =	sbr.abs _section_cstart, $3  }
0xc0: {  	[dreg:$0x1] =	wrdreg $0xFFFFFFFF  }
0xc1: {  	_ =	task.clear_ibuf [dreg:s7], $0x2FFFF;
	_ =	strace $0x9FFFFFFF  }
0xc2: {  	(tm) =	ssettm $0x7FFFFFFF  }
0xc3: {  	_ =	shalt  }
tec
execute0_lowered:
.L_overlay_start_1:
0x0: {  	(tag) =	ssettag $0x1  }
0x1: {  	s0 =	rddreg [dreg:$0x0]  }
0x2: {  	s2 =	rddreg [dreg:$0x1]  }
0x3: {  	s4 =	srdreg.scid;
	s3 =	simm.s32 $0x0;
	s1 =	stileid.u32  }
0x4: {  	s13 =	simm.s32 $0x5;
	s14 =	simm.s32 $0x1980;
	s15 =	simm.s32 $0x1B80  }
0x5: {  	s16 =	simm.s32 $0x1;
	s17 =	simm.s32 $0x1000;
	s18 =	simm.s32 $0x20000  }
0x6: {  	s19 =	simm.s32 $0x1D80;
	s20 =	simm.s32 $0x2;
	s21 =	simm.s32 $0x9D80  }
0x7: {  	s22 =	simm.s32 $0x3;
	s23 =	simm.s32 $0x4;
	s24 =	simm.s32 $0x0  }
0x8: {  	s6 =	sand.u32 $0x1, s4;
	[smem:$0x7FF] =	sst s3;
	s30 =	sshll.u32 s1, $0xA  }
0x9: {  	s11 =	sadd.s32 $0x20000, s2;
	s5 =	sshll.u32 s6, $0x9;
	_ =	strace $0x80000047  }
0xa: {  	s8 =	ssub.s32 $0x2, s6;
	s6 =	sadd.s32 $0x400, s0;
	s4 =	sor.u32 s5, s30  }
0xb: {  	s5 =	sadd.s32 $0x800, s0;
	s31 =	sshrl.u32 s8, $0x1;
	s7 =	sshrl.u32 s4, $0x3  }
0xc: {  	s0 =	ssub.s32 s8, s31;
	s9 =	sor.u32 $0x8000, s4;
	s7 =	sadd.s32 s5, s7  }
0xd: {  	s10 =	sor.u32 $0xC000, s4;
	s12 =	smax.u32 s0, $0x1;
	s8 =	sadd.s32 $0x800, s7  }
.LBB2_1:
0xe: {  	[tilespmem:s3], [sflag:$0x5] =	stream.linear.gather [hbm4b:s6+s3], $0x1980, $0x38;
	[tilespmem:$0x11D80] =	vst v63  }
0xf: {  	_ =	swait.ge [sflag:s13], $0x1980  }
0x10: {  	[sflag:s13] =	ssyncset.done $0x0  }
0x11: {  	[sflag:s13] =	ssyncadd.s32 $0xFFFFE680  }
0x12: {  	[tilespmem:s14], [sflag:$0x1] =	stream.linear.gather [hbm4b:s7+s3], $0x200, $0x38;
	[tilespmem:$0x11D80] =	vst v63  }
0x13: {  	s25 =	simm.s32 $0x0  }
0x14: {  	[tilespmem:s15], [sflag:$0x2] =	stream.linear.gather [hbm4b:s8+s3], $0x200, $0x38;
	[tilespmem:$0x11D80] =	vst v63  }
.LBB2_2:
0x15: {  	_ =	swait.ge [sflag:s16], $0x200  }
0x16: {  	p0 =	seq.s32 s25, $0x0;
	[sflag:s16] =	ssyncset.done $0x0  }
0x17: {  	s0 =	simm.s32 @!p0 $0x3;
	[sflag:s16] =	ssyncadd.s32 $0xFFFFFE00  }
0x18: {  	_ =	swait.ge @!p0 [sflag:s0], $0x8000  }
0x19: {  	s28 =	sshll.u32 s25, $0x12;
	s26 =	simm.s32 $0x0;
	[sflag:s0] =	ssyncset.done @!p0 $0x0  }
0x1a: {  	s29 =	simm.s32 $0x1980;
	s30 =	simm.s32 $0x0;
	[sflag:s0] =	ssyncadd.s32 @!p0 $0xFFFF8000  }
.LBB2_3:
0x1b: {  	v0 =	vld [tilespmem:s29+$0x0];
	_ =	sdelay $0x4  }
0x1c: {  	v1 =	vadd.s32 $0x66, v0  }
0x1d: {  	v2 =	vadd.s32 $0xCC, v0  }
0x1e: {  	v3 =	vadd.s32 $0x132, v0  }
0x1f: {  	v4 =	vadd.s32 $0x198, v0  }
0x20: {  	v6 =	vadd.s32 $0x1FE, v0;
	v5 =	vld.idx.msk [tilespmem:v0+s3+$0x0], $0xffff  }
0x21: {  	v7 =	vadd.s32 $0x264, v0;
	v1 =	vld.idx.msk [tilespmem:v1+s3+$0x0], $0xffff  }
0x22: {  	v8 =	vadd.s32 $0x2CA, v0;
	v2 =	vld.idx.msk [tilespmem:v2+s3+$0x0], $0xffff  }
0x23: {  	v3 =	vld.idx.msk [tilespmem:v3+s3+$0x0], $0xffff  }
0x24: {  	v4 =	vld.idx.msk [tilespmem:v4+s3+$0x0], $0xffff  }
0x25: {  	s0 =	sand.u32 $0x70, s30;
	s31 =	sand.u32 $0xC00, s26;
	v6 =	vld.idx.msk [tilespmem:v6+s3+$0x0], $0xffff  }
0x26: {  	s31 =	sor.u32 s0, s31;
	v7 =	vld.idx.msk [tilespmem:v7+s3+$0x0], $0xffff  }
0x27: {  	v8 =	vld.idx.msk [tilespmem:v8+s3+$0x0], $0xffff;
	[tilespmem:s31+$0x1D80] =	vst v5  }
0x28: {  	[tilespmem:s31+$0x1E00] =	vst v1  }
0x29: {  	[tilespmem:s31+$0x1E80] =	vst v2  }
0x2a: {  	v9 =	vadd.s32 $0x330, v0;
	[tilespmem:s31+$0x1F00] =	vst v3  }
0x2b: {  	v10 =	vadd.s32 $0x396, v0;
	[tilespmem:s31+$0x1F80] =	vst v4  }
0x2c: {  	s1 =	sor.u32 s26, s30;
	v11 =	vadd.s32 $0x3FC, v0;
	[tilespmem:s31+$0x2000] =	vst v6  }
0x2d: {  	s0 =	sor.u32 $0x380, s1;
	v12 =	vadd.s32 $0x462, v0;
	[tilespmem:s31+$0x2080] =	vst v7  }
0x2e: {  	v13 =	vadd.s32 $0x4C8, v0;
	[tilespmem:s0+$0x1D80] =	vst v8  }
0x2f: {  	v14 =	vadd.s32 $0x52E, v0;
	v1 =	vld.idx.msk [tilespmem:v9+s3+$0x0], $0xffff  }
0x30: {  	v15 =	vadd.s32 $0x594, v0;
	v2 =	vld.idx.msk [tilespmem:v10+s3+$0x0], $0xffff  }
0x31: {  	v16 =	vadd.s32 $0x5FA, v0;
	v3 =	vld.idx.msk [tilespmem:v11+s3+$0x0], $0xffff  }
0x32: {  	v4 =	vld.idx.msk [tilespmem:v12+s3+$0x0], $0xffff  }
0x33: {  	v5 =	vld.idx.msk [tilespmem:v13+s3+$0x0], $0xffff  }
0x34: {  	v6 =	vld.idx.msk [tilespmem:v14+s3+$0x0], $0xffff  }
0x35: {  	v7 =	vld.idx.msk [tilespmem:v15+s3+$0x0], $0xffff  }
0x36: {  	v8 =	vld.idx.msk [tilespmem:v16+s3+$0x0], $0xffff;
	[tilespmem:s31+$0x2D80] =	vst v1  }
0x37: {  	[tilespmem:s31+$0x2E00] =	vst v2  }
0x38: {  	[tilespmem:s31+$0x2E80] =	vst v3  }
0x39: {  	v17 =	vadd.s32 $0x660, v0;
	[tilespmem:s31+$0x2F00] =	vst v4  }
0x3a: {  	v18 =	vadd.s32 $0x6C6, v0;
	[tilespmem:s31+$0x2F80] =	vst v5  }
0x3b: {  	v19 =	vadd.s32 $0x72C, v0;
	[tilespmem:s31+$0x3000] =	vst v6  }
0x3c: {  	v20 =	vadd.s32 $0x792, v0;
	[tilespmem:s31+$0x3080] =	vst v7  }
0x3d: {  	v21 =	vadd.s32 $0x7F8, v0;
	[tilespmem:s31+$0x3100] =	vst v8  }
0x3e: {  	v22 =	vadd.s32 $0x85E, v0;
	v1 =	vld.idx.msk [tilespmem:v17+s3+$0x0], $0xffff  }
0x3f: {  	v23 =	vadd.s32 $0x8C4, v0;
	v2 =	vld.idx.msk [tilespmem:v18+s3+$0x0], $0xffff  }
0x40: {  	v24 =	vadd.s32 $0x92A, v0;
	v3 =	vld.idx.msk [tilespmem:v19+s3+$0x0], $0xffff  }
0x41: {  	v4 =	vld.idx.msk [tilespmem:v20+s3+$0x0], $0xffff  }
0x42: {  	v5 =	vld.idx.msk [tilespmem:v21+s3+$0x0], $0xffff  }
0x43: {  	v6 =	vld.idx.msk [tilespmem:v22+s3+$0x0], $0xffff  }
0x44: {  	v7 =	vld.idx.msk [tilespmem:v23+s3+$0x0], $0xffff  }
0x45: {  	v8 =	vld.idx.msk [tilespmem:v24+s3+$0x0], $0xffff;
	[tilespmem:s31+$0x3D80] =	vst v1  }
0x46: {  	[tilespmem:s31+$0x3E00] =	vst v2  }
0x47: {  	[tilespmem:s31+$0x3E80] =	vst v3  }
0x48: {  	v25 =	vadd.s32 $0x990, v0;
	[tilespmem:s31+$0x3F00] =	vst v4  }
0x49: {  	v26 =	vadd.s32 $0x9F6, v0;
	[tilespmem:s31+$0x3F80] =	vst v5  }
0x4a: {  	v27 =	vadd.s32 $0xA5C, v0;
	[tilespmem:s31+$0x4000] =	vst v6  }
0x4b: {  	v28 =	vadd.s32 $0xAC2, v0;
	[tilespmem:s31+$0x4080] =	vst v7  }
0x4c: {  	v29 =	vadd.s32 $0xB28, v0;
	[tilespmem:s31+$0x4100] =	vst v8  }
0x4d: {  	v30 =	vadd.s32 $0xB8E, v0;
	v1 =	vld.idx.msk [tilespmem:v25+s3+$0x0], $0xffff  }
0x4e: {  	v31 =	vadd.s32 $0xBF4, v0;
	v2 =	vld.idx.msk [tilespmem:v26+s3+$0x0], $0xffff  }
0x4f: {  	v32 =	vadd.s32 $0xC5A, v0;
	v3 =	vld.idx.msk [tilespmem:v27+s3+$0x0], $0xffff  }
0x50: {  	v4 =	vld.idx.msk [tilespmem:v28+s3+$0x0], $0xffff  }
0x51: {  	v5 =	vld.idx.msk [tilespmem:v29+s3+$0x0], $0xffff  }
0x52: {  	v6 =	vld.idx.msk [tilespmem:v30+s3+$0x0], $0xffff  }
0x53: {  	v7 =	vld.idx.msk [tilespmem:v31+s3+$0x0], $0xffff  }
0x54: {  	v8 =	vld.idx.msk [tilespmem:v32+s3+$0x0], $0xffff;
	[tilespmem:s31+$0x4D80] =	vst v1  }
0x55: {  	[tilespmem:s31+$0x4E00] =	vst v2  }
0x56: {  	[tilespmem:s31+$0x4E80] =	vst v3  }
0x57: {  	v33 =	vadd.s32 $0xCC0, v0;
	[tilespmem:s31+$0x4F00] =	vst v4  }
0x58: {  	v34 =	vadd.s32 $0xD26, v0;
	[tilespmem:s31+$0x4F80] =	vst v5  }
0x59: {  	v35 =	vadd.s32 $0xD8C, v0;
	[tilespmem:s31+$0x5000] =	vst v6  }
0x5a: {  	v36 =	vadd.s32 $0xDF2, v0;
	[tilespmem:s31+$0x5080] =	vst v7  }
0x5b: {  	v37 =	vadd.s32 $0xE58, v0;
	[tilespmem:s31+$0x5100] =	vst v8  }
0x5c: {  	v38 =	vadd.s32 $0xEBE, v0;
	v1 =	vld.idx.msk [tilespmem:v33+s3+$0x0], $0xffff  }
0x5d: {  	v39 =	vadd.s32 $0xF24, v0;
	v2 =	vld.idx.msk [tilespmem:v34+s3+$0x0], $0xffff  }
0x5e: {  	v40 =	vadd.s32 $0xF8A, v0;
	v3 =	vld.idx.msk [tilespmem:v35+s3+$0x0], $0xffff  }
0x5f: {  	v4 =	vld.idx.msk [tilespmem:v36+s3+$0x0], $0xffff  }
0x60: {  	v5 =	vld.idx.msk [tilespmem:v37+s3+$0x0], $0xffff  }
0x61: {  	v6 =	vld.idx.msk [tilespmem:v38+s3+$0x0], $0xffff  }
0x62: {  	v7 =	vld.idx.msk [tilespmem:v39+s3+$0x0], $0xffff  }
0x63: {  	v8 =	vld.idx.msk [tilespmem:v40+s3+$0x0], $0xffff;
	[tilespmem:s31+$0x5D80] =	vst v1  }
0x64: {  	[tilespmem:s31+$0x5E00] =	vst v2  }
0x65: {  	[tilespmem:s31+$0x5E80] =	vst v3  }
0x66: {  	v41 =	vadd.s32 $0xFF0, v0;
	[tilespmem:s31+$0x5F00] =	vst v4  }
0x67: {  	v42 =	vadd.s32 $0x1056, v0;
	[tilespmem:s31+$0x5F80] =	vst v5  }
0x68: {  	v43 =	vadd.s32 $0x10BC, v0;
	[tilespmem:s31+$0x6000] =	vst v6  }
0x69: {  	v44 =	vadd.s32 $0x1122, v0;
	[tilespmem:s31+$0x6080] =	vst v7  }
0x6a: {  	v45 =	vadd.s32 $0x1188, v0;
	[tilespmem:s31+$0x6100] =	vst v8  }
0x6b: {  	v46 =	vadd.s32 $0x11EE, v0;
	v1 =	vld.idx.msk [tilespmem:v41+s3+$0x0], $0xffff  }
0x6c: {  	v47 =	vadd.s32 $0x1254, v0;
	v2 =	vld.idx.msk [tilespmem:v42+s3+$0x0], $0xffff  }
0x6d: {  	v48 =	vadd.s32 $0x12BA, v0;
	v3 =	vld.idx.msk [tilespmem:v43+s3+$0x0], $0xffff  }
0x6e: {  	v4 =	vld.idx.msk [tilespmem:v44+s3+$0x0], $0xffff  }
0x6f: {  	v5 =	vld.idx.msk [tilespmem:v45+s3+$0x0], $0xffff  }
0x70: {  	v6 =	vld.idx.msk [tilespmem:v46+s3+$0x0], $0xffff  }
0x71: {  	v7 =	vld.idx.msk [tilespmem:v47+s3+$0x0], $0xffff  }
0x72: {  	v8 =	vld.idx.msk [tilespmem:v48+s3+$0x0], $0xffff;
	[tilespmem:s31+$0x6D80] =	vst v1  }
0x73: {  	[tilespmem:s31+$0x6E00] =	vst v2  }
0x74: {  	[tilespmem:s31+$0x6E80] =	vst v3  }
0x75: {  	v49 =	vadd.s32 $0x1320, v0;
	[tilespmem:s31+$0x6F00] =	vst v4  }
0x76: {  	v50 =	vadd.s32 $0x1386, v0;
	[tilespmem:s31+$0x6F80] =	vst v5  }
0x77: {  	v51 =	vadd.s32 $0x13EC, v0;
	[tilespmem:s31+$0x7000] =	vst v6  }
0x78: {  	v52 =	vadd.s32 $0x1452, v0;
	[tilespmem:s31+$0x7080] =	vst v7  }
0x79: {  	v53 =	vadd.s32 $0x14B8, v0;
	[tilespmem:s31+$0x7100] =	vst v8  }
0x7a: {  	v54 =	vadd.s32 $0x151E, v0;
	v1 =	vld.idx.msk [tilespmem:v49+s3+$0x0], $0xffff  }
0x7b: {  	v55 =	vadd.s32 $0x1584, v0;
	v2 =	vld.idx.msk [tilespmem:v50+s3+$0x0], $0xffff  }
0x7c: {  	v56 =	vadd.s32 $0x15EA, v0;
	v3 =	vld.idx.msk [tilespmem:v51+s3+$0x0], $0xffff  }
0x7d: {  	v4 =	vld.idx.msk [tilespmem:v52+s3+$0x0], $0xffff  }
0x7e: {  	v5 =	vld.idx.msk [tilespmem:v53+s3+$0x0], $0xffff  }
0x7f: {  	v6 =	vld.idx.msk [tilespmem:v54+s3+$0x0], $0xffff  }
0x80: {  	v7 =	vld.idx.msk [tilespmem:v55+s3+$0x0], $0xffff  }
0x81: {  	v8 =	vld.idx.msk [tilespmem:v56+s3+$0x0], $0xffff;
	[tilespmem:s31+$0x7D80] =	vst v1  }
0x82: {  	[tilespmem:s31+$0x7E00] =	vst v2  }
0x83: {  	[tilespmem:s31+$0x7E80] =	vst v3  }
0x84: {  	v57 =	vadd.s32 $0x1650, v0;
	[tilespmem:s31+$0x7F00] =	vst v4  }
0x85: {  	v58 =	vadd.s32 $0x16B6, v0;
	[tilespmem:s31+$0x7F80] =	vst v5  }
0x86: {  	v59 =	vadd.s32 $0x171C, v0;
	[tilespmem:s31+$0x8000] =	vst v6  }
0x87: {  	v60 =	vadd.s32 $0x1782, v0;
	[tilespmem:s31+$0x8080] =	vst v7  }
0x88: {  	v61 =	vadd.s32 $0x17E8, v0;
	[tilespmem:s31+$0x8100] =	vst v8  }
0x89: {  	v62 =	vadd.s32 $0x184E, v0;
	v1 =	vld.idx.msk [tilespmem:v57+s3+$0x0], $0xffff  }
0x8a: {  	v63 =	vadd.s32 $0x18B4, v0;
	v2 =	vld.idx.msk [tilespmem:v58+s3+$0x0], $0xffff  }
0x8b: {  	v0 =	vadd.s32 $0x191A, v0;
	v3 =	vld.idx.msk [tilespmem:v59+s3+$0x0], $0xffff  }
0x8c: {  	v4 =	vld.idx.msk [tilespmem:v60+s3+$0x0], $0xffff  }
0x8d: {  	v5 =	vld.idx.msk [tilespmem:v61+s3+$0x0], $0xffff  }
0x8e: {  	v6 =	vld.idx.msk [tilespmem:v62+s3+$0x0], $0xffff  }
0x8f: {  	v7 =	vld.idx.msk [tilespmem:v63+s3+$0x0], $0xffff  }
0x90: {  	v0 =	vld.idx.msk [tilespmem:v0+s3+$0x0], $0xffff;
	[tilespmem:s31+$0x8D80] =	vst v1  }
0x91: {  	[tilespmem:s31+$0x8E00] =	vst v2  }
0x92: {  	p1 =	sne.s32 s30, $0x1F0;
	[tilespmem:s31+$0x8E80] =	vst v3  }
.Ltmp0:
0x93: {  	[tilespmem:s31+$0x8F00] =	vst v4;
	(pc) =	sbr.rel @p1 .LBB2_3-.Ltmp0, $4  }
0x94: {  	[tilespmem:s31+$0x8F80] =	vst v5  }
0x95: {  	[tilespmem:s31+$0x9000] =	vst v6  }
0x96: {  	[tilespmem:s31+$0x9080] =	vst v7  }
0x97: {  	s26 =	sadd.s32 $0x80, s26;
	s29 =	sadd.s32 $0x10, s29;
	s30 =	sadd.s32 $0x10, s30;
	[tilespmem:s31+$0x9100] =	vst v0  }
0x98: {  	p1 =	seq.s32 s25, $0x63  }
0x99: {  	s26 =	sshll.u32 @!p1 s25, $0xF  }
0x9a: {  	s0 =	sadd.s32 @!p1 s9, s26  }
0x9b: {  	s28 =	sor.u32 s4, s28;
	s0 =	sshrl.u32 @!p1 s0, $0x3  }
0x9c: {  	s29 =	simm.s32 @!p1 $0x0;
	s30 =	simm.s32 @!p1 $0x1980;
	s0 =	sadd.s32 @!p1 s5, s0  }
0x9d: {  	[tilespmem:s30], [sflag:$0x1] =	stream.linear.gather @!p1 [hbm4b:s0+s29], $0x200, $0x38;
	[tilespmem:$0x11D80] =	vst v63  }
0x9e: {  	s1 =	sadd.s32 s2, s28  }
0x9f: {  	[hbm4b:s1+s17] =	stream.strided.scatter [tilespmem:s19], [sflag:$0x3], $0x8000, s18, s17, $0x38;
	[tilespmem:$0x11D80] =	vst v63  }
0xa0: {  	_ =	swait.ge [sflag:s20], $0x200  }
0xa1: {  	[sflag:s20] =	ssyncset.done $0x0  }
0xa2: {  	s0 =	simm.s32 @!p0 $0x4;
	[sflag:s20] =	ssyncadd.s32 $0xFFFFFE00  }
0xa3: {  	_ =	swait.ge @!p0 [sflag:s0], $0x8000  }
0xa4: {  	s31 =	simm.s32 $0x0;
	[sflag:s0] =	ssyncset.done @!p0 $0x0  }
0xa5: {  	s29 =	simm.s32 $0x0;
	s30 =	simm.s32 $0x1B80;
	[sflag:s0] =	ssyncadd.s32 @!p0 $0xFFFF8000  }
.LBB2_5:
0xa6: {  	v0 =	vld [tilespmem:s30+$0x0];
	_ =	sdelay $0x4  }
0xa7: {  	v1 =	vadd.s32 $0x66, v0  }
0xa8: {  	v2 =	vadd.s32 $0xCC, v0  }
0xa9: {  	v3 =	vadd.s32 $0x132, v0  }
0xaa: {  	v4 =	vadd.s32 $0x198, v0  }
0xab: {  	v6 =	vadd.s32 $0x1FE, v0;
	v5 =	vld.idx.msk [tilespmem:v0+s3+$0x0], $0xffff  }
0xac: {  	v7 =	vadd.s32 $0x264, v0;
	v1 =	vld.idx.msk [tilespmem:v1+s3+$0x0], $0xffff  }
0xad: {  	v8 =	vadd.s32 $0x2CA, v0;
	v2 =	vld.idx.msk [tilespmem:v2+s3+$0x0], $0xffff  }
0xae: {  	v3 =	vld.idx.msk [tilespmem:v3+s3+$0x0], $0xffff  }
0xaf: {  	v4 =	vld.idx.msk [tilespmem:v4+s3+$0x0], $0xffff  }
0xb0: {  	s0 =	sand.u32 $0x70, s31;
	s1 =	sand.u32 $0xC00, s29;
	v6 =	vld.idx.msk [tilespmem:v6+s3+$0x0], $0xffff  }
0xb1: {  	s0 =	sor.u32 s0, s1;
	v7 =	vld.idx.msk [tilespmem:v7+s3+$0x0], $0xffff  }
0xb2: {  	v8 =	vld.idx.msk [tilespmem:v8+s3+$0x0], $0xffff;
	[tilespmem:s0+$0x9D80] =	vst v5  }
0xb3: {  	[tilespmem:s0+$0x9E00] =	vst v1  }
0xb4: {  	[tilespmem:s0+$0x9E80] =	vst v2  }
0xb5: {  	v9 =	vadd.s32 $0x330, v0;
	[tilespmem:s0+$0x9F00] =	vst v3  }
0xb6: {  	v10 =	vadd.s32 $0x396, v0;
	[tilespmem:s0+$0x9F80] =	vst v4  }
0xb7: {  	s1 =	sor.u32 s29, s31;
	v11 =	vadd.s32 $0x3FC, v0;
	[tilespmem:s0+$0xA000] =	vst v6  }
0xb8: {  	s1 =	sor.u32 $0x380, s1;
	v12 =	vadd.s32 $0x462, v0;
	[tilespmem:s0+$0xA080] =	vst v7  }
0xb9: {  	v13 =	vadd.s32 $0x4C8, v0;
	[tilespmem:s1+$0x9D80] =	vst v8  }
0xba: {  	v14 =	vadd.s32 $0x52E, v0;
	v1 =	vld.idx.msk [tilespmem:v9+s3+$0x0], $0xffff  }
0xbb: {  	v15 =	vadd.s32 $0x594, v0;
	v2 =	vld.idx.msk [tilespmem:v10+s3+$0x0], $0xffff  }
0xbc: {  	v16 =	vadd.s32 $0x5FA, v0;
	v3 =	vld.idx.msk [tilespmem:v11+s3+$0x0], $0xffff  }
0xbd: {  	v4 =	vld.idx.msk [tilespmem:v12+s3+$0x0], $0xffff  }
0xbe: {  	v5 =	vld.idx.msk [tilespmem:v13+s3+$0x0], $0xffff  }
0xbf: {  	v6 =	vld.idx.msk [tilespmem:v14+s3+$0x0], $0xffff  }
0xc0: {  	v7 =	vld.idx.msk [tilespmem:v15+s3+$0x0], $0xffff  }
0xc1: {  	v8 =	vld.idx.msk [tilespmem:v16+s3+$0x0], $0xffff;
	[tilespmem:s0+$0xAD80] =	vst v1  }
0xc2: {  	[tilespmem:s0+$0xAE00] =	vst v2  }
0xc3: {  	[tilespmem:s0+$0xAE80] =	vst v3  }
0xc4: {  	v17 =	vadd.s32 $0x660, v0;
	[tilespmem:s0+$0xAF00] =	vst v4  }
0xc5: {  	v18 =	vadd.s32 $0x6C6, v0;
	[tilespmem:s0+$0xAF80] =	vst v5  }
0xc6: {  	v19 =	vadd.s32 $0x72C, v0;
	[tilespmem:s0+$0xB000] =	vst v6  }
0xc7: {  	v20 =	vadd.s32 $0x792, v0;
	[tilespmem:s0+$0xB080] =	vst v7  }
0xc8: {  	v21 =	vadd.s32 $0x7F8, v0;
	[tilespmem:s0+$0xB100] =	vst v8  }
0xc9: {  	v22 =	vadd.s32 $0x85E, v0;
	v1 =	vld.idx.msk [tilespmem:v17+s3+$0x0], $0xffff  }
0xca: {  	v23 =	vadd.s32 $0x8C4, v0;
	v2 =	vld.idx.msk [tilespmem:v18+s3+$0x0], $0xffff  }
0xcb: {  	v24 =	vadd.s32 $0x92A, v0;
	v3 =	vld.idx.msk [tilespmem:v19+s3+$0x0], $0xffff  }
0xcc: {  	v4 =	vld.idx.msk [tilespmem:v20+s3+$0x0], $0xffff  }
0xcd: {  	v5 =	vld.idx.msk [tilespmem:v21+s3+$0x0], $0xffff  }
0xce: {  	v6 =	vld.idx.msk [tilespmem:v22+s3+$0x0], $0xffff  }
0xcf: {  	v7 =	vld.idx.msk [tilespmem:v23+s3+$0x0], $0xffff  }
0xd0: {  	v8 =	vld.idx.msk [tilespmem:v24+s3+$0x0], $0xffff;
	[tilespmem:s0+$0xBD80] =	vst v1  }
0xd1: {  	[tilespmem:s0+$0xBE00] =	vst v2  }
0xd2: {  	[tilespmem:s0+$0xBE80] =	vst v3  }
0xd3: {  	v25 =	vadd.s32 $0x990, v0;
	[tilespmem:s0+$0xBF00] =	vst v4  }
0xd4: {  	v26 =	vadd.s32 $0x9F6, v0;
	[tilespmem:s0+$0xBF80] =	vst v5  }
0xd5: {  	v27 =	vadd.s32 $0xA5C, v0;
	[tilespmem:s0+$0xC000] =	vst v6  }
0xd6: {  	v28 =	vadd.s32 $0xAC2, v0;
	[tilespmem:s0+$0xC080] =	vst v7  }
0xd7: {  	v29 =	vadd.s32 $0xB28, v0;
	[tilespmem:s0+$0xC100] =	vst v8  }
0xd8: {  	v30 =	vadd.s32 $0xB8E, v0;
	v1 =	vld.idx.msk [tilespmem:v25+s3+$0x0], $0xffff  }
0xd9: {  	v31 =	vadd.s32 $0xBF4, v0;
	v2 =	vld.idx.msk [tilespmem:v26+s3+$0x0], $0xffff  }
0xda: {  	v32 =	vadd.s32 $0xC5A, v0;
	v3 =	vld.idx.msk [tilespmem:v27+s3+$0x0], $0xffff  }
0xdb: {  	v4 =	vld.idx.msk [tilespmem:v28+s3+$0x0], $0xffff  }
0xdc: {  	v5 =	vld.idx.msk [tilespmem:v29+s3+$0x0], $0xffff  }
0xdd: {  	v6 =	vld.idx.msk [tilespmem:v30+s3+$0x0], $0xffff  }
0xde: {  	v7 =	vld.idx.msk [tilespmem:v31+s3+$0x0], $0xffff  }
0xdf: {  	v8 =	vld.idx.msk [tilespmem:v32+s3+$0x0], $0xffff;
	[tilespmem:s0+$0xCD80] =	vst v1  }
0xe0: {  	[tilespmem:s0+$0xCE00] =	vst v2  }
0xe1: {  	[tilespmem:s0+$0xCE80] =	vst v3  }
0xe2: {  	v33 =	vadd.s32 $0xCC0, v0;
	[tilespmem:s0+$0xCF00] =	vst v4  }
0xe3: {  	v34 =	vadd.s32 $0xD26, v0;
	[tilespmem:s0+$0xCF80] =	vst v5  }
0xe4: {  	v35 =	vadd.s32 $0xD8C, v0;
	[tilespmem:s0+$0xD000] =	vst v6  }
0xe5: {  	v36 =	vadd.s32 $0xDF2, v0;
	[tilespmem:s0+$0xD080] =	vst v7  }
0xe6: {  	v37 =	vadd.s32 $0xE58, v0;
	[tilespmem:s0+$0xD100] =	vst v8  }
0xe7: {  	v38 =	vadd.s32 $0xEBE, v0;
	v1 =	vld.idx.msk [tilespmem:v33+s3+$0x0], $0xffff  }
0xe8: {  	v39 =	vadd.s32 $0xF24, v0;
	v2 =	vld.idx.msk [tilespmem:v34+s3+$0x0], $0xffff  }
0xe9: {  	v40 =	vadd.s32 $0xF8A, v0;
	v3 =	vld.idx.msk [tilespmem:v35+s3+$0x0], $0xffff  }
0xea: {  	v4 =	vld.idx.msk [tilespmem:v36+s3+$0x0], $0xffff  }
0xeb: {  	v5 =	vld.idx.msk [tilespmem:v37+s3+$0x0], $0xffff  }
0xec: {  	v6 =	vld.idx.msk [tilespmem:v38+s3+$0x0], $0xffff  }
0xed: {  	v7 =	vld.idx.msk [tilespmem:v39+s3+$0x0], $0xffff  }
0xee: {  	v8 =	vld.idx.msk [tilespmem:v40+s3+$0x0], $0xffff;
	[tilespmem:s0+$0xDD80] =	vst v1  }
0xef: {  	[tilespmem:s0+$0xDE00] =	vst v2  }
0xf0: {  	[tilespmem:s0+$0xDE80] =	vst v3  }
0xf1: {  	v41 =	vadd.s32 $0xFF0, v0;
	[tilespmem:s0+$0xDF00] =	vst v4  }
0xf2: {  	v42 =	vadd.s32 $0x1056, v0;
	[tilespmem:s0+$0xDF80] =	vst v5  }
0xf3: {  	v43 =	vadd.s32 $0x10BC, v0;
	[tilespmem:s0+$0xE000] =	vst v6  }
0xf4: {  	v44 =	vadd.s32 $0x1122, v0;
	[tilespmem:s0+$0xE080] =	vst v7  }
0xf5: {  	v45 =	vadd.s32 $0x1188, v0;
	[tilespmem:s0+$0xE100] =	vst v8  }
0xf6: {  	v46 =	vadd.s32 $0x11EE, v0;
	v1 =	vld.idx.msk [tilespmem:v41+s3+$0x0], $0xffff  }
0xf7: {  	v47 =	vadd.s32 $0x1254, v0;
	v2 =	vld.idx.msk [tilespmem:v42+s3+$0x0], $0xffff  }
0xf8: {  	v48 =	vadd.s32 $0x12BA, v0;
	v3 =	vld.idx.msk [tilespmem:v43+s3+$0x0], $0xffff  }
0xf9: {  	v4 =	vld.idx.msk [tilespmem:v44+s3+$0x0], $0xffff  }
0xfa: {  	v5 =	vld.idx.msk [tilespmem:v45+s3+$0x0], $0xffff  }
0xfb: {  	v6 =	vld.idx.msk [tilespmem:v46+s3+$0x0], $0xffff  }
0xfc: {  	v7 =	vld.idx.msk [tilespmem:v47+s3+$0x0], $0xffff  }
0xfd: {  	v8 =	vld.idx.msk [tilespmem:v48+s3+$0x0], $0xffff;
	[tilespmem:s0+$0xED80] =	vst v1  }
0xfe: {  	[tilespmem:s0+$0xEE00] =	vst v2  }
0xff: {  	[tilespmem:s0+$0xEE80] =	vst v3  }
0x100: {  	v49 =	vadd.s32 $0x1320, v0;
	[tilespmem:s0+$0xEF00] =	vst v4  }
0x101: {  	v50 =	vadd.s32 $0x1386, v0;
	[tilespmem:s0+$0xEF80] =	vst v5  }
0x102: {  	v51 =	vadd.s32 $0x13EC, v0;
	[tilespmem:s0+$0xF000] =	vst v6  }
0x103: {  	v52 =	vadd.s32 $0x1452, v0;
	[tilespmem:s0+$0xF080] =	vst v7  }
0x104: {  	v53 =	vadd.s32 $0x14B8, v0;
	[tilespmem:s0+$0xF100] =	vst v8  }
0x105: {  	v54 =	vadd.s32 $0x151E, v0;
	v1 =	vld.idx.msk [tilespmem:v49+s3+$0x0], $0xffff  }
0x106: {  	v55 =	vadd.s32 $0x1584, v0;
	v2 =	vld.idx.msk [tilespmem:v50+s3+$0x0], $0xffff  }
0x107: {  	v56 =	vadd.s32 $0x15EA, v0;
	v3 =	vld.idx.msk [tilespmem:v51+s3+$0x0], $0xffff  }
0x108: {  	v4 =	vld.idx.msk [tilespmem:v52+s3+$0x0], $0xffff  }
0x109: {  	v5 =	vld.idx.msk [tilespmem:v53+s3+$0x0], $0xffff  }
0x10a: {  	v6 =	vld.idx.msk [tilespmem:v54+s3+$0x0], $0xffff  }
0x10b: {  	v7 =	vld.idx.msk [tilespmem:v55+s3+$0x0], $0xffff  }
0x10c: {  	v8 =	vld.idx.msk [tilespmem:v56+s3+$0x0], $0xffff;
	[tilespmem:s0+$0xFD80] =	vst v1  }
0x10d: {  	[tilespmem:s0+$0xFE00] =	vst v2  }
0x10e: {  	[tilespmem:s0+$0xFE80] =	vst v3  }
0x10f: {  	v57 =	vadd.s32 $0x1650, v0;
	[tilespmem:s0+$0xFF00] =	vst v4  }
0x110: {  	v58 =	vadd.s32 $0x16B6, v0;
	[tilespmem:s0+$0xFF80] =	vst v5  }
0x111: {  	v59 =	vadd.s32 $0x171C, v0;
	[tilespmem:s0+$0x10000] =	vst v6  }
0x112: {  	v60 =	vadd.s32 $0x1782, v0;
	[tilespmem:s0+$0x10080] =	vst v7  }
0x113: {  	v61 =	vadd.s32 $0x17E8, v0;
	[tilespmem:s0+$0x10100] =	vst v8  }
0x114: {  	v62 =	vadd.s32 $0x184E, v0;
	v1 =	vld.idx.msk [tilespmem:v57+s3+$0x0], $0xffff  }
0x115: {  	v63 =	vadd.s32 $0x18B4, v0;
	v2 =	vld.idx.msk [tilespmem:v58+s3+$0x0], $0xffff  }
0x116: {  	v0 =	vadd.s32 $0x191A, v0;
	v3 =	vld.idx.msk [tilespmem:v59+s3+$0x0], $0xffff  }
0x117: {  	v4 =	vld.idx.msk [tilespmem:v60+s3+$0x0], $0xffff  }
0x118: {  	v5 =	vld.idx.msk [tilespmem:v61+s3+$0x0], $0xffff  }
0x119: {  	v6 =	vld.idx.msk [tilespmem:v62+s3+$0x0], $0xffff  }
0x11a: {  	v7 =	vld.idx.msk [tilespmem:v63+s3+$0x0], $0xffff  }
0x11b: {  	v0 =	vld.idx.msk [tilespmem:v0+s3+$0x0], $0xffff;
	[tilespmem:s0+$0x10D80] =	vst v1  }
0x11c: {  	[tilespmem:s0+$0x10E00] =	vst v2  }
0x11d: {  	p0 =	sne.s32 s31, $0x1F0;
	[tilespmem:s0+$0x10E80] =	vst v3  }
.Ltmp1:
0x11e: {  	[tilespmem:s0+$0x10F00] =	vst v4;
	(pc) =	sbr.rel @p0 .LBB2_5-.Ltmp1, $4  }
0x11f: {  	[tilespmem:s0+$0x10F80] =	vst v5  }
0x120: {  	[tilespmem:s0+$0x11000] =	vst v6  }
0x121: {  	[tilespmem:s0+$0x11080] =	vst v7  }
0x122: {  	s30 =	sadd.s32 $0x10, s30;
	s29 =	sadd.s32 $0x80, s29;
	s31 =	sadd.s32 $0x10, s31;
	[tilespmem:s0+$0x11100] =	vst v0  }
0x123: {  	s25 =	sadd.s32 $0x1, s25  }
0x124: {  	s0 =	sadd.s32 @!p1 s10, s26;
	p0 =	sne.s32 s25, $0x64  }
.Ltmp2:
0x125: {  	s0 =	sshrl.u32 @!p1 s0, $0x3;
	(pc) =	sbr.rel @p0 .LBB2_2-.Ltmp2, $4  }
0x126: {  	s1 =	simm.s32 @!p1 $0x0;
	s26 =	simm.s32 @!p1 $0x1B80;
	s0 =	sadd.s32 @!p1 s5, s0  }
0x127: {  	[tilespmem:s26], [sflag:$0x2] =	stream.linear.gather @!p1 [hbm4b:s0+s1], $0x200, $0x38;
	[tilespmem:$0x11D80] =	vst v63  }
0x128: {  	s31 =	sadd.s32 s28, s11  }
0x129: {  	[hbm4b:s31+s17] =	stream.strided.scatter [tilespmem:s21], [sflag:$0x4], $0x8000, s18, s17, $0x38;
	[tilespmem:$0x11D80] =	vst v63  }
0x12a: {  	s24 =	sadd.s32 $0x1, s24  }
0x12b: {  	_ =	swait.ge [sflag:s22], $0x8000;
	p0 =	sne.s32 s24, s12  }
.Ltmp3:
0x12c: {  	[sflag:s22] =	ssyncset.done $0x0;
	(pc) =	sbr.rel @p0 .LBB2_1-.Ltmp3, $4  }
0x12d: {  	[sflag:s22] =	ssyncadd.s32 $0xFFFF8000  }
0x12e: {  	_ =	swait.ge [sflag:s23], $0x8000  }
0x12f: {  	[sflag:s23] =	ssyncset.done $0x0  }
0x130: {  	[sflag:s23] =	ssyncadd.s32 $0xFFFF8000  }
0x131: {  	_ =	sfence.sel $0x180000  }
0x132: {  	[bflag:$0x0] =	sbarrier.arrive $0xFFFF  }
0x133: {  	_ =	strace $0x90000047  }
0x134: {  	s0 =	stileid.u32;
	[bflag:$0x2] =	sbarrier.arrive $0xFFFF  }
0x135: {  	p0 =	sne.s32 s0, $0x0;
	s0 =	rddreg [dreg:$0x2]  }
0x136: {  	s0 =	sadd.s32 @!p0 $0x100000, s0  }
0x137: {  	[sflag:s0] =	ssyncadd.tile.s32 @!p0 $0x1;
	_ =	shalt  }
.Lfunc_end2:
_tile_overlayer_lowered:
.L_overlay_start_2:
0x138: {  	(tag) =	ssettag $0x2  }
0x139: {  	s0 =	rddreg [dreg:$0x0];
	s2 =	stileid.u32  }
0x13a: {  	s1 =	rddreg [dreg:$0x1];
	p0 =	sne.s32 s2, $0x0  }
0x13b: {  	s3 =	rddreg [dreg:$0x2];
	[bflag:$0x3] =	sbarrier.arrive $0xFFFF;
	s2 =	simm.s32 @!p0 $0x1C05  }
0x13c: {  	[timem:s3], [sflag:s2] =	dma.local @!p0 [hbm:s0], s1  }
0x13d: {  	s0 =	simm.s32 @!p0 $0x5  }
0x13e: {  	_ =	swait.ge @!p0 [sflag:s0], s1  }
0x13f: {  	s1 =	ssub.s32 @!p0 $0x0, s1;
	[sflag:s0] =	ssyncset.done @!p0 $0x0  }
0x140: {  	[sflag:s0] =	ssyncadd.s32 @!p0 s1  }
0x141: {  	[bflag:$0x3] =	sbarrier.arrive $0xFFFF  }
0x142: {  	_ =	shalt  }

</sc_bundles>
